<compile_context>
chip_gen: v7x
topology: tpu7x:2x2x1
jax: 0.10.2.dev20260603
libtpu: 0.0.44.dev20260713+nightly
codegen_flags: <defaults>
</compile_context>

<pallas_src>
import functools

import jax
import jax.numpy as jnp
import numpy as np
from jax import lax
from jax.experimental import pallas as pl
from jax.experimental.pallas import tpu as pltpu
from jax.experimental.pallas import tpu_sc as plsc

_THRESHOLD = 0.01
_HALF_W = 960.0
_HALF_H = 540.0
_NUM_CLIPS = 10
_CLIP_LEN = 100
_V = 17
_C = 3
_ROW = _V * _C

_NUM_SC = 2
_NUM_SUBCORES = 16
_NW = _NUM_SC * _NUM_SUBCORES
_VALID_ROWS = 2 * _NUM_CLIPS * _CLIP_LEN
_MAX_RPW = -(-_VALID_ROWS // _NW)
_BUF_ROWS = 64


def _rotl(x, r):
    return ((x << np.uint32(r)) | (x >> np.uint32(32 - r))).astype(np.uint32)


def _threefry2x32(k1, k2, x0, x1):
    rotations = ((13, 15, 26, 6), (17, 29, 16, 24))
    ks = (np.uint32(k1), np.uint32(k2),
          np.uint32(np.uint32(k1) ^ np.uint32(k2) ^ np.uint32(0x1BD11BDA)))
    x0 = (x0 + ks[0]).astype(np.uint32)
    x1 = (x1 + ks[1]).astype(np.uint32)
    for i in range(5):
        for r in rotations[i % 2]:
            x0 = (x0 + x1).astype(np.uint32)
            x1 = _rotl(x1, r) ^ x0
        x0 = (x0 + ks[(i + 1) % 3]).astype(np.uint32)
        x1 = (x1 + ks[(i + 2) % 3] + np.uint32(i + 1)).astype(np.uint32)
    return x0, x1


@functools.lru_cache(maxsize=None)
def _clip_starts(num_frames):
    c1 = np.zeros(2, np.uint32)
    c2 = np.arange(2, dtype=np.uint32)
    b1, b2 = _threefry2x32(np.uint32(0), np.uint32(1), c1, c2)
    assert 65536 % num_frames == 0
    c1 = np.zeros(_NUM_CLIPS, np.uint32)
    c2 = np.arange(_NUM_CLIPS, dtype=np.uint32)
    o1, o2 = _threefry2x32(b1[1], b2[1], c1, c2)
    return [int(v) for v in (o1 ^ o2) % np.uint32(num_frames)]


def _worker_segments(num_frames):
    starts = _clip_starts(num_frames)
    plans = []
    for w in range(_NW):
        lo = _VALID_ROWS * w // _NW
        hi = _VALID_ROWS * (w + 1) // _NW
        segs = []
        o = lo
        while o < hi:
            blk = o // _CLIP_LEN
            nc, m = blk // 2, blk % 2
            s0 = o % _CLIP_LEN
            n = min(hi, (blk + 1) * _CLIP_LEN) - o
            f0 = (starts[nc] + s0) % num_frames
            n1 = min(n, num_frames - f0)
            segs.append((m * num_frames + f0, o - lo, n1))
            if n1 < n:
                segs.append((m * num_frames, o - lo + n1, n - n1))
            o += n
        plans.append((lo, hi - lo, segs))
    return plans


def _sc_body(plans, table, out, buf):
    wid = lax.axis_index("s") * _NUM_SC + lax.axis_index("c")

    for w, (lo, nr, segs) in enumerate(plans):
        @pl.when(wid == w)
        def _(segs=segs):
            for src, dst, n in segs:
                pltpu.sync_copy(table.at[pl.ds(src, n)], buf.at[pl.ds(dst, n)])

    iota = lax.iota(jnp.int32, 16)
    zero = jnp.zeros((16,), jnp.float32)
    for t in range(0):
        trip = iota + (t * 16)
        r = trip // _V
        c0 = (trip - r * _V) * _C
        x = plsc.load_gather(buf, [r, c0])
        y = plsc.load_gather(buf, [r, c0 + 1])
        cf = plsc.load_gather(buf, [r, c0 + 2])
        m = cf <= _THRESHOLD
        plsc.store_scatter(buf, [r, c0], jnp.where(m, zero, (x - _HALF_W) / _HALF_W))
        plsc.store_scatter(buf, [r, c0 + 1], jnp.where(m, zero, (y - _HALF_H) / _HALF_H))

    for w, (lo, nr, segs) in enumerate(plans):
        @pl.when(wid == w)
        def _(lo=lo, nr=nr):
            pltpu.sync_copy(buf.at[pl.ds(0, nr)], out.at[pl.ds(lo, nr)])


def kernel(keypoint):
    num_person, num_frames, v, c = keypoint.shape
    assert (num_person, v, c) == (2, _V, _C)
    table = keypoint.reshape(num_person * num_frames, _ROW)
    plans = _worker_segments(num_frames)

    mesh = plsc.VectorSubcoreMesh(
        core_axis_name="c",
        subcore_axis_name="s",
        num_cores=_NUM_SC,
        num_subcores=_NUM_SUBCORES,
    )
    run = functools.partial(
        pl.kernel,
        mesh=mesh,
        compiler_params=pltpu.CompilerParams(
            use_tc_tiling_on_sc=False, needs_layout_passes=False
        ),
        out_type=jax.ShapeDtypeStruct((_VALID_ROWS, _ROW), jnp.float32),
        scratch_types=[
            pltpu.VMEM((_BUF_ROWS, _ROW), jnp.float32),
        ],
    )(functools.partial(_sc_body, plans))
    out = run(table)
    return out.reshape(1, _NUM_CLIPS, num_person, _CLIP_LEN, _V, _C)

# --- scband reference (transcript-rebuilt; emitter-appended) ---
"""Pipeline reference for scband-custom-transform-31396210933826 (READ-ONLY COPY).

The authoritative reference and input builder live on the scoring server;
editing this copy changes nothing except your own understanding.
"""

import jax, jax.numpy as jnp
import numpy as np

NUM_CLIPS = 10
CLIP_LEN = 100
THRESHOLD = 0.01
W = 1920.0
H = 1080.0
NUM_PERSON = 2
M = 2
NC = 10
SEQ_NUM = 1000 // 10
V = 17
C = 3


def _make_inds(num_frames):
    # deterministic stand-in for torch.randint clip starts
    key = jax.random.key(1)
    starts = jax.random.randint(key, (NUM_CLIPS,), 0, num_frames)
    offsets = jnp.arange(CLIP_LEN)
    inds = (starts[:, None] + offsets[None, :]).reshape(-1)
    inds = inds % num_frames
    # transitional is all-False zeros -> coeff == 0 -> inds unchanged
    inds_int = inds.astype(jnp.int64)
    coeff = jnp.zeros((inds_int.shape[0],), dtype=jnp.int32)
    inds = (coeff * inds_int + (1 - coeff) * inds_int).astype(jnp.float32)
    return inds.astype(jnp.int32)


def setup_inputs(seed: int = 0) -> dict:
    key = jax.random.key(seed)
    keypoint = jax.random.uniform(key, (2, 2048, V, C), dtype=jnp.float32)
    return {"keypoint": keypoint}


def reference(keypoint):
    maskout = keypoint[..., 2] <= THRESHOLD
    x = (keypoint[..., 0] - W / 2) / (W / 2)
    y = (keypoint[..., 1] - H / 2) / (H / 2)
    x = jnp.where(maskout, 0.0, x)
    y = jnp.where(maskout, 0.0, y)
    kp = jnp.stack([x, y, keypoint[..., 2]], axis=-1)
    num_frames = kp.shape[1]
    inds = _make_inds(num_frames)
    kp = jnp.take(kp, inds, axis=1).astype(jnp.float32)
    pad_dim = NUM_PERSON - kp.shape[0]
    pad = jnp.zeros((pad_dim,) + kp.shape[1:], dtype=kp.dtype)
    kp = jnp.concatenate((kp, pad), axis=0)
    kp = kp.reshape(M, NC, SEQ_NUM, V, C)
    kp = jnp.transpose(kp, (1, 0, 2, 3, 4))
    kp = jnp.expand_dims(kp, 0)
    return kp

if __name__ == "__main__":
    import jax
    _d = setup_inputs()
    print(jax.jit(kernel)(*tuple(_d.values())))

</pallas_src>

<mosaic_0001>
#map = affine_map<(d0, d1) -> (0, 0)>
module attributes {stable_mosaic.version = 14 : i64} {
  func.func @_sc_body(%arg0: i32, %arg1: i32, %arg2: memref<4096x51xf32, #tpu.memory_space<hbm>>, %arg3: memref<2000x51xf32, #tpu.memory_space<hbm>>, %arg4: memref<64x51xf32, #tpu.memory_space<vmem>>) attributes {dimension_semantics = [#tpu.dimension_semantics<core_parallel>, #tpu.dimension_semantics<subcore_parallel>], iteration_bounds = array<i64: 2, 16>, scalar_prefetch = 0 : i64, scratch_operands = 1 : i64, tpu.core_type = #tpu.core_type<sc_vector_subcore>, window_params = [{transform_indices = #map}, {transform_indices = #map}]} {
    %mul3A = arith.constant 2 : i32
    %mul3A_0 = arith.muli %arg1, %mul3A : i32
    %add3A = arith.addi %mul3A_0, %arg0 : i32
    %eq3A = arith.constant 0 : i32
    %eq3A_1 = arith.cmpi eq, %add3A, %eq3A : i32
    %convert_element_type3A = arith.extui %eq3A_1 : i1 to i32
    %cond3A = arith.constant 0 : i32
    %cond3A_2 = arith.cmpi ne, %convert_element_type3A, %cond3A : i32
    scf.if %cond3A_2 {
      "tpu.region"() ({
        %run_scoped3A = tpu.sem_alloc : memref<!tpu.dma_semaphore, #tpu.memory_space<semaphore_mem>>
        %dma_start3A = arith.constant 0 : i32
        %dma_start3A_319 = arith.constant 0 : i32
        %dma_start3A_320 = tpu.memref_slice %arg4[%dma_start3A, %dma_start3A_319] : memref<64x51xf32, #tpu.memory_space<vmem>> -> memref<62x51xf32, #tpu.memory_space<vmem>>
        %dma_start3A_321 = arith.constant 1788 : i32
        %dma_start3A_322 = arith.constant 0 : i32
        %dma_start3A_323 = tpu.memref_slice %arg2[%dma_start3A_321, %dma_start3A_322] : memref<4096x51xf32, #tpu.memory_space<hbm>> -> memref<62x51xf32, #tpu.memory_space<hbm>>
        %dma_start3A_324 = arith.constant 0 : i32
        %dma_start3A_325 = arith.constant 0 : i32
        %dma_start3A_326 = tpu.memref_slice %arg4[%dma_start3A_324, %dma_start3A_325] : memref<64x51xf32, #tpu.memory_space<vmem>> -> memref<62x51xf32, #tpu.memory_space<vmem>>
        %dma_start3A_327 = arith.constant 1788 : i32
        %dma_start3A_328 = arith.constant 0 : i32
        %dma_start3A_329 = tpu.memref_slice %arg2[%dma_start3A_327, %dma_start3A_328] : memref<4096x51xf32, #tpu.memory_space<hbm>> -> memref<62x51xf32, #tpu.memory_space<hbm>>
        tpu.enqueue_dma source(%dma_start3A_329 : memref<62x51xf32, #tpu.memory_space<hbm>>) target(%dma_start3A_326 : memref<62x51xf32, #tpu.memory_space<vmem>>) target_semaphore(%run_scoped3A : memref<!tpu.dma_semaphore, #tpu.memory_space<semaphore_mem>>)
        %dma_wait3A = arith.constant 0 : i32
        %dma_wait3A_330 = arith.constant 0 : i32
        %dma_wait3A_331 = tpu.memref_slice %arg4[%dma_wait3A, %dma_wait3A_330] : memref<64x51xf32, #tpu.memory_space<vmem>> -> memref<62x51xf32, #tpu.memory_space<vmem>>
        %dma_wait3A_332 = arith.constant 1788 : i32
        %dma_wait3A_333 = arith.constant 0 : i32
        %dma_wait3A_334 = tpu.memref_slice %arg2[%dma_wait3A_332, %dma_wait3A_333] : memref<4096x51xf32, #tpu.memory_space<hbm>> -> memref<62x51xf32, #tpu.memory_space<hbm>>
        %dma_wait3A_335 = arith.constant 0 : i32
        %dma_wait3A_336 = arith.constant 0 : i32
        %dma_wait3A_337 = tpu.memref_slice %arg4[%dma_wait3A_335, %dma_wait3A_336] : memref<64x51xf32, #tpu.memory_space<vmem>> -> memref<62x51xf32, #tpu.memory_space<vmem>>
        %dma_wait3A_338 = arith.constant 1788 : i32
        %dma_wait3A_339 = arith.constant 0 : i32
        %dma_wait3A_340 = tpu.memref_slice %arg2[%dma_wait3A_338, %dma_wait3A_339] : memref<4096x51xf32, #tpu.memory_space<hbm>> -> memref<62x51xf32, #tpu.memory_space<hbm>>
        tpu.wait_dma2 semaphore(%run_scoped3A : memref<!tpu.dma_semaphore, #tpu.memory_space<semaphore_mem>>) src(%dma_wait3A_340 : memref<62x51xf32, #tpu.memory_space<hbm>>) dst(%dma_wait3A_337 : memref<62x51xf32, #tpu.memory_space<vmem>>)
        tpu.yield
      }) : () -> ()
    } else {
    }
    %eq3A_3 = arith.constant 1 : i32
    %eq3A_4 = arith.cmpi eq, %add3A, %eq3A_3 : i32
    %convert_element_type3A_5 = arith.extui %eq3A_4 : i1 to i32
    %cond3A_6 = arith.constant 0 : i32
    %cond3A_7 = arith.cmpi ne, %convert_element_type3A_5, %cond3A_6 : i32
    scf.if %cond3A_7 {
      "tpu.region"() ({
        %run_scoped3A = tpu.sem_alloc : memref<!tpu.dma_semaphore, #tpu.memory_space<semaphore_mem>>
        %dma_start3A = arith.constant 0 : i32
        %dma_start3A_319 = arith.constant 0 : i32
        %dma_start3A_320 = tpu.memref_slice %arg4[%dma_start3A, %dma_start3A_319] : memref<64x51xf32, #tpu.memory_space<vmem>> -> memref<38x51xf32, #tpu.memory_space<vmem>>
        %dma_start3A_321 = arith.constant 1850 : i32
        %dma_start3A_322 = arith.constant 0 : i32
        %dma_start3A_323 = tpu.memref_slice %arg2[%dma_start3A_321, %dma_start3A_322] : memref<4096x51xf32, #tpu.memory_space<hbm>> -> memref<38x51xf32, #tpu.memory_space<hbm>>
        %dma_start3A_324 = arith.constant 0 : i32
        %dma_start3A_325 = arith.constant 0 : i32
        %dma_start3A_326 = tpu.memref_slice %arg4[%dma_start3A_324, %dma_start3A_325] : memref<64x51xf32, #tpu.memory_space<vmem>> -> memref<38x51xf32, #tpu.memory_space<vmem>>
        %dma_start3A_327 = arith.constant 1850 : i32
        %dma_start3A_328 = arith.constant 0 : i32
        %dma_start3A_329 = tpu.memref_slice %arg2[%dma_start3A_327, %dma_start3A_328] : memref<4096x51xf32, #tpu.memory_space<hbm>> -> memref<38x51xf32, #tpu.memory_space<hbm>>
        tpu.enqueue_dma source(%dma_start3A_329 : memref<38x51xf32, #tpu.memory_space<hbm>>) target(%dma_start3A_326 : memref<38x51xf32, #tpu.memory_space<vmem>>) target_semaphore(%run_scoped3A : memref<!tpu.dma_semaphore, #tpu.memory_space<semaphore_mem>>)
        %dma_wait3A = arith.constant 0 : i32
        %dma_wait3A_330 = arith.constant 0 : i32
        %dma_wait3A_331 = tpu.memref_slice %arg4[%dma_wait3A, %dma_wait3A_330] : memref<64x51xf32, #tpu.memory_space<vmem>> -> memref<38x51xf32, #tpu.memory_space<vmem>>
        %dma_wait3A_332 = arith.constant 1850 : i32
        %dma_wait3A_333 = arith.constant 0 : i32
        %dma_wait3A_334 = tpu.memref_slice %arg2[%dma_wait3A_332, %dma_wait3A_333] : memref<4096x51xf32, #tpu.memory_space<hbm>> -> memref<38x51xf32, #tpu.memory_space<hbm>>
        %dma_wait3A_335 = arith.constant 0 : i32
        %dma_wait3A_336 = arith.constant 0 : i32
        %dma_wait3A_337 = tpu.memref_slice %arg4[%dma_wait3A_335, %dma_wait3A_336] : memref<64x51xf32, #tpu.memory_space<vmem>> -> memref<38x51xf32, #tpu.memory_space<vmem>>
        %dma_wait3A_338 = arith.constant 1850 : i32
        %dma_wait3A_339 = arith.constant 0 : i32
        %dma_wait3A_340 = tpu.memref_slice %arg2[%dma_wait3A_338, %dma_wait3A_339] : memref<4096x51xf32, #tpu.memory_space<hbm>> -> memref<38x51xf32, #tpu.memory_space<hbm>>
        tpu.wait_dma2 semaphore(%run_scoped3A : memref<!tpu.dma_semaphore, #tpu.memory_space<semaphore_mem>>) src(%dma_wait3A_340 : memref<38x51xf32, #tpu.memory_space<hbm>>) dst(%dma_wait3A_337 : memref<38x51xf32, #tpu.memory_space<vmem>>)
        tpu.yield
      }) : () -> ()
      "tpu.region"() ({
        %run_scoped3A = tpu.sem_alloc : memref<!tpu.dma_semaphore, #tpu.memory_space<semaphore_mem>>
        %dma_start3A = arith.constant 38 : i32
        %dma_start3A_319 = arith.constant 0 : i32
        %dma_start3A_320 = tpu.memref_slice %arg4[%dma_start3A, %dma_start3A_319] : memref<64x51xf32, #tpu.memory_space<vmem>> -> memref<25x51xf32, #tpu.memory_space<vmem>>
        %dma_start3A_321 = arith.constant 3836 : i32
        %dma_start3A_322 = arith.constant 0 : i32
        %dma_start3A_323 = tpu.memref_slice %arg2[%dma_start3A_321, %dma_start3A_322] : memref<4096x51xf32, #tpu.memory_space<hbm>> -> memref<25x51xf32, #tpu.memory_space<hbm>>
        %dma_start3A_324 = arith.constant 38 : i32
        %dma_start3A_325 = arith.constant 0 : i32
        %dma_start3A_326 = tpu.memref_slice %arg4[%dma_start3A_324, %dma_start3A_325] : memref<64x51xf32, #tpu.memory_space<vmem>> -> memref<25x51xf32, #tpu.memory_space<vmem>>
        %dma_start3A_327 = arith.constant 3836 : i32
        %dma_start3A_328 = arith.constant 0 : i32
        %dma_start3A_329 = tpu.memref_slice %arg2[%dma_start3A_327, %dma_start3A_328] : memref<4096x51xf32, #tpu.memory_space<hbm>> -> memref<25x51xf32, #tpu.memory_space<hbm>>
        tpu.enqueue_dma source(%dma_start3A_329 : memref<25x51xf32, #tpu.memory_space<hbm>>) target(%dma_start3A_326 : memref<25x51xf32, #tpu.memory_space<vmem>>) target_semaphore(%run_scoped3A : memref<!tpu.dma_semaphore, #tpu.memory_space<semaphore_mem>>)
        %dma_wait3A = arith.constant 38 : i32
        %dma_wait3A_330 = arith.constant 0 : i32
        %dma_wait3A_331 = tpu.memref_slice %arg4[%dma_wait3A, %dma_wait3A_330] : memref<64x51xf32, #tpu.memory_space<vmem>> -> memref<25x51xf32, #tpu.memory_space<vmem>>
        %dma_wait3A_332 = arith.constant 3836 : i32
        %dma_wait3A_333 = arith.constant 0 : i32
        %dma_wait3A_334 = tpu.memref_slice %arg2[%dma_wait3A_332, %dma_wait3A_333] : memref<4096x51xf32, #tpu.memory_space<hbm>> -> memref<25x51xf32, #tpu.memory_space<hbm>>
        %dma_wait3A_335 = arith.constant 38 : i32
        %dma_wait3A_336 = arith.constant 0 : i32
        %dma_wait3A_337 = tpu.memref_slice %arg4[%dma_wait3A_335, %dma_wait3A_336] : memref<64x51xf32, #tpu.memory_space<vmem>> -> memref<25x51xf32, #tpu.memory_space<vmem>>
        %dma_wait3A_338 = arith.constant 3836 : i32
        %dma_wait3A_339 = arith.constant 0 : i32
        %dma_wait3A_340 = tpu.memref_slice %arg2[%dma_wait3A_338, %dma_wait3A_339] : memref<4096x51xf32, #tpu.memory_space<hbm>> -> memref<25x51xf32, #tpu.memory_space<hbm>>
        tpu.wait_dma2 semaphore(%run_scoped3A : memref<!tpu.dma_semaphore, #tpu.memory_space<semaphore_mem>>) src(%dma_wait3A_340 : memref<25x51xf32, #tpu.memory_space<hbm>>) dst(%dma_wait3A_337 : memref<25x51xf32, #tpu.memory_space<vmem>>)
        tpu.yield
      }) : () -> ()
    } else {
    }
    %eq3A_8 = arith.constant 2 : i32
    %eq3A_9 = arith.cmpi eq, %add3A, %eq3A_8 : i32
    %convert_element_type3A_10 = arith.extui %eq3A_9 : i1 to i32
    %cond3A_11 = arith.constant 0 : i32
    %cond3A_12 = arith.cmpi ne, %convert_element_type3A_10, %cond3A_11 : i32
    scf.if %cond3A_12 {
      "tpu.region"() ({
        %run_scoped3A = tpu.sem_alloc : memref<!tpu.dma_semaphore, #tpu.memory_space<semaphore_mem>>
        %dma_start3A = arith.constant 0 : i32
        %dma_start3A_319 = arith.constant 0 : i32
        %dma_start3A_320 = tpu.memref_slice %arg4[%dma_start3A, %dma_start3A_319] : memref<64x51xf32, #tpu.memory_space<vmem>> -> memref<62x51xf32, #tpu.memory_space<vmem>>
        %dma_start3A_321 = arith.constant 3861 : i32
        %dma_start3A_322 = arith.constant 0 : i32
        %dma_start3A_323 = tpu.memref_slice %arg2[%dma_start3A_321, %dma_start3A_322] : memref<4096x51xf32, #tpu.memory_space<hbm>> -> memref<62x51xf32, #tpu.memory_space<hbm>>
        %dma_start3A_324 = arith.constant 0 : i32
        %dma_start3A_325 = arith.constant 0 : i32
        %dma_start3A_326 = tpu.memref_slice %arg4[%dma_start3A_324, %dma_start3A_325] : memref<64x51xf32, #tpu.memory_space<vmem>> -> memref<62x51xf32, #tpu.memory_space<vmem>>
        %dma_start3A_327 = arith.constant 3861 : i32
        %dma_start3A_328 = arith.constant 0 : i32
        %dma_start3A_329 = tpu.memref_slice %arg2[%dma_start3A_327, %dma_start3A_328] : memref<4096x51xf32, #tpu.memory_space<hbm>> -> memref<62x51xf32, #tpu.memory_space<hbm>>
        tpu.enqueue_dma source(%dma_start3A_329 : memref<62x51xf32, #tpu.memory_space<hbm>>) target(%dma_start3A_326 : memref<62x51xf32, #tpu.memory_space<vmem>>) target_semaphore(%run_scoped3A : memref<!tpu.dma_semaphore, #tpu.memory_space<semaphore_mem>>)
        %dma_wait3A = arith.constant 0 : i32
        %dma_wait3A_330 = arith.constant 0 : i32
        %dma_wait3A_331 = tpu.memref_slice %arg4[%dma_wait3A, %dma_wait3A_330] : memref<64x51xf32, #tpu.memory_space<vmem>> -> memref<62x51xf32, #tpu.memory_space<vmem>>
        %dma_wait3A_332 = arith.constant 3861 : i32
        %dma_wait3A_333 = arith.constant 0 : i32
        %dma_wait3A_334 = tpu.memref_slice %arg2[%dma_wait3A_332, %dma_wait3A_333] : memref<4096x51xf32, #tpu.memory_space<hbm>> -> memref<62x51xf32, #tpu.memory_space<hbm>>
        %dma_wait3A_335 = arith.constant 0 : i32
        %dma_wait3A_336 = arith.constant 0 : i32
        %dma_wait3A_337 = tpu.memref_slice %arg4[%dma_wait3A_335, %dma_wait3A_336] : memref<64x51xf32, #tpu.memory_space<vmem>> -> memref<62x51xf32, #tpu.memory_space<vmem>>
        %dma_wait3A_338 = arith.constant 3861 : i32
        %dma_wait3A_339 = arith.constant 0 : i32
        %dma_wait3A_340 = tpu.memref_slice %arg2[%dma_wait3A_338, %dma_wait3A_339] : memref<4096x51xf32, #tpu.memory_space<hbm>> -> memref<62x51xf32, #tpu.memory_space<hbm>>
        tpu.wait_dma2 semaphore(%run_scoped3A : memref<!tpu.dma_semaphore, #tpu.memory_space<semaphore_mem>>) src(%dma_wait3A_340 : memref<62x51xf32, #tpu.memory_space<hbm>>) dst(%dma_wait3A_337 : memref<62x51xf32, #tpu.memory_space<vmem>>)
        tpu.yield
      }) : () -> ()
    } else {
    }
    %eq3A_13 = arith.constant 3 : i32
    %eq3A_14 = arith.cmpi eq, %add3A, %eq3A_13 : i32
    %convert_element_type3A_15 = arith.extui %eq3A_14 : i1 to i32
    %cond3A_16 = arith.constant 0 : i32
    %cond3A_17 = arith.cmpi ne, %convert_element_type3A_15, %cond3A_16 : i32
    scf.if %cond3A_17 {
      "tpu.region"() ({
        %run_scoped3A = tpu.sem_alloc : memref<!tpu.dma_semaphore, #tpu.memory_space<semaphore_mem>>
        %dma_start3A = arith.constant 0 : i32
        %dma_start3A_319 = arith.constant 0 : i32
        %dma_start3A_320 = tpu.memref_slice %arg4[%dma_start3A, %dma_start3A_319] : memref<64x51xf32, #tpu.memory_space<vmem>> -> memref<13x51xf32, #tpu.memory_space<vmem>>
        %dma_start3A_321 = arith.constant 3923 : i32
        %dma_start3A_322 = arith.constant 0 : i32
        %dma_start3A_323 = tpu.memref_slice %arg2[%dma_start3A_321, %dma_start3A_322] : memref<4096x51xf32, #tpu.memory_space<hbm>> -> memref<13x51xf32, #tpu.memory_space<hbm>>
        %dma_start3A_324 = arith.constant 0 : i32
        %dma_start3A_325 = arith.constant 0 : i32
        %dma_start3A_326 = tpu.memref_slice %arg4[%dma_start3A_324, %dma_start3A_325] : memref<64x51xf32, #tpu.memory_space<vmem>> -> memref<13x51xf32, #tpu.memory_space<vmem>>
        %dma_start3A_327 = arith.constant 3923 : i32
        %dma_start3A_328 = arith.constant 0 : i32
        %dma_start3A_329 = tpu.memref_slice %arg2[%dma_start3A_327, %dma_start3A_328] : memref<4096x51xf32, #tpu.memory_space<hbm>> -> memref<13x51xf32, #tpu.memory_space<hbm>>
        tpu.enqueue_dma source(%dma_start3A_329 : memref<13x51xf32, #tpu.memory_space<hbm>>) target(%dma_start3A_326 : memref<13x51xf32, #tpu.memory_space<vmem>>) target_semaphore(%run_scoped3A : memref<!tpu.dma_semaphore, #tpu.memory_space<semaphore_mem>>)
        %dma_wait3A = arith.constant 0 : i32
        %dma_wait3A_330 = arith.constant 0 : i32
        %dma_wait3A_331 = tpu.memref_slice %arg4[%dma_wait3A, %dma_wait3A_330] : memref<64x51xf32, #tpu.memory_space<vmem>> -> memref<13x51xf32, #tpu.memory_space<vmem>>
        %dma_wait3A_332 = arith.constant 3923 : i32
        %dma_wait3A_333 = arith.constant 0 : i32
        %dma_wait3A_334 = tpu.memref_slice %arg2[%dma_wait3A_332, %dma_wait3A_333] : memref<4096x51xf32, #tpu.memory_space<hbm>> -> memref<13x51xf32, #tpu.memory_space<hbm>>
        %dma_wait3A_335 = arith.constant 0 : i32
        %dma_wait3A_336 = arith.constant 0 : i32
        %dma_wait3A_337 = tpu.memref_slice %arg4[%dma_wait3A_335, %dma_wait3A_336] : memref<64x51xf32, #tpu.memory_space<vmem>> -> memref<13x51xf32, #tpu.memory_space<vmem>>
        %dma_wait3A_338 = arith.constant 3923 : i32
        %dma_wait3A_339 = arith.constant 0 : i32
        %dma_wait3A_340 = tpu.memref_slice %arg2[%dma_wait3A_338, %dma_wait3A_339] : memref<4096x51xf32, #tpu.memory_space<hbm>> -> memref<13x51xf32, #tpu.memory_space<hbm>>
        tpu.wait_dma2 semaphore(%run_scoped3A : memref<!tpu.dma_semaphore, #tpu.memory_space<semaphore_mem>>) src(%dma_wait3A_340 : memref<13x51xf32, #tpu.memory_space<hbm>>) dst(%dma_wait3A_337 : memref<13x51xf32, #tpu.memory_space<vmem>>)
        tpu.yield
      }) : () -> ()
      "tpu.region"() ({
        %run_scoped3A = tpu.sem_alloc : memref<!tpu.dma_semaphore, #tpu.memory_space<semaphore_mem>>
        %dma_start3A = arith.constant 13 : i32
        %dma_start3A_319 = arith.constant 0 : i32
        %dma_start3A_320 = tpu.memref_slice %arg4[%dma_start3A, %dma_start3A_319] : memref<64x51xf32, #tpu.memory_space<vmem>> -> memref<50x51xf32, #tpu.memory_space<vmem>>
        %dma_start3A_321 = arith.constant 943 : i32
        %dma_start3A_322 = arith.constant 0 : i32
        %dma_start3A_323 = tpu.memref_slice %arg2[%dma_start3A_321, %dma_start3A_322] : memref<4096x51xf32, #tpu.memory_space<hbm>> -> memref<50x51xf32, #tpu.memory_space<hbm>>
        %dma_start3A_324 = arith.constant 13 : i32
        %dma_start3A_325 = arith.constant 0 : i32
        %dma_start3A_326 = tpu.memref_slice %arg4[%dma_start3A_324, %dma_start3A_325] : memref<64x51xf32, #tpu.memory_space<vmem>> -> memref<50x51xf32, #tpu.memory_space<vmem>>
        %dma_start3A_327 = arith.constant 943 : i32
        %dma_start3A_328 = arith.constant 0 : i32
        %dma_start3A_329 = tpu.memref_slice %arg2[%dma_start3A_327, %dma_start3A_328] : memref<4096x51xf32, #tpu.memory_space<hbm>> -> memref<50x51xf32, #tpu.memory_space<hbm>>
        tpu.enqueue_dma source(%dma_start3A_329 : memref<50x51xf32, #tpu.memory_space<hbm>>) target(%dma_start3A_326 : memref<50x51xf32, #tpu.memory_space<vmem>>) target_semaphore(%run_scoped3A : memref<!tpu.dma_semaphore, #tpu.memory_space<semaphore_mem>>)
        %dma_wait3A = arith.constant 13 : i32
        %dma_wait3A_330 = arith.constant 0 : i32
        %dma_wait3A_331 = tpu.memref_slice %arg4[%dma_wait3A, %dma_wait3A_330] : memref<64x51xf32, #tpu.memory_space<vmem>> -> memref<50x51xf32, #tpu.memory_space<vmem>>
        %dma_wait3A_332 = arith.constant 943 : i32
        %dma_wait3A_333 = arith.constant 0 : i32
        %dma_wait3A_334 = tpu.memref_slice %arg2[%dma_wait3A_332, %dma_wait3A_333] : memref<4096x51xf32, #tpu.memory_space<hbm>> -> memref<50x51xf32, #tpu.memory_space<hbm>>
        %dma_wait3A_335 = arith.constant 13 : i32
        %dma_wait3A_336 = arith.constant 0 : i32
        %dma_wait3A_337 = tpu.memref_slice %arg4[%dma_wait3A_335, %dma_wait3A_336] : memref<64x51xf32, #tpu.memory_space<vmem>> -> memref<50x51xf32, #tpu.memory_space<vmem>>
        %dma_wait3A_338 = arith.constant 943 : i32
        %dma_wait3A_339 = arith.constant 0 : i32
        %dma_wait3A_340 = tpu.memref_slice %arg2[%dma_wait3A_338, %dma_wait3A_339] : memref<4096x51xf32, #tpu.memory_space<hbm>> -> memref<50x51xf32, #tpu.memory_space<hbm>>
        tpu.wait_dma2 semaphore(%run_scoped3A : memref<!tpu.dma_semaphore, #tpu.memory_space<semaphore_mem>>) src(%dma_wait3A_340 : memref<50x51xf32, #tpu.memory_space<hbm>>) dst(%dma_wait3A_337 : memref<50x51xf32, #tpu.memory_space<vmem>>)
        tpu.yield
      }) : () -> ()
    } else {
    }
    %eq3A_18 = arith.constant 4 : i32
    %eq3A_19 = arith.cmpi eq, %add3A, %eq3A_18 : i32
    %convert_element_type3A_20 = arith.extui %eq3A_19 : i1 to i32
    %cond3A_21 = arith.constant 0 : i32
    %cond3A_22 = arith.cmpi ne, %convert_element_type3A_20, %cond3A_21 : i32
    scf.if %cond3A_22 {
      "tpu.region"() ({
        %run_scoped3A = tpu.sem_alloc : memref<!tpu.dma_semaphore, #tpu.memory_space<semaphore_mem>>
        %dma_start3A = arith.constant 0 : i32
        %dma_start3A_319 = arith.constant 0 : i32
        %dma_start3A_320 = tpu.memref_slice %arg4[%dma_start3A, %dma_start3A_319] : memref<64x51xf32, #tpu.memory_space<vmem>> -> memref<50x51xf32, #tpu.memory_space<vmem>>
        %dma_start3A_321 = arith.constant 993 : i32
        %dma_start3A_322 = arith.constant 0 : i32
        %dma_start3A_323 = tpu.memref_slice %arg2[%dma_start3A_321, %dma_start3A_322] : memref<4096x51xf32, #tpu.memory_space<hbm>> -> memref<50x51xf32, #tpu.memory_space<hbm>>
        %dma_start3A_324 = arith.constant 0 : i32
        %dma_start3A_325 = arith.constant 0 : i32
        %dma_start3A_326 = tpu.memref_slice %arg4[%dma_start3A_324, %dma_start3A_325] : memref<64x51xf32, #tpu.memory_space<vmem>> -> memref<50x51xf32, #tpu.memory_space<vmem>>
        %dma_start3A_327 = arith.constant 993 : i32
        %dma_start3A_328 = arith.constant 0 : i32
        %dma_start3A_329 = tpu.memref_slice %arg2[%dma_start3A_327, %dma_start3A_328] : memref<4096x51xf32, #tpu.memory_space<hbm>> -> memref<50x51xf32, #tpu.memory_space<hbm>>
        tpu.enqueue_dma source(%dma_start3A_329 : memref<50x51xf32, #tpu.memory_space<hbm>>) target(%dma_start3A_326 : memref<50x51xf32, #tpu.memory_space<vmem>>) target_semaphore(%run_scoped3A : memref<!tpu.dma_semaphore, #tpu.memory_space<semaphore_mem>>)
        %dma_wait3A = arith.constant 0 : i32
        %dma_wait3A_330 = arith.constant 0 : i32
        %dma_wait3A_331 = tpu.memref_slice %arg4[%dma_wait3A, %dma_wait3A_330] : memref<64x51xf32, #tpu.memory_space<vmem>> -> memref<50x51xf32, #tpu.memory_space<vmem>>
        %dma_wait3A_332 = arith.constant 993 : i32
        %dma_wait3A_333 = arith.constant 0 : i32
        %dma_wait3A_334 = tpu.memref_slice %arg2[%dma_wait3A_332, %dma_wait3A_333] : memref<4096x51xf32, #tpu.memory_space<hbm>> -> memref<50x51xf32, #tpu.memory_space<hbm>>
        %dma_wait3A_335 = arith.constant 0 : i32
        %dma_wait3A_336 = arith.constant 0 : i32
        %dma_wait3A_337 = tpu.memref_slice %arg4[%dma_wait3A_335, %dma_wait3A_336] : memref<64x51xf32, #tpu.memory_space<vmem>> -> memref<50x51xf32, #tpu.memory_space<vmem>>
        %dma_wait3A_338 = arith.constant 993 : i32
        %dma_wait3A_339 = arith.constant 0 : i32
        %dma_wait3A_340 = tpu.memref_slice %arg2[%dma_wait3A_338, %dma_wait3A_339] : memref<4096x51xf32, #tpu.memory_space<hbm>> -> memref<50x51xf32, #tpu.memory_space<hbm>>
        tpu.wait_dma2 semaphore(%run_scoped3A : memref<!tpu.dma_semaphore, #tpu.memory_space<semaphore_mem>>) src(%dma_wait3A_340 : memref<50x51xf32, #tpu.memory_space<hbm>>) dst(%dma_wait3A_337 : memref<50x51xf32, #tpu.memory_space<vmem>>)
        tpu.yield
      }) : () -> ()
      "tpu.region"() ({
        %run_scoped3A = tpu.sem_alloc : memref<!tpu.dma_semaphore, #tpu.memory_space<semaphore_mem>>
        %dma_start3A = arith.constant 50 : i32
        %dma_start3A_319 = arith.constant 0 : i32
        %dma_start3A_320 = tpu.memref_slice %arg4[%dma_start3A, %dma_start3A_319] : memref<64x51xf32, #tpu.memory_space<vmem>> -> memref<12x51xf32, #tpu.memory_space<vmem>>
        %dma_start3A_321 = arith.constant 2991 : i32
        %dma_start3A_322 = arith.constant 0 : i32
        %dma_start3A_323 = tpu.memref_slice %arg2[%dma_start3A_321, %dma_start3A_322] : memref<4096x51xf32, #tpu.memory_space<hbm>> -> memref<12x51xf32, #tpu.memory_space<hbm>>
        %dma_start3A_324 = arith.constant 50 : i32
        %dma_start3A_325 = arith.constant 0 : i32
        %dma_start3A_326 = tpu.memref_slice %arg4[%dma_start3A_324, %dma_start3A_325] : memref<64x51xf32, #tpu.memory_space<vmem>> -> memref<12x51xf32, #tpu.memory_space<vmem>>
        %dma_start3A_327 = arith.constant 2991 : i32
        %dma_start3A_328 = arith.constant 0 : i32
        %dma_start3A_329 = tpu.memref_slice %arg2[%dma_start3A_327, %dma_start3A_328] : memref<4096x51xf32, #tpu.memory_space<hbm>> -> memref<12x51xf32, #tpu.memory_space<hbm>>
        tpu.enqueue_dma source(%dma_start3A_329 : memref<12x51xf32, #tpu.memory_space<hbm>>) target(%dma_start3A_326 : memref<12x51xf32, #tpu.memory_space<vmem>>) target_semaphore(%run_scoped3A : memref<!tpu.dma_semaphore, #tpu.memory_space<semaphore_mem>>)
        %dma_wait3A = arith.constant 50 : i32
        %dma_wait3A_330 = arith.constant 0 : i32
        %dma_wait3A_331 = tpu.memref_slice %arg4[%dma_wait3A, %dma_wait3A_330] : memref<64x51xf32, #tpu.memory_space<vmem>> -> memref<12x51xf32, #tpu.memory_space<vmem>>
        %dma_wait3A_332 = arith.constant 2991 : i32
        %dma_wait3A_333 = arith.constant 0 : i32
        %dma_wait3A_334 = tpu.memref_slice %arg2[%dma_wait3A_332, %dma_wait3A_333] : memref<4096x51xf32, #tpu.memory_space<hbm>> -> memref<12x51xf32, #tpu.memory_space<hbm>>
        %dma_wait3A_335 = arith.constant 50 : i32
        %dma_wait3A_336 = arith.constant 0 : i32
        %dma_wait3A_337 = tpu.memref_slice %arg4[%dma_wait3A_335, %dma_wait3A_336] : memref<64x51xf32, #tpu.memory_space<vmem>> -> memref<12x51xf32, #tpu.memory_space<vmem>>
        %dma_wait3A_338 = arith.constant 2991 : i32
        %dma_wait3A_339 = arith.constant 0 : i32
        %dma_wait3A_340 = tpu.memref_slice %arg2[%dma_wait3A_338, %dma_wait3A_339] : memref<4096x51xf32, #tpu.memory_space<hbm>> -> memref<12x51xf32, #tpu.memory_space<hbm>>
        tpu.wait_dma2 semaphore(%run_scoped3A : memref<!tpu.dma_semaphore, #tpu.memory_space<semaphore_mem>>) src(%dma_wait3A_340 : memref<12x51xf32, #tpu.memory_space<hbm>>) dst(%dma_wait3A_337 : memref<12x51xf32, #tpu.memory_space<vmem>>)
        tpu.yield
      }) : () -> ()
    } else {
    }
    %eq3A_23 = arith.constant 5 : i32
    %eq3A_24 = arith.cmpi eq, %add3A, %eq3A_23 : i32
    %convert_element_type3A_25 = arith.extui %eq3A_24 : i1 to i32
    %cond3A_26 = arith.constant 0 : i32
    %cond3A_27 = arith.cmpi ne, %convert_element_type3A_25, %cond3A_26 : i32
    scf.if %cond3A_27 {
      "tpu.region"() ({
        %run_scoped3A = tpu.sem_alloc : memref<!tpu.dma_semaphore, #tpu.memory_space<semaphore_mem>>
        %dma_start3A = arith.constant 0 : i32
        %dma_start3A_319 = arith.constant 0 : i32
        %dma_start3A_320 = tpu.memref_slice %arg4[%dma_start3A, %dma_start3A_319] : memref<64x51xf32, #tpu.memory_space<vmem>> -> memref<63x51xf32, #tpu.memory_space<vmem>>
        %dma_start3A_321 = arith.constant 3003 : i32
        %dma_start3A_322 = arith.constant 0 : i32
        %dma_start3A_323 = tpu.memref_slice %arg2[%dma_start3A_321, %dma_start3A_322] : memref<4096x51xf32, #tpu.memory_space<hbm>> -> memref<63x51xf32, #tpu.memory_space<hbm>>
        %dma_start3A_324 = arith.constant 0 : i32
        %dma_start3A_325 = arith.constant 0 : i32
        %dma_start3A_326 = tpu.memref_slice %arg4[%dma_start3A_324, %dma_start3A_325] : memref<64x51xf32, #tpu.memory_space<vmem>> -> memref<63x51xf32, #tpu.memory_space<vmem>>
        %dma_start3A_327 = arith.constant 3003 : i32
        %dma_start3A_328 = arith.constant 0 : i32
        %dma_start3A_329 = tpu.memref_slice %arg2[%dma_start3A_327, %dma_start3A_328] : memref<4096x51xf32, #tpu.memory_space<hbm>> -> memref<63x51xf32, #tpu.memory_space<hbm>>
        tpu.enqueue_dma source(%dma_start3A_329 : memref<63x51xf32, #tpu.memory_space<hbm>>) target(%dma_start3A_326 : memref<63x51xf32, #tpu.memory_space<vmem>>) target_semaphore(%run_scoped3A : memref<!tpu.dma_semaphore, #tpu.memory_space<semaphore_mem>>)
        %dma_wait3A = arith.constant 0 : i32
        %dma_wait3A_330 = arith.constant 0 : i32
        %dma_wait3A_331 = tpu.memref_slice %arg4[%dma_wait3A, %dma_wait3A_330] : memref<64x51xf32, #tpu.memory_space<vmem>> -> memref<63x51xf32, #tpu.memory_space<vmem>>
        %dma_wait3A_332 = arith.constant 3003 : i32
        %dma_wait3A_333 = arith.constant 0 : i32
        %dma_wait3A_334 = tpu.memref_slice %arg2[%dma_wait3A_332, %dma_wait3A_333] : memref<4096x51xf32, #tpu.memory_space<hbm>> -> memref<63x51xf32, #tpu.memory_space<hbm>>
        %dma_wait3A_335 = arith.constant 0 : i32
        %dma_wait3A_336 = arith.constant 0 : i32
        %dma_wait3A_337 = tpu.memref_slice %arg4[%dma_wait3A_335, %dma_wait3A_336] : memref<64x51xf32, #tpu.memory_space<vmem>> -> memref<63x51xf32, #tpu.memory_space<vmem>>
        %dma_wait3A_338 = arith.constant 3003 : i32
        %dma_wait3A_339 = arith.constant 0 : i32
        %dma_wait3A_340 = tpu.memref_slice %arg2[%dma_wait3A_338, %dma_wait3A_339] : memref<4096x51xf32, #tpu.memory_space<hbm>> -> memref<63x51xf32, #tpu.memory_space<hbm>>
        tpu.wait_dma2 semaphore(%run_scoped3A : memref<!tpu.dma_semaphore, #tpu.memory_space<semaphore_mem>>) src(%dma_wait3A_340 : memref<63x51xf32, #tpu.memory_space<hbm>>) dst(%dma_wait3A_337 : memref<63x51xf32, #tpu.memory_space<vmem>>)
        tpu.yield
      }) : () -> ()
    } else {
    }
    %eq3A_28 = arith.constant 6 : i32
    %eq3A_29 = arith.cmpi eq, %add3A, %eq3A_28 : i32
    %convert_element_type3A_30 = arith.extui %eq3A_29 : i1 to i32
    %cond3A_31 = arith.constant 0 : i32
    %cond3A_32 = arith.cmpi ne, %convert_element_type3A_30, %cond3A_31 : i32
    scf.if %cond3A_32 {
      "tpu.region"() ({
        %run_scoped3A = tpu.sem_alloc : memref<!tpu.dma_semaphore, #tpu.memory_space<semaphore_mem>>
        %dma_start3A = arith.constant 0 : i32
        %dma_start3A_319 = arith.constant 0 : i32
        %dma_start3A_320 = tpu.memref_slice %arg4[%dma_start3A, %dma_start3A_319] : memref<64x51xf32, #tpu.memory_space<vmem>> -> memref<25x51xf32, #tpu.memory_space<vmem>>
        %dma_start3A_321 = arith.constant 3066 : i32
        %dma_start3A_322 = arith.constant 0 : i32
        %dma_start3A_323 = tpu.memref_slice %arg2[%dma_start3A_321, %dma_start3A_322] : memref<4096x51xf32, #tpu.memory_space<hbm>> -> memref<25x51xf32, #tpu.memory_space<hbm>>
        %dma_start3A_324 = arith.constant 0 : i32
        %dma_start3A_325 = arith.constant 0 : i32
        %dma_start3A_326 = tpu.memref_slice %arg4[%dma_start3A_324, %dma_start3A_325] : memref<64x51xf32, #tpu.memory_space<vmem>> -> memref<25x51xf32, #tpu.memory_space<vmem>>
        %dma_start3A_327 = arith.constant 3066 : i32
        %dma_start3A_328 = arith.constant 0 : i32
        %dma_start3A_329 = tpu.memref_slice %arg2[%dma_start3A_327, %dma_start3A_328] : memref<4096x51xf32, #tpu.memory_space<hbm>> -> memref<25x51xf32, #tpu.memory_space<hbm>>
        tpu.enqueue_dma source(%dma_start3A_329 : memref<25x51xf32, #tpu.memory_space<hbm>>) target(%dma_start3A_326 : memref<25x51xf32, #tpu.memory_space<vmem>>) target_semaphore(%run_scoped3A : memref<!tpu.dma_semaphore, #tpu.memory_space<semaphore_mem>>)
        %dma_wait3A = arith.constant 0 : i32
        %dma_wait3A_330 = arith.constant 0 : i32
        %dma_wait3A_331 = tpu.memref_slice %arg4[%dma_wait3A, %dma_wait3A_330] : memref<64x51xf32, #tpu.memory_space<vmem>> -> memref<25x51xf32, #tpu.memory_space<vmem>>
        %dma_wait3A_332 = arith.constant 3066 : i32
        %dma_wait3A_333 = arith.constant 0 : i32
        %dma_wait3A_334 = tpu.memref_slice %arg2[%dma_wait3A_332, %dma_wait3A_333] : memref<4096x51xf32, #tpu.memory_space<hbm>> -> memref<25x51xf32, #tpu.memory_space<hbm>>
        %dma_wait3A_335 = arith.constant 0 : i32
        %dma_wait3A_336 = arith.constant 0 : i32
        %dma_wait3A_337 = tpu.memref_slice %arg4[%dma_wait3A_335, %dma_wait3A_336] : memref<64x51xf32, #tpu.memory_space<vmem>> -> memref<25x51xf32, #tpu.memory_space<vmem>>
        %dma_wait3A_338 = arith.constant 3066 : i32
        %dma_wait3A_339 = arith.constant 0 : i32
        %dma_wait3A_340 = tpu.memref_slice %arg2[%dma_wait3A_338, %dma_wait3A_339] : memref<4096x51xf32, #tpu.memory_space<hbm>> -> memref<25x51xf32, #tpu.memory_space<hbm>>
        tpu.wait_dma2 semaphore(%run_scoped3A : memref<!tpu.dma_semaphore, #tpu.memory_space<semaphore_mem>>) src(%dma_wait3A_340 : memref<25x51xf32, #tpu.memory_space<hbm>>) dst(%dma_wait3A_337 : memref<25x51xf32, #tpu.memory_space<vmem>>)
        tpu.yield
      }) : () -> ()
      "tpu.region"() ({
        %run_scoped3A = tpu.sem_alloc : memref<!tpu.dma_semaphore, #tpu.memory_space<semaphore_mem>>
        %dma_start3A = arith.constant 25 : i32
        %dma_start3A_319 = arith.constant 0 : i32
        %dma_start3A_320 = tpu.memref_slice %arg4[%dma_start3A, %dma_start3A_319] : memref<64x51xf32, #tpu.memory_space<vmem>> -> memref<37x51xf32, #tpu.memory_space<vmem>>
        %dma_start3A_321 = arith.constant 736 : i32
        %dma_start3A_322 = arith.constant 0 : i32
        %dma_start3A_323 = tpu.memref_slice %arg2[%dma_start3A_321, %dma_start3A_322] : memref<4096x51xf32, #tpu.memory_space<hbm>> -> memref<37x51xf32, #tpu.memory_space<hbm>>
        %dma_start3A_324 = arith.constant 25 : i32
        %dma_start3A_325 = arith.constant 0 : i32
        %dma_start3A_326 = tpu.memref_slice %arg4[%dma_start3A_324, %dma_start3A_325] : memref<64x51xf32, #tpu.memory_space<vmem>> -> memref<37x51xf32, #tpu.memory_space<vmem>>
        %dma_start3A_327 = arith.constant 736 : i32
        %dma_start3A_328 = arith.constant 0 : i32
        %dma_start3A_329 = tpu.memref_slice %arg2[%dma_start3A_327, %dma_start3A_328] : memref<4096x51xf32, #tpu.memory_space<hbm>> -> memref<37x51xf32, #tpu.memory_space<hbm>>
        tpu.enqueue_dma source(%dma_start3A_329 : memref<37x51xf32, #tpu.memory_space<hbm>>) target(%dma_start3A_326 : memref<37x51xf32, #tpu.memory_space<vmem>>) target_semaphore(%run_scoped3A : memref<!tpu.dma_semaphore, #tpu.memory_space<semaphore_mem>>)
        %dma_wait3A = arith.constant 25 : i32
        %dma_wait3A_330 = arith.constant 0 : i32
        %dma_wait3A_331 = tpu.memref_slice %arg4[%dma_wait3A, %dma_wait3A_330] : memref<64x51xf32, #tpu.memory_space<vmem>> -> memref<37x51xf32, #tpu.memory_space<vmem>>
        %dma_wait3A_332 = arith.constant 736 : i32
        %dma_wait3A_333 = arith.constant 0 : i32
        %dma_wait3A_334 = tpu.memref_slice %arg2[%dma_wait3A_332, %dma_wait3A_333] : memref<4096x51xf32, #tpu.memory_space<hbm>> -> memref<37x51xf32, #tpu.memory_space<hbm>>
        %dma_wait3A_335 = arith.constant 25 : i32
        %dma_wait3A_336 = arith.constant 0 : i32
        %dma_wait3A_337 = tpu.memref_slice %arg4[%dma_wait3A_335, %dma_wait3A_336] : memref<64x51xf32, #tpu.memory_space<vmem>> -> memref<37x51xf32, #tpu.memory_space<vmem>>
        %dma_wait3A_338 = arith.constant 736 : i32
        %dma_wait3A_339 = arith.constant 0 : i32
        %dma_wait3A_340 = tpu.memref_slice %arg2[%dma_wait3A_338, %dma_wait3A_339] : memref<4096x51xf32, #tpu.memory_space<hbm>> -> memref<37x51xf32, #tpu.memory_space<hbm>>
        tpu.wait_dma2 semaphore(%run_scoped3A : memref<!tpu.dma_semaphore, #tpu.memory_space<semaphore_mem>>) src(%dma_wait3A_340 : memref<37x51xf32, #tpu.memory_space<hbm>>) dst(%dma_wait3A_337 : memref<37x51xf32, #tpu.memory_space<vmem>>)
        tpu.yield
      }) : () -> ()
    } else {
    }
    %eq3A_33 = arith.constant 7 : i32
    %eq3A_34 = arith.cmpi eq, %add3A, %eq3A_33 : i32
    %convert_element_type3A_35 = arith.extui %eq3A_34 : i1 to i32
    %cond3A_36 = arith.constant 0 : i32
    %cond3A_37 = arith.cmpi ne, %convert_element_type3A_35, %cond3A_36 : i32
    scf.if %cond3A_37 {
      "tpu.region"() ({
        %run_scoped3A = tpu.sem_alloc : memref<!tpu.dma_semaphore, #tpu.memory_space<semaphore_mem>>
        %dma_start3A = arith.constant 0 : i32
        %dma_start3A_319 = arith.constant 0 : i32
        %dma_start3A_320 = tpu.memref_slice %arg4[%dma_start3A, %dma_start3A_319] : memref<64x51xf32, #tpu.memory_space<vmem>> -> memref<63x51xf32, #tpu.memory_space<vmem>>
        %dma_start3A_321 = arith.constant 773 : i32
        %dma_start3A_322 = arith.constant 0 : i32
        %dma_start3A_323 = tpu.memref_slice %arg2[%dma_start3A_321, %dma_start3A_322] : memref<4096x51xf32, #tpu.memory_space<hbm>> -> memref<63x51xf32, #tpu.memory_space<hbm>>
        %dma_start3A_324 = arith.constant 0 : i32
        %dma_start3A_325 = arith.constant 0 : i32
        %dma_start3A_326 = tpu.memref_slice %arg4[%dma_start3A_324, %dma_start3A_325] : memref<64x51xf32, #tpu.memory_space<vmem>> -> memref<63x51xf32, #tpu.memory_space<vmem>>
        %dma_start3A_327 = arith.constant 773 : i32
        %dma_start3A_328 = arith.constant 0 : i32
        %dma_start3A_329 = tpu.memref_slice %arg2[%dma_start3A_327, %dma_start3A_328] : memref<4096x51xf32, #tpu.memory_space<hbm>> -> memref<63x51xf32, #tpu.memory_space<hbm>>
        tpu.enqueue_dma source(%dma_start3A_329 : memref<63x51xf32, #tpu.memory_space<hbm>>) target(%dma_start3A_326 : memref<63x51xf32, #tpu.memory_space<vmem>>) target_semaphore(%run_scoped3A : memref<!tpu.dma_semaphore, #tpu.memory_space<semaphore_mem>>)
        %dma_wait3A = arith.constant 0 : i32
        %dma_wait3A_330 = arith.constant 0 : i32
        %dma_wait3A_331 = tpu.memref_slice %arg4[%dma_wait3A, %dma_wait3A_330] : memref<64x51xf32, #tpu.memory_space<vmem>> -> memref<63x51xf32, #tpu.memory_space<vmem>>
        %dma_wait3A_332 = arith.constant 773 : i32
        %dma_wait3A_333 = arith.constant 0 : i32
        %dma_wait3A_334 = tpu.memref_slice %arg2[%dma_wait3A_332, %dma_wait3A_333] : memref<4096x51xf32, #tpu.memory_space<hbm>> -> memref<63x51xf32, #tpu.memory_space<hbm>>
        %dma_wait3A_335 = arith.constant 0 : i32
        %dma_wait3A_336 = arith.constant 0 : i32
        %dma_wait3A_337 = tpu.memref_slice %arg4[%dma_wait3A_335, %dma_wait3A_336] : memref<64x51xf32, #tpu.memory_space<vmem>> -> memref<63x51xf32, #tpu.memory_space<vmem>>
        %dma_wait3A_338 = arith.constant 773 : i32
        %dma_wait3A_339 = arith.constant 0 : i32
        %dma_wait3A_340 = tpu.memref_slice %arg2[%dma_wait3A_338, %dma_wait3A_339] : memref<4096x51xf32, #tpu.memory_space<hbm>> -> memref<63x51xf32, #tpu.memory_space<hbm>>
        tpu.wait_dma2 semaphore(%run_scoped3A : memref<!tpu.dma_semaphore, #tpu.memory_space<semaphore_mem>>) src(%dma_wait3A_340 : memref<63x51xf32, #tpu.memory_space<hbm>>) dst(%dma_wait3A_337 : memref<63x51xf32, #tpu.memory_space<vmem>>)
        tpu.yield
      }) : () -> ()
    } else {
    }
    %eq3A_38 = arith.constant 8 : i32
    %eq3A_39 = arith.cmpi eq, %add3A, %eq3A_38 : i32
    %convert_element_type3A_40 = arith.extui %eq3A_39 : i1 to i32
    %cond3A_41 = arith.constant 0 : i32
    %cond3A_42 = arith.cmpi ne, %convert_element_type3A_40, %cond3A_41 : i32
    scf.if %cond3A_42 {
      "tpu.region"() ({
        %run_scoped3A = tpu.sem_alloc : memref<!tpu.dma_semaphore, #tpu.memory_space<semaphore_mem>>
        %dma_start3A = arith.constant 0 : i32
        %dma_start3A_319 = arith.constant 0 : i32
        %dma_start3A_320 = tpu.memref_slice %arg4[%dma_start3A, %dma_start3A_319] : memref<64x51xf32, #tpu.memory_space<vmem>> -> memref<62x51xf32, #tpu.memory_space<vmem>>
        %dma_start3A_321 = arith.constant 2784 : i32
        %dma_start3A_322 = arith.constant 0 : i32
        %dma_start3A_323 = tpu.memref_slice %arg2[%dma_start3A_321, %dma_start3A_322] : memref<4096x51xf32, #tpu.memory_space<hbm>> -> memref<62x51xf32, #tpu.memory_space<hbm>>
        %dma_start3A_324 = arith.constant 0 : i32
        %dma_start3A_325 = arith.constant 0 : i32
        %dma_start3A_326 = tpu.memref_slice %arg4[%dma_start3A_324, %dma_start3A_325] : memref<64x51xf32, #tpu.memory_space<vmem>> -> memref<62x51xf32, #tpu.memory_space<vmem>>
        %dma_start3A_327 = arith.constant 2784 : i32
        %dma_start3A_328 = arith.constant 0 : i32
        %dma_start3A_329 = tpu.memref_slice %arg2[%dma_start3A_327, %dma_start3A_328] : memref<4096x51xf32, #tpu.memory_space<hbm>> -> memref<62x51xf32, #tpu.memory_space<hbm>>
        tpu.enqueue_dma source(%dma_start3A_329 : memref<62x51xf32, #tpu.memory_space<hbm>>) target(%dma_start3A_326 : memref<62x51xf32, #tpu.memory_space<vmem>>) target_semaphore(%run_scoped3A : memref<!tpu.dma_semaphore, #tpu.memory_space<semaphore_mem>>)
        %dma_wait3A = arith.constant 0 : i32
        %dma_wait3A_330 = arith.constant 0 : i32
        %dma_wait3A_331 = tpu.memref_slice %arg4[%dma_wait3A, %dma_wait3A_330] : memref<64x51xf32, #tpu.memory_space<vmem>> -> memref<62x51xf32, #tpu.memory_space<vmem>>
        %dma_wait3A_332 = arith.constant 2784 : i32
        %dma_wait3A_333 = arith.constant 0 : i32
        %dma_wait3A_334 = tpu.memref_slice %arg2[%dma_wait3A_332, %dma_wait3A_333] : memref<4096x51xf32, #tpu.memory_space<hbm>> -> memref<62x51xf32, #tpu.memory_space<hbm>>
        %dma_wait3A_335 = arith.constant 0 : i32
        %dma_wait3A_336 = arith.constant 0 : i32
        %dma_wait3A_337 = tpu.memref_slice %arg4[%dma_wait3A_335, %dma_wait3A_336] : memref<64x51xf32, #tpu.memory_space<vmem>> -> memref<62x51xf32, #tpu.memory_space<vmem>>
        %dma_wait3A_338 = arith.constant 2784 : i32
        %dma_wait3A_339 = arith.constant 0 : i32
        %dma_wait3A_340 = tpu.memref_slice %arg2[%dma_wait3A_338, %dma_wait3A_339] : memref<4096x51xf32, #tpu.memory_space<hbm>> -> memref<62x51xf32, #tpu.memory_space<hbm>>
        tpu.wait_dma2 semaphore(%run_scoped3A : memref<!tpu.dma_semaphore, #tpu.memory_space<semaphore_mem>>) src(%dma_wait3A_340 : memref<62x51xf32, #tpu.memory_space<hbm>>) dst(%dma_wait3A_337 : memref<62x51xf32, #tpu.memory_space<vmem>>)
        tpu.yield
      }) : () -> ()
    } else {
    }
    %eq3A_43 = arith.constant 9 : i32
    %eq3A_44 = arith.cmpi eq, %add3A, %eq3A_43 : i32
    %convert_element_type3A_45 = arith.extui %eq3A_44 : i1 to i32
    %cond3A_46 = arith.constant 0 : i32
    %cond3A_47 = arith.cmpi ne, %convert_element_type3A_45, %cond3A_46 : i32
    scf.if %cond3A_47 {
      "tpu.region"() ({
        %run_scoped3A = tpu.sem_alloc : memref<!tpu.dma_semaphore, #tpu.memory_space<semaphore_mem>>
        %dma_start3A = arith.constant 0 : i32
        %dma_start3A_319 = arith.constant 0 : i32
        %dma_start3A_320 = tpu.memref_slice %arg4[%dma_start3A, %dma_start3A_319] : memref<64x51xf32, #tpu.memory_space<vmem>> -> memref<38x51xf32, #tpu.memory_space<vmem>>
        %dma_start3A_321 = arith.constant 2846 : i32
        %dma_start3A_322 = arith.constant 0 : i32
        %dma_start3A_323 = tpu.memref_slice %arg2[%dma_start3A_321, %dma_start3A_322] : memref<4096x51xf32, #tpu.memory_space<hbm>> -> memref<38x51xf32, #tpu.memory_space<hbm>>
        %dma_start3A_324 = arith.constant 0 : i32
        %dma_start3A_325 = arith.constant 0 : i32
        %dma_start3A_326 = tpu.memref_slice %arg4[%dma_start3A_324, %dma_start3A_325] : memref<64x51xf32, #tpu.memory_space<vmem>> -> memref<38x51xf32, #tpu.memory_space<vmem>>
        %dma_start3A_327 = arith.constant 2846 : i32
        %dma_start3A_328 = arith.constant 0 : i32
        %dma_start3A_329 = tpu.memref_slice %arg2[%dma_start3A_327, %dma_start3A_328] : memref<4096x51xf32, #tpu.memory_space<hbm>> -> memref<38x51xf32, #tpu.memory_space<hbm>>
        tpu.enqueue_dma source(%dma_start3A_329 : memref<38x51xf32, #tpu.memory_space<hbm>>) target(%dma_start3A_326 : memref<38x51xf32, #tpu.memory_space<vmem>>) target_semaphore(%run_scoped3A : memref<!tpu.dma_semaphore, #tpu.memory_space<semaphore_mem>>)
        %dma_wait3A = arith.constant 0 : i32
        %dma_wait3A_330 = arith.constant 0 : i32
        %dma_wait3A_331 = tpu.memref_slice %arg4[%dma_wait3A, %dma_wait3A_330] : memref<64x51xf32, #tpu.memory_space<vmem>> -> memref<38x51xf32, #tpu.memory_space<vmem>>
        %dma_wait3A_332 = arith.constant 2846 : i32
        %dma_wait3A_333 = arith.constant 0 : i32
        %dma_wait3A_334 = tpu.memref_slice %arg2[%dma_wait3A_332, %dma_wait3A_333] : memref<4096x51xf32, #tpu.memory_space<hbm>> -> memref<38x51xf32, #tpu.memory_space<hbm>>
        %dma_wait3A_335 = arith.constant 0 : i32
        %dma_wait3A_336 = arith.constant 0 : i32
        %dma_wait3A_337 = tpu.memref_slice %arg4[%dma_wait3A_335, %dma_wait3A_336] : memref<64x51xf32, #tpu.memory_space<vmem>> -> memref<38x51xf32, #tpu.memory_space<vmem>>
        %dma_wait3A_338 = arith.constant 2846 : i32
        %dma_wait3A_339 = arith.constant 0 : i32
        %dma_wait3A_340 = tpu.memref_slice %arg2[%dma_wait3A_338, %dma_wait3A_339] : memref<4096x51xf32, #tpu.memory_space<hbm>> -> memref<38x51xf32, #tpu.memory_space<hbm>>
        tpu.wait_dma2 semaphore(%run_scoped3A : memref<!tpu.dma_semaphore, #tpu.memory_space<semaphore_mem>>) src(%dma_wait3A_340 : memref<38x51xf32, #tpu.memory_space<hbm>>) dst(%dma_wait3A_337 : memref<38x51xf32, #tpu.memory_space<vmem>>)
        tpu.yield
      }) : () -> ()
      "tpu.region"() ({
        %run_scoped3A = tpu.sem_alloc : memref<!tpu.dma_semaphore, #tpu.memory_space<semaphore_mem>>
        %dma_start3A = arith.constant 38 : i32
        %dma_start3A_319 = arith.constant 0 : i32
        %dma_start3A_320 = tpu.memref_slice %arg4[%dma_start3A, %dma_start3A_319] : memref<64x51xf32, #tpu.memory_space<vmem>> -> memref<25x51xf32, #tpu.memory_space<vmem>>
        %dma_start3A_321 = arith.constant 873 : i32
        %dma_start3A_322 = arith.constant 0 : i32
        %dma_start3A_323 = tpu.memref_slice %arg2[%dma_start3A_321, %dma_start3A_322] : memref<4096x51xf32, #tpu.memory_space<hbm>> -> memref<25x51xf32, #tpu.memory_space<hbm>>
        %dma_start3A_324 = arith.constant 38 : i32
        %dma_start3A_325 = arith.constant 0 : i32
        %dma_start3A_326 = tpu.memref_slice %arg4[%dma_start3A_324, %dma_start3A_325] : memref<64x51xf32, #tpu.memory_space<vmem>> -> memref<25x51xf32, #tpu.memory_space<vmem>>
        %dma_start3A_327 = arith.constant 873 : i32
        %dma_start3A_328 = arith.constant 0 : i32
        %dma_start3A_329 = tpu.memref_slice %arg2[%dma_start3A_327, %dma_start3A_328] : memref<4096x51xf32, #tpu.memory_space<hbm>> -> memref<25x51xf32, #tpu.memory_space<hbm>>
        tpu.enqueue_dma source(%dma_start3A_329 : memref<25x51xf32, #tpu.memory_space<hbm>>) target(%dma_start3A_326 : memref<25x51xf32, #tpu.memory_space<vmem>>) target_semaphore(%run_scoped3A : memref<!tpu.dma_semaphore, #tpu.memory_space<semaphore_mem>>)
        %dma_wait3A = arith.constant 38 : i32
        %dma_wait3A_330 = arith.constant 0 : i32
        %dma_wait3A_331 = tpu.memref_slice %arg4[%dma_wait3A, %dma_wait3A_330] : memref<64x51xf32, #tpu.memory_space<vmem>> -> memref<25x51xf32, #tpu.memory_space<vmem>>
        %dma_wait3A_332 = arith.constant 873 : i32
        %dma_wait3A_333 = arith.constant 0 : i32
        %dma_wait3A_334 = tpu.memref_slice %arg2[%dma_wait3A_332, %dma_wait3A_333] : memref<4096x51xf32, #tpu.memory_space<hbm>> -> memref<25x51xf32, #tpu.memory_space<hbm>>
        %dma_wait3A_335 = arith.constant 38 : i32
        %dma_wait3A_336 = arith.constant 0 : i32
        %dma_wait3A_337 = tpu.memref_slice %arg4[%dma_wait3A_335, %dma_wait3A_336] : memref<64x51xf32, #tpu.memory_space<vmem>> -> memref<25x51xf32, #tpu.memory_space<vmem>>
        %dma_wait3A_338 = arith.constant 873 : i32
        %dma_wait3A_339 = arith.constant 0 : i32
        %dma_wait3A_340 = tpu.memref_slice %arg2[%dma_wait3A_338, %dma_wait3A_339] : memref<4096x51xf32, #tpu.memory_space<hbm>> -> memref<25x51xf32, #tpu.memory_space<hbm>>
        tpu.wait_dma2 semaphore(%run_scoped3A : memref<!tpu.dma_semaphore, #tpu.memory_space<semaphore_mem>>) src(%dma_wait3A_340 : memref<25x51xf32, #tpu.memory_space<hbm>>) dst(%dma_wait3A_337 : memref<25x51xf32, #tpu.memory_space<vmem>>)
        tpu.yield
      }) : () -> ()
    } else {
    }
    %eq3A_48 = arith.constant 10 : i32
    %eq3A_49 = arith.cmpi eq, %add3A, %eq3A_48 : i32
    %convert_element_type3A_50 = arith.extui %eq3A_49 : i1 to i32
    %cond3A_51 = arith.constant 0 : i32
    %cond3A_52 = arith.cmpi ne, %convert_element_type3A_50, %cond3A_51 : i32
    scf.if %cond3A_52 {
      "tpu.region"() ({
        %run_scoped3A = tpu.sem_alloc : memref<!tpu.dma_semaphore, #tpu.memory_space<semaphore_mem>>
        %dma_start3A = arith.constant 0 : i32
        %dma_start3A_319 = arith.constant 0 : i32
        %dma_start3A_320 = tpu.memref_slice %arg4[%dma_start3A, %dma_start3A_319] : memref<64x51xf32, #tpu.memory_space<vmem>> -> memref<62x51xf32, #tpu.memory_space<vmem>>
        %dma_start3A_321 = arith.constant 898 : i32
        %dma_start3A_322 = arith.constant 0 : i32
        %dma_start3A_323 = tpu.memref_slice %arg2[%dma_start3A_321, %dma_start3A_322] : memref<4096x51xf32, #tpu.memory_space<hbm>> -> memref<62x51xf32, #tpu.memory_space<hbm>>
        %dma_start3A_324 = arith.constant 0 : i32
        %dma_start3A_325 = arith.constant 0 : i32
        %dma_start3A_326 = tpu.memref_slice %arg4[%dma_start3A_324, %dma_start3A_325] : memref<64x51xf32, #tpu.memory_space<vmem>> -> memref<62x51xf32, #tpu.memory_space<vmem>>
        %dma_start3A_327 = arith.constant 898 : i32
        %dma_start3A_328 = arith.constant 0 : i32
        %dma_start3A_329 = tpu.memref_slice %arg2[%dma_start3A_327, %dma_start3A_328] : memref<4096x51xf32, #tpu.memory_space<hbm>> -> memref<62x51xf32, #tpu.memory_space<hbm>>
        tpu.enqueue_dma source(%dma_start3A_329 : memref<62x51xf32, #tpu.memory_space<hbm>>) target(%dma_start3A_326 : memref<62x51xf32, #tpu.memory_space<vmem>>) target_semaphore(%run_scoped3A : memref<!tpu.dma_semaphore, #tpu.memory_space<semaphore_mem>>)
        %dma_wait3A = arith.constant 0 : i32
        %dma_wait3A_330 = arith.constant 0 : i32
        %dma_wait3A_331 = tpu.memref_slice %arg4[%dma_wait3A, %dma_wait3A_330] : memref<64x51xf32, #tpu.memory_space<vmem>> -> memref<62x51xf32, #tpu.memory_space<vmem>>
        %dma_wait3A_332 = arith.constant 898 : i32
        %dma_wait3A_333 = arith.constant 0 : i32
        %dma_wait3A_334 = tpu.memref_slice %arg2[%dma_wait3A_332, %dma_wait3A_333] : memref<4096x51xf32, #tpu.memory_space<hbm>> -> memref<62x51xf32, #tpu.memory_space<hbm>>
        %dma_wait3A_335 = arith.constant 0 : i32
        %dma_wait3A_336 = arith.constant 0 : i32
        %dma_wait3A_337 = tpu.memref_slice %arg4[%dma_wait3A_335, %dma_wait3A_336] : memref<64x51xf32, #tpu.memory_space<vmem>> -> memref<62x51xf32, #tpu.memory_space<vmem>>
        %dma_wait3A_338 = arith.constant 898 : i32
        %dma_wait3A_339 = arith.constant 0 : i32
        %dma_wait3A_340 = tpu.memref_slice %arg2[%dma_wait3A_338, %dma_wait3A_339] : memref<4096x51xf32, #tpu.memory_space<hbm>> -> memref<62x51xf32, #tpu.memory_space<hbm>>
        tpu.wait_dma2 semaphore(%run_scoped3A : memref<!tpu.dma_semaphore, #tpu.memory_space<semaphore_mem>>) src(%dma_wait3A_340 : memref<62x51xf32, #tpu.memory_space<hbm>>) dst(%dma_wait3A_337 : memref<62x51xf32, #tpu.memory_space<vmem>>)
        tpu.yield
      }) : () -> ()
    } else {
    }
    %eq3A_53 = arith.constant 11 : i32
    %eq3A_54 = arith.cmpi eq, %add3A, %eq3A_53 : i32
    %convert_element_type3A_55 = arith.extui %eq3A_54 : i1 to i32
    %cond3A_56 = arith.constant 0 : i32
    %cond3A_57 = arith.cmpi ne, %convert_element_type3A_55, %cond3A_56 : i32
    scf.if %cond3A_57 {
      "tpu.region"() ({
        %run_scoped3A = tpu.sem_alloc : memref<!tpu.dma_semaphore, #tpu.memory_space<semaphore_mem>>
        %dma_start3A = arith.constant 0 : i32
        %dma_start3A_319 = arith.constant 0 : i32
        %dma_start3A_320 = tpu.memref_slice %arg4[%dma_start3A, %dma_start3A_319] : memref<64x51xf32, #tpu.memory_space<vmem>> -> memref<13x51xf32, #tpu.memory_space<vmem>>
        %dma_start3A_321 = arith.constant 960 : i32
        %dma_start3A_322 = arith.constant 0 : i32
        %dma_start3A_323 = tpu.memref_slice %arg2[%dma_start3A_321, %dma_start3A_322] : memref<4096x51xf32, #tpu.memory_space<hbm>> -> memref<13x51xf32, #tpu.memory_space<hbm>>
        %dma_start3A_324 = arith.constant 0 : i32
        %dma_start3A_325 = arith.constant 0 : i32
        %dma_start3A_326 = tpu.memref_slice %arg4[%dma_start3A_324, %dma_start3A_325] : memref<64x51xf32, #tpu.memory_space<vmem>> -> memref<13x51xf32, #tpu.memory_space<vmem>>
        %dma_start3A_327 = arith.constant 960 : i32
        %dma_start3A_328 = arith.constant 0 : i32
        %dma_start3A_329 = tpu.memref_slice %arg2[%dma_start3A_327, %dma_start3A_328] : memref<4096x51xf32, #tpu.memory_space<hbm>> -> memref<13x51xf32, #tpu.memory_space<hbm>>
        tpu.enqueue_dma source(%dma_start3A_329 : memref<13x51xf32, #tpu.memory_space<hbm>>) target(%dma_start3A_326 : memref<13x51xf32, #tpu.memory_space<vmem>>) target_semaphore(%run_scoped3A : memref<!tpu.dma_semaphore, #tpu.memory_space<semaphore_mem>>)
        %dma_wait3A = arith.constant 0 : i32
        %dma_wait3A_330 = arith.constant 0 : i32
        %dma_wait3A_331 = tpu.memref_slice %arg4[%dma_wait3A, %dma_wait3A_330] : memref<64x51xf32, #tpu.memory_space<vmem>> -> memref<13x51xf32, #tpu.memory_space<vmem>>
        %dma_wait3A_332 = arith.constant 960 : i32
        %dma_wait3A_333 = arith.constant 0 : i32
        %dma_wait3A_334 = tpu.memref_slice %arg2[%dma_wait3A_332, %dma_wait3A_333] : memref<4096x51xf32, #tpu.memory_space<hbm>> -> memref<13x51xf32, #tpu.memory_space<hbm>>
        %dma_wait3A_335 = arith.constant 0 : i32
        %dma_wait3A_336 = arith.constant 0 : i32
        %dma_wait3A_337 = tpu.memref_slice %arg4[%dma_wait3A_335, %dma_wait3A_336] : memref<64x51xf32, #tpu.memory_space<vmem>> -> memref<13x51xf32, #tpu.memory_space<vmem>>
        %dma_wait3A_338 = arith.constant 960 : i32
        %dma_wait3A_339 = arith.constant 0 : i32
        %dma_wait3A_340 = tpu.memref_slice %arg2[%dma_wait3A_338, %dma_wait3A_339] : memref<4096x51xf32, #tpu.memory_space<hbm>> -> memref<13x51xf32, #tpu.memory_space<hbm>>
        tpu.wait_dma2 semaphore(%run_scoped3A : memref<!tpu.dma_semaphore, #tpu.memory_space<semaphore_mem>>) src(%dma_wait3A_340 : memref<13x51xf32, #tpu.memory_space<hbm>>) dst(%dma_wait3A_337 : memref<13x51xf32, #tpu.memory_space<vmem>>)
        tpu.yield
      }) : () -> ()
      "tpu.region"() ({
        %run_scoped3A = tpu.sem_alloc : memref<!tpu.dma_semaphore, #tpu.memory_space<semaphore_mem>>
        %dma_start3A = arith.constant 13 : i32
        %dma_start3A_319 = arith.constant 0 : i32
        %dma_start3A_320 = tpu.memref_slice %arg4[%dma_start3A, %dma_start3A_319] : memref<64x51xf32, #tpu.memory_space<vmem>> -> memref<50x51xf32, #tpu.memory_space<vmem>>
        %dma_start3A_321 = arith.constant 2921 : i32
        %dma_start3A_322 = arith.constant 0 : i32
        %dma_start3A_323 = tpu.memref_slice %arg2[%dma_start3A_321, %dma_start3A_322] : memref<4096x51xf32, #tpu.memory_space<hbm>> -> memref<50x51xf32, #tpu.memory_space<hbm>>
        %dma_start3A_324 = arith.constant 13 : i32
        %dma_start3A_325 = arith.constant 0 : i32
        %dma_start3A_326 = tpu.memref_slice %arg4[%dma_start3A_324, %dma_start3A_325] : memref<64x51xf32, #tpu.memory_space<vmem>> -> memref<50x51xf32, #tpu.memory_space<vmem>>
        %dma_start3A_327 = arith.constant 2921 : i32
        %dma_start3A_328 = arith.constant 0 : i32
        %dma_start3A_329 = tpu.memref_slice %arg2[%dma_start3A_327, %dma_start3A_328] : memref<4096x51xf32, #tpu.memory_space<hbm>> -> memref<50x51xf32, #tpu.memory_space<hbm>>
        tpu.enqueue_dma source(%dma_start3A_329 : memref<50x51xf32, #tpu.memory_space<hbm>>) target(%dma_start3A_326 : memref<50x51xf32, #tpu.memory_space<vmem>>) target_semaphore(%run_scoped3A : memref<!tpu.dma_semaphore, #tpu.memory_space<semaphore_mem>>)
        %dma_wait3A = arith.constant 13 : i32
        %dma_wait3A_330 = arith.constant 0 : i32
        %dma_wait3A_331 = tpu.memref_slice %arg4[%dma_wait3A, %dma_wait3A_330] : memref<64x51xf32, #tpu.memory_space<vmem>> -> memref<50x51xf32, #tpu.memory_space<vmem>>
        %dma_wait3A_332 = arith.constant 2921 : i32
        %dma_wait3A_333 = arith.constant 0 : i32
        %dma_wait3A_334 = tpu.memref_slice %arg2[%dma_wait3A_332, %dma_wait3A_333] : memref<4096x51xf32, #tpu.memory_space<hbm>> -> memref<50x51xf32, #tpu.memory_space<hbm>>
        %dma_wait3A_335 = arith.constant 13 : i32
        %dma_wait3A_336 = arith.constant 0 : i32
        %dma_wait3A_337 = tpu.memref_slice %arg4[%dma_wait3A_335, %dma_wait3A_336] : memref<64x51xf32, #tpu.memory_space<vmem>> -> memref<50x51xf32, #tpu.memory_space<vmem>>
        %dma_wait3A_338 = arith.constant 2921 : i32
        %dma_wait3A_339 = arith.constant 0 : i32
        %dma_wait3A_340 = tpu.memref_slice %arg2[%dma_wait3A_338, %dma_wait3A_339] : memref<4096x51xf32, #tpu.memory_space<hbm>> -> memref<50x51xf32, #tpu.memory_space<hbm>>
        tpu.wait_dma2 semaphore(%run_scoped3A : memref<!tpu.dma_semaphore, #tpu.memory_space<semaphore_mem>>) src(%dma_wait3A_340 : memref<50x51xf32, #tpu.memory_space<hbm>>) dst(%dma_wait3A_337 : memref<50x51xf32, #tpu.memory_space<vmem>>)
        tpu.yield
      }) : () -> ()
    } else {
    }
    %eq3A_58 = arith.constant 12 : i32
    %eq3A_59 = arith.cmpi eq, %add3A, %eq3A_58 : i32
    %convert_element_type3A_60 = arith.extui %eq3A_59 : i1 to i32
    %cond3A_61 = arith.constant 0 : i32
    %cond3A_62 = arith.cmpi ne, %convert_element_type3A_60, %cond3A_61 : i32
    scf.if %cond3A_62 {
      "tpu.region"() ({
        %run_scoped3A = tpu.sem_alloc : memref<!tpu.dma_semaphore, #tpu.memory_space<semaphore_mem>>
        %dma_start3A = arith.constant 0 : i32
        %dma_start3A_319 = arith.constant 0 : i32
        %dma_start3A_320 = tpu.memref_slice %arg4[%dma_start3A, %dma_start3A_319] : memref<64x51xf32, #tpu.memory_space<vmem>> -> memref<50x51xf32, #tpu.memory_space<vmem>>
        %dma_start3A_321 = arith.constant 2971 : i32
        %dma_start3A_322 = arith.constant 0 : i32
        %dma_start3A_323 = tpu.memref_slice %arg2[%dma_start3A_321, %dma_start3A_322] : memref<4096x51xf32, #tpu.memory_space<hbm>> -> memref<50x51xf32, #tpu.memory_space<hbm>>
        %dma_start3A_324 = arith.constant 0 : i32
        %dma_start3A_325 = arith.constant 0 : i32
        %dma_start3A_326 = tpu.memref_slice %arg4[%dma_start3A_324, %dma_start3A_325] : memref<64x51xf32, #tpu.memory_space<vmem>> -> memref<50x51xf32, #tpu.memory_space<vmem>>
        %dma_start3A_327 = arith.constant 2971 : i32
        %dma_start3A_328 = arith.constant 0 : i32
        %dma_start3A_329 = tpu.memref_slice %arg2[%dma_start3A_327, %dma_start3A_328] : memref<4096x51xf32, #tpu.memory_space<hbm>> -> memref<50x51xf32, #tpu.memory_space<hbm>>
        tpu.enqueue_dma source(%dma_start3A_329 : memref<50x51xf32, #tpu.memory_space<hbm>>) target(%dma_start3A_326 : memref<50x51xf32, #tpu.memory_space<vmem>>) target_semaphore(%run_scoped3A : memref<!tpu.dma_semaphore, #tpu.memory_space<semaphore_mem>>)
        %dma_wait3A = arith.constant 0 : i32
        %dma_wait3A_330 = arith.constant 0 : i32
        %dma_wait3A_331 = tpu.memref_slice %arg4[%dma_wait3A, %dma_wait3A_330] : memref<64x51xf32, #tpu.memory_space<vmem>> -> memref<50x51xf32, #tpu.memory_space<vmem>>
        %dma_wait3A_332 = arith.constant 2971 : i32
        %dma_wait3A_333 = arith.constant 0 : i32
        %dma_wait3A_334 = tpu.memref_slice %arg2[%dma_wait3A_332, %dma_wait3A_333] : memref<4096x51xf32, #tpu.memory_space<hbm>> -> memref<50x51xf32, #tpu.memory_space<hbm>>
        %dma_wait3A_335 = arith.constant 0 : i32
        %dma_wait3A_336 = arith.constant 0 : i32
        %dma_wait3A_337 = tpu.memref_slice %arg4[%dma_wait3A_335, %dma_wait3A_336] : memref<64x51xf32, #tpu.memory_space<vmem>> -> memref<50x51xf32, #tpu.memory_space<vmem>>
        %dma_wait3A_338 = arith.constant 2971 : i32
        %dma_wait3A_339 = arith.constant 0 : i32
        %dma_wait3A_340 = tpu.memref_slice %arg2[%dma_wait3A_338, %dma_wait3A_339] : memref<4096x51xf32, #tpu.memory_space<hbm>> -> memref<50x51xf32, #tpu.memory_space<hbm>>
        tpu.wait_dma2 semaphore(%run_scoped3A : memref<!tpu.dma_semaphore, #tpu.memory_space<semaphore_mem>>) src(%dma_wait3A_340 : memref<50x51xf32, #tpu.memory_space<hbm>>) dst(%dma_wait3A_337 : memref<50x51xf32, #tpu.memory_space<vmem>>)
        tpu.yield
      }) : () -> ()
      "tpu.region"() ({
        %run_scoped3A = tpu.sem_alloc : memref<!tpu.dma_semaphore, #tpu.memory_space<semaphore_mem>>
        %dma_start3A = arith.constant 50 : i32
        %dma_start3A_319 = arith.constant 0 : i32
        %dma_start3A_320 = tpu.memref_slice %arg4[%dma_start3A, %dma_start3A_319] : memref<64x51xf32, #tpu.memory_space<vmem>> -> memref<12x51xf32, #tpu.memory_space<vmem>>
        %dma_start3A_321 = arith.constant 416 : i32
        %dma_start3A_322 = arith.constant 0 : i32
        %dma_start3A_323 = tpu.memref_slice %arg2[%dma_start3A_321, %dma_start3A_322] : memref<4096x51xf32, #tpu.memory_space<hbm>> -> memref<12x51xf32, #tpu.memory_space<hbm>>
        %dma_start3A_324 = arith.constant 50 : i32
        %dma_start3A_325 = arith.constant 0 : i32
        %dma_start3A_326 = tpu.memref_slice %arg4[%dma_start3A_324, %dma_start3A_325] : memref<64x51xf32, #tpu.memory_space<vmem>> -> memref<12x51xf32, #tpu.memory_space<vmem>>
        %dma_start3A_327 = arith.constant 416 : i32
        %dma_start3A_328 = arith.constant 0 : i32
        %dma_start3A_329 = tpu.memref_slice %arg2[%dma_start3A_327, %dma_start3A_328] : memref<4096x51xf32, #tpu.memory_space<hbm>> -> memref<12x51xf32, #tpu.memory_space<hbm>>
        tpu.enqueue_dma source(%dma_start3A_329 : memref<12x51xf32, #tpu.memory_space<hbm>>) target(%dma_start3A_326 : memref<12x51xf32, #tpu.memory_space<vmem>>) target_semaphore(%run_scoped3A : memref<!tpu.dma_semaphore, #tpu.memory_space<semaphore_mem>>)
        %dma_wait3A = arith.constant 50 : i32
        %dma_wait3A_330 = arith.constant 0 : i32
        %dma_wait3A_331 = tpu.memref_slice %arg4[%dma_wait3A, %dma_wait3A_330] : memref<64x51xf32, #tpu.memory_space<vmem>> -> memref<12x51xf32, #tpu.memory_space<vmem>>
        %dma_wait3A_332 = arith.constant 416 : i32
        %dma_wait3A_333 = arith.constant 0 : i32
        %dma_wait3A_334 = tpu.memref_slice %arg2[%dma_wait3A_332, %dma_wait3A_333] : memref<4096x51xf32, #tpu.memory_space<hbm>> -> memref<12x51xf32, #tpu.memory_space<hbm>>
        %dma_wait3A_335 = arith.constant 50 : i32
        %dma_wait3A_336 = arith.constant 0 : i32
        %dma_wait3A_337 = tpu.memref_slice %arg4[%dma_wait3A_335, %dma_wait3A_336] : memref<64x51xf32, #tpu.memory_space<vmem>> -> memref<12x51xf32, #tpu.memory_space<vmem>>
        %dma_wait3A_338 = arith.constant 416 : i32
        %dma_wait3A_339 = arith.constant 0 : i32
        %dma_wait3A_340 = tpu.memref_slice %arg2[%dma_wait3A_338, %dma_wait3A_339] : memref<4096x51xf32, #tpu.memory_space<hbm>> -> memref<12x51xf32, #tpu.memory_space<hbm>>
        tpu.wait_dma2 semaphore(%run_scoped3A : memref<!tpu.dma_semaphore, #tpu.memory_space<semaphore_mem>>) src(%dma_wait3A_340 : memref<12x51xf32, #tpu.memory_space<hbm>>) dst(%dma_wait3A_337 : memref<12x51xf32, #tpu.memory_space<vmem>>)
        tpu.yield
      }) : () -> ()
    } else {
    }
    %eq3A_63 = arith.constant 13 : i32
    %eq3A_64 = arith.cmpi eq, %add3A, %eq3A_63 : i32
    %convert_element_type3A_65 = arith.extui %eq3A_64 : i1 to i32
    %cond3A_66 = arith.constant 0 : i32
    %cond3A_67 = arith.cmpi ne, %convert_element_type3A_65, %cond3A_66 : i32
    scf.if %cond3A_67 {
      "tpu.region"() ({
        %run_scoped3A = tpu.sem_alloc : memref<!tpu.dma_semaphore, #tpu.memory_space<semaphore_mem>>
        %dma_start3A = arith.constant 0 : i32
        %dma_start3A_319 = arith.constant 0 : i32
        %dma_start3A_320 = tpu.memref_slice %arg4[%dma_start3A, %dma_start3A_319] : memref<64x51xf32, #tpu.memory_space<vmem>> -> memref<63x51xf32, #tpu.memory_space<vmem>>
        %dma_start3A_321 = arith.constant 428 : i32
        %dma_start3A_322 = arith.constant 0 : i32
        %dma_start3A_323 = tpu.memref_slice %arg2[%dma_start3A_321, %dma_start3A_322] : memref<4096x51xf32, #tpu.memory_space<hbm>> -> memref<63x51xf32, #tpu.memory_space<hbm>>
        %dma_start3A_324 = arith.constant 0 : i32
        %dma_start3A_325 = arith.constant 0 : i32
        %dma_start3A_326 = tpu.memref_slice %arg4[%dma_start3A_324, %dma_start3A_325] : memref<64x51xf32, #tpu.memory_space<vmem>> -> memref<63x51xf32, #tpu.memory_space<vmem>>
        %dma_start3A_327 = arith.constant 428 : i32
        %dma_start3A_328 = arith.constant 0 : i32
        %dma_start3A_329 = tpu.memref_slice %arg2[%dma_start3A_327, %dma_start3A_328] : memref<4096x51xf32, #tpu.memory_space<hbm>> -> memref<63x51xf32, #tpu.memory_space<hbm>>
        tpu.enqueue_dma source(%dma_start3A_329 : memref<63x51xf32, #tpu.memory_space<hbm>>) target(%dma_start3A_326 : memref<63x51xf32, #tpu.memory_space<vmem>>) target_semaphore(%run_scoped3A : memref<!tpu.dma_semaphore, #tpu.memory_space<semaphore_mem>>)
        %dma_wait3A = arith.constant 0 : i32
        %dma_wait3A_330 = arith.constant 0 : i32
        %dma_wait3A_331 = tpu.memref_slice %arg4[%dma_wait3A, %dma_wait3A_330] : memref<64x51xf32, #tpu.memory_space<vmem>> -> memref<63x51xf32, #tpu.memory_space<vmem>>
        %dma_wait3A_332 = arith.constant 428 : i32
        %dma_wait3A_333 = arith.constant 0 : i32
        %dma_wait3A_334 = tpu.memref_slice %arg2[%dma_wait3A_332, %dma_wait3A_333] : memref<4096x51xf32, #tpu.memory_space<hbm>> -> memref<63x51xf32, #tpu.memory_space<hbm>>
        %dma_wait3A_335 = arith.constant 0 : i32
        %dma_wait3A_336 = arith.constant 0 : i32
        %dma_wait3A_337 = tpu.memref_slice %arg4[%dma_wait3A_335, %dma_wait3A_336] : memref<64x51xf32, #tpu.memory_space<vmem>> -> memref<63x51xf32, #tpu.memory_space<vmem>>
        %dma_wait3A_338 = arith.constant 428 : i32
        %dma_wait3A_339 = arith.constant 0 : i32
        %dma_wait3A_340 = tpu.memref_slice %arg2[%dma_wait3A_338, %dma_wait3A_339] : memref<4096x51xf32, #tpu.memory_space<hbm>> -> memref<63x51xf32, #tpu.memory_space<hbm>>
        tpu.wait_dma2 semaphore(%run_scoped3A : memref<!tpu.dma_semaphore, #tpu.memory_space<semaphore_mem>>) src(%dma_wait3A_340 : memref<63x51xf32, #tpu.memory_space<hbm>>) dst(%dma_wait3A_337 : memref<63x51xf32, #tpu.memory_space<vmem>>)
        tpu.yield
      }) : () -> ()
    } else {
    }
    %eq3A_68 = arith.constant 14 : i32
    %eq3A_69 = arith.cmpi eq, %add3A, %eq3A_68 : i32
    %convert_element_type3A_70 = arith.extui %eq3A_69 : i1 to i32
    %cond3A_71 = arith.constant 0 : i32
    %cond3A_72 = arith.cmpi ne, %convert_element_type3A_70, %cond3A_71 : i32
    scf.if %cond3A_72 {
      "tpu.region"() ({
        %run_scoped3A = tpu.sem_alloc : memref<!tpu.dma_semaphore, #tpu.memory_space<semaphore_mem>>
        %dma_start3A = arith.constant 0 : i32
        %dma_start3A_319 = arith.constant 0 : i32
        %dma_start3A_320 = tpu.memref_slice %arg4[%dma_start3A, %dma_start3A_319] : memref<64x51xf32, #tpu.memory_space<vmem>> -> memref<25x51xf32, #tpu.memory_space<vmem>>
        %dma_start3A_321 = arith.constant 491 : i32
        %dma_start3A_322 = arith.constant 0 : i32
        %dma_start3A_323 = tpu.memref_slice %arg2[%dma_start3A_321, %dma_start3A_322] : memref<4096x51xf32, #tpu.memory_space<hbm>> -> memref<25x51xf32, #tpu.memory_space<hbm>>
        %dma_start3A_324 = arith.constant 0 : i32
        %dma_start3A_325 = arith.constant 0 : i32
        %dma_start3A_326 = tpu.memref_slice %arg4[%dma_start3A_324, %dma_start3A_325] : memref<64x51xf32, #tpu.memory_space<vmem>> -> memref<25x51xf32, #tpu.memory_space<vmem>>
        %dma_start3A_327 = arith.constant 491 : i32
        %dma_start3A_328 = arith.constant 0 : i32
        %dma_start3A_329 = tpu.memref_slice %arg2[%dma_start3A_327, %dma_start3A_328] : memref<4096x51xf32, #tpu.memory_space<hbm>> -> memref<25x51xf32, #tpu.memory_space<hbm>>
        tpu.enqueue_dma source(%dma_start3A_329 : memref<25x51xf32, #tpu.memory_space<hbm>>) target(%dma_start3A_326 : memref<25x51xf32, #tpu.memory_space<vmem>>) target_semaphore(%run_scoped3A : memref<!tpu.dma_semaphore, #tpu.memory_space<semaphore_mem>>)
        %dma_wait3A = arith.constant 0 : i32
        %dma_wait3A_330 = arith.constant 0 : i32
        %dma_wait3A_331 = tpu.memref_slice %arg4[%dma_wait3A, %dma_wait3A_330] : memref<64x51xf32, #tpu.memory_space<vmem>> -> memref<25x51xf32, #tpu.memory_space<vmem>>
        %dma_wait3A_332 = arith.constant 491 : i32
        %dma_wait3A_333 = arith.constant 0 : i32
        %dma_wait3A_334 = tpu.memref_slice %arg2[%dma_wait3A_332, %dma_wait3A_333] : memref<4096x51xf32, #tpu.memory_space<hbm>> -> memref<25x51xf32, #tpu.memory_space<hbm>>
        %dma_wait3A_335 = arith.constant 0 : i32
        %dma_wait3A_336 = arith.constant 0 : i32
        %dma_wait3A_337 = tpu.memref_slice %arg4[%dma_wait3A_335, %dma_wait3A_336] : memref<64x51xf32, #tpu.memory_space<vmem>> -> memref<25x51xf32, #tpu.memory_space<vmem>>
        %dma_wait3A_338 = arith.constant 491 : i32
        %dma_wait3A_339 = arith.constant 0 : i32
        %dma_wait3A_340 = tpu.memref_slice %arg2[%dma_wait3A_338, %dma_wait3A_339] : memref<4096x51xf32, #tpu.memory_space<hbm>> -> memref<25x51xf32, #tpu.memory_space<hbm>>
        tpu.wait_dma2 semaphore(%run_scoped3A : memref<!tpu.dma_semaphore, #tpu.memory_space<semaphore_mem>>) src(%dma_wait3A_340 : memref<25x51xf32, #tpu.memory_space<hbm>>) dst(%dma_wait3A_337 : memref<25x51xf32, #tpu.memory_space<vmem>>)
        tpu.yield
      }) : () -> ()
      "tpu.region"() ({
        %run_scoped3A = tpu.sem_alloc : memref<!tpu.dma_semaphore, #tpu.memory_space<semaphore_mem>>
        %dma_start3A = arith.constant 25 : i32
        %dma_start3A_319 = arith.constant 0 : i32
        %dma_start3A_320 = tpu.memref_slice %arg4[%dma_start3A, %dma_start3A_319] : memref<64x51xf32, #tpu.memory_space<vmem>> -> memref<37x51xf32, #tpu.memory_space<vmem>>
        %dma_start3A_321 = arith.constant 2464 : i32
        %dma_start3A_322 = arith.constant 0 : i32
        %dma_start3A_323 = tpu.memref_slice %arg2[%dma_start3A_321, %dma_start3A_322] : memref<4096x51xf32, #tpu.memory_space<hbm>> -> memref<37x51xf32, #tpu.memory_space<hbm>>
        %dma_start3A_324 = arith.constant 25 : i32
        %dma_start3A_325 = arith.constant 0 : i32
        %dma_start3A_326 = tpu.memref_slice %arg4[%dma_start3A_324, %dma_start3A_325] : memref<64x51xf32, #tpu.memory_space<vmem>> -> memref<37x51xf32, #tpu.memory_space<vmem>>
        %dma_start3A_327 = arith.constant 2464 : i32
        %dma_start3A_328 = arith.constant 0 : i32
        %dma_start3A_329 = tpu.memref_slice %arg2[%dma_start3A_327, %dma_start3A_328] : memref<4096x51xf32, #tpu.memory_space<hbm>> -> memref<37x51xf32, #tpu.memory_space<hbm>>
        tpu.enqueue_dma source(%dma_start3A_329 : memref<37x51xf32, #tpu.memory_space<hbm>>) target(%dma_start3A_326 : memref<37x51xf32, #tpu.memory_space<vmem>>) target_semaphore(%run_scoped3A : memref<!tpu.dma_semaphore, #tpu.memory_space<semaphore_mem>>)
        %dma_wait3A = arith.constant 25 : i32
        %dma_wait3A_330 = arith.constant 0 : i32
        %dma_wait3A_331 = tpu.memref_slice %arg4[%dma_wait3A, %dma_wait3A_330] : memref<64x51xf32, #tpu.memory_space<vmem>> -> memref<37x51xf32, #tpu.memory_space<vmem>>
        %dma_wait3A_332 = arith.constant 2464 : i32
        %dma_wait3A_333 = arith.constant 0 : i32
        %dma_wait3A_334 = tpu.memref_slice %arg2[%dma_wait3A_332, %dma_wait3A_333] : memref<4096x51xf32, #tpu.memory_space<hbm>> -> memref<37x51xf32, #tpu.memory_space<hbm>>
        %dma_wait3A_335 = arith.constant 25 : i32
        %dma_wait3A_336 = arith.constant 0 : i32
        %dma_wait3A_337 = tpu.memref_slice %arg4[%dma_wait3A_335, %dma_wait3A_336] : memref<64x51xf32, #tpu.memory_space<vmem>> -> memref<37x51xf32, #tpu.memory_space<vmem>>
        %dma_wait3A_338 = arith.constant 2464 : i32
        %dma_wait3A_339 = arith.constant 0 : i32
        %dma_wait3A_340 = tpu.memref_slice %arg2[%dma_wait3A_338, %dma_wait3A_339] : memref<4096x51xf32, #tpu.memory_space<hbm>> -> memref<37x51xf32, #tpu.memory_space<hbm>>
        tpu.wait_dma2 semaphore(%run_scoped3A : memref<!tpu.dma_semaphore, #tpu.memory_space<semaphore_mem>>) src(%dma_wait3A_340 : memref<37x51xf32, #tpu.memory_space<hbm>>) dst(%dma_wait3A_337 : memref<37x51xf32, #tpu.memory_space<vmem>>)
        tpu.yield
      }) : () -> ()
    } else {
    }
    %eq3A_73 = arith.constant 15 : i32
    %eq3A_74 = arith.cmpi eq, %add3A, %eq3A_73 : i32
    %convert_element_type3A_75 = arith.extui %eq3A_74 : i1 to i32
    %cond3A_76 = arith.constant 0 : i32
    %cond3A_77 = arith.cmpi ne, %convert_element_type3A_75, %cond3A_76 : i32
    scf.if %cond3A_77 {
      "tpu.region"() ({
        %run_scoped3A = tpu.sem_alloc : memref<!tpu.dma_semaphore, #tpu.memory_space<semaphore_mem>>
        %dma_start3A = arith.constant 0 : i32
        %dma_start3A_319 = arith.constant 0 : i32
        %dma_start3A_320 = tpu.memref_slice %arg4[%dma_start3A, %dma_start3A_319] : memref<64x51xf32, #tpu.memory_space<vmem>> -> memref<63x51xf32, #tpu.memory_space<vmem>>
        %dma_start3A_321 = arith.constant 2501 : i32
        %dma_start3A_322 = arith.constant 0 : i32
        %dma_start3A_323 = tpu.memref_slice %arg2[%dma_start3A_321, %dma_start3A_322] : memref<4096x51xf32, #tpu.memory_space<hbm>> -> memref<63x51xf32, #tpu.memory_space<hbm>>
        %dma_start3A_324 = arith.constant 0 : i32
        %dma_start3A_325 = arith.constant 0 : i32
        %dma_start3A_326 = tpu.memref_slice %arg4[%dma_start3A_324, %dma_start3A_325] : memref<64x51xf32, #tpu.memory_space<vmem>> -> memref<63x51xf32, #tpu.memory_space<vmem>>
        %dma_start3A_327 = arith.constant 2501 : i32
        %dma_start3A_328 = arith.constant 0 : i32
        %dma_start3A_329 = tpu.memref_slice %arg2[%dma_start3A_327, %dma_start3A_328] : memref<4096x51xf32, #tpu.memory_space<hbm>> -> memref<63x51xf32, #tpu.memory_space<hbm>>
        tpu.enqueue_dma source(%dma_start3A_329 : memref<63x51xf32, #tpu.memory_space<hbm>>) target(%dma_start3A_326 : memref<63x51xf32, #tpu.memory_space<vmem>>) target_semaphore(%run_scoped3A : memref<!tpu.dma_semaphore, #tpu.memory_space<semaphore_mem>>)
        %dma_wait3A = arith.constant 0 : i32
        %dma_wait3A_330 = arith.constant 0 : i32
        %dma_wait3A_331 = tpu.memref_slice %arg4[%dma_wait3A, %dma_wait3A_330] : memref<64x51xf32, #tpu.memory_space<vmem>> -> memref<63x51xf32, #tpu.memory_space<vmem>>
        %dma_wait3A_332 = arith.constant 2501 : i32
        %dma_wait3A_333 = arith.constant 0 : i32
        %dma_wait3A_334 = tpu.memref_slice %arg2[%dma_wait3A_332, %dma_wait3A_333] : memref<4096x51xf32, #tpu.memory_space<hbm>> -> memref<63x51xf32, #tpu.memory_space<hbm>>
        %dma_wait3A_335 = arith.constant 0 : i32
        %dma_wait3A_336 = arith.constant 0 : i32
        %dma_wait3A_337 = tpu.memref_slice %arg4[%dma_wait3A_335, %dma_wait3A_336] : memref<64x51xf32, #tpu.memory_space<vmem>> -> memref<63x51xf32, #tpu.memory_space<vmem>>
        %dma_wait3A_338 = arith.constant 2501 : i32
        %dma_wait3A_339 = arith.constant 0 : i32
        %dma_wait3A_340 = tpu.memref_slice %arg2[%dma_wait3A_338, %dma_wait3A_339] : memref<4096x51xf32, #tpu.memory_space<hbm>> -> memref<63x51xf32, #tpu.memory_space<hbm>>
        tpu.wait_dma2 semaphore(%run_scoped3A : memref<!tpu.dma_semaphore, #tpu.memory_space<semaphore_mem>>) src(%dma_wait3A_340 : memref<63x51xf32, #tpu.memory_space<hbm>>) dst(%dma_wait3A_337 : memref<63x51xf32, #tpu.memory_space<vmem>>)
        tpu.yield
      }) : () -> ()
    } else {
    }
    %eq3A_78 = arith.constant 16 : i32
    %eq3A_79 = arith.cmpi eq, %add3A, %eq3A_78 : i32
    %convert_element_type3A_80 = arith.extui %eq3A_79 : i1 to i32
    %cond3A_81 = arith.constant 0 : i32
    %cond3A_82 = arith.cmpi ne, %convert_element_type3A_80, %cond3A_81 : i32
    scf.if %cond3A_82 {
      "tpu.region"() ({
        %run_scoped3A = tpu.sem_alloc : memref<!tpu.dma_semaphore, #tpu.memory_space<semaphore_mem>>
        %dma_start3A = arith.constant 0 : i32
        %dma_start3A_319 = arith.constant 0 : i32
        %dma_start3A_320 = tpu.memref_slice %arg4[%dma_start3A, %dma_start3A_319] : memref<64x51xf32, #tpu.memory_space<vmem>> -> memref<62x51xf32, #tpu.memory_space<vmem>>
        %dma_start3A_321 = arith.constant 684 : i32
        %dma_start3A_322 = arith.constant 0 : i32
        %dma_start3A_323 = tpu.memref_slice %arg2[%dma_start3A_321, %dma_start3A_322] : memref<4096x51xf32, #tpu.memory_space<hbm>> -> memref<62x51xf32, #tpu.memory_space<hbm>>
        %dma_start3A_324 = arith.constant 0 : i32
        %dma_start3A_325 = arith.constant 0 : i32
        %dma_start3A_326 = tpu.memref_slice %arg4[%dma_start3A_324, %dma_start3A_325] : memref<64x51xf32, #tpu.memory_space<vmem>> -> memref<62x51xf32, #tpu.memory_space<vmem>>
        %dma_start3A_327 = arith.constant 684 : i32
        %dma_start3A_328 = arith.constant 0 : i32
        %dma_start3A_329 = tpu.memref_slice %arg2[%dma_start3A_327, %dma_start3A_328] : memref<4096x51xf32, #tpu.memory_space<hbm>> -> memref<62x51xf32, #tpu.memory_space<hbm>>
        tpu.enqueue_dma source(%dma_start3A_329 : memref<62x51xf32, #tpu.memory_space<hbm>>) target(%dma_start3A_326 : memref<62x51xf32, #tpu.memory_space<vmem>>) target_semaphore(%run_scoped3A : memref<!tpu.dma_semaphore, #tpu.memory_space<semaphore_mem>>)
        %dma_wait3A = arith.constant 0 : i32
        %dma_wait3A_330 = arith.constant 0 : i32
        %dma_wait3A_331 = tpu.memref_slice %arg4[%dma_wait3A, %dma_wait3A_330] : memref<64x51xf32, #tpu.memory_space<vmem>> -> memref<62x51xf32, #tpu.memory_space<vmem>>
        %dma_wait3A_332 = arith.constant 684 : i32
        %dma_wait3A_333 = arith.constant 0 : i32
        %dma_wait3A_334 = tpu.memref_slice %arg2[%dma_wait3A_332, %dma_wait3A_333] : memref<4096x51xf32, #tpu.memory_space<hbm>> -> memref<62x51xf32, #tpu.memory_space<hbm>>
        %dma_wait3A_335 = arith.constant 0 : i32
        %dma_wait3A_336 = arith.constant 0 : i32
        %dma_wait3A_337 = tpu.memref_slice %arg4[%dma_wait3A_335, %dma_wait3A_336] : memref<64x51xf32, #tpu.memory_space<vmem>> -> memref<62x51xf32, #tpu.memory_space<vmem>>
        %dma_wait3A_338 = arith.constant 684 : i32
        %dma_wait3A_339 = arith.constant 0 : i32
        %dma_wait3A_340 = tpu.memref_slice %arg2[%dma_wait3A_338, %dma_wait3A_339] : memref<4096x51xf32, #tpu.memory_space<hbm>> -> memref<62x51xf32, #tpu.memory_space<hbm>>
        tpu.wait_dma2 semaphore(%run_scoped3A : memref<!tpu.dma_semaphore, #tpu.memory_space<semaphore_mem>>) src(%dma_wait3A_340 : memref<62x51xf32, #tpu.memory_space<hbm>>) dst(%dma_wait3A_337 : memref<62x51xf32, #tpu.memory_space<vmem>>)
        tpu.yield
      }) : () -> ()
    } else {
    }
    %eq3A_83 = arith.constant 17 : i32
    %eq3A_84 = arith.cmpi eq, %add3A, %eq3A_83 : i32
    %convert_element_type3A_85 = arith.extui %eq3A_84 : i1 to i32
    %cond3A_86 = arith.constant 0 : i32
    %cond3A_87 = arith.cmpi ne, %convert_element_type3A_85, %cond3A_86 : i32
    scf.if %cond3A_87 {
      "tpu.region"() ({
        %run_scoped3A = tpu.sem_alloc : memref<!tpu.dma_semaphore, #tpu.memory_space<semaphore_mem>>
        %dma_start3A = arith.constant 0 : i32
        %dma_start3A_319 = arith.constant 0 : i32
        %dma_start3A_320 = tpu.memref_slice %arg4[%dma_start3A, %dma_start3A_319] : memref<64x51xf32, #tpu.memory_space<vmem>> -> memref<38x51xf32, #tpu.memory_space<vmem>>
        %dma_start3A_321 = arith.constant 746 : i32
        %dma_start3A_322 = arith.constant 0 : i32
        %dma_start3A_323 = tpu.memref_slice %arg2[%dma_start3A_321, %dma_start3A_322] : memref<4096x51xf32, #tpu.memory_space<hbm>> -> memref<38x51xf32, #tpu.memory_space<hbm>>
        %dma_start3A_324 = arith.constant 0 : i32
        %dma_start3A_325 = arith.constant 0 : i32
        %dma_start3A_326 = tpu.memref_slice %arg4[%dma_start3A_324, %dma_start3A_325] : memref<64x51xf32, #tpu.memory_space<vmem>> -> memref<38x51xf32, #tpu.memory_space<vmem>>
        %dma_start3A_327 = arith.constant 746 : i32
        %dma_start3A_328 = arith.constant 0 : i32
        %dma_start3A_329 = tpu.memref_slice %arg2[%dma_start3A_327, %dma_start3A_328] : memref<4096x51xf32, #tpu.memory_space<hbm>> -> memref<38x51xf32, #tpu.memory_space<hbm>>
        tpu.enqueue_dma source(%dma_start3A_329 : memref<38x51xf32, #tpu.memory_space<hbm>>) target(%dma_start3A_326 : memref<38x51xf32, #tpu.memory_space<vmem>>) target_semaphore(%run_scoped3A : memref<!tpu.dma_semaphore, #tpu.memory_space<semaphore_mem>>)
        %dma_wait3A = arith.constant 0 : i32
        %dma_wait3A_330 = arith.constant 0 : i32
        %dma_wait3A_331 = tpu.memref_slice %arg4[%dma_wait3A, %dma_wait3A_330] : memref<64x51xf32, #tpu.memory_space<vmem>> -> memref<38x51xf32, #tpu.memory_space<vmem>>
        %dma_wait3A_332 = arith.constant 746 : i32
        %dma_wait3A_333 = arith.constant 0 : i32
        %dma_wait3A_334 = tpu.memref_slice %arg2[%dma_wait3A_332, %dma_wait3A_333] : memref<4096x51xf32, #tpu.memory_space<hbm>> -> memref<38x51xf32, #tpu.memory_space<hbm>>
        %dma_wait3A_335 = arith.constant 0 : i32
        %dma_wait3A_336 = arith.constant 0 : i32
        %dma_wait3A_337 = tpu.memref_slice %arg4[%dma_wait3A_335, %dma_wait3A_336] : memref<64x51xf32, #tpu.memory_space<vmem>> -> memref<38x51xf32, #tpu.memory_space<vmem>>
        %dma_wait3A_338 = arith.constant 746 : i32
        %dma_wait3A_339 = arith.constant 0 : i32
        %dma_wait3A_340 = tpu.memref_slice %arg2[%dma_wait3A_338, %dma_wait3A_339] : memref<4096x51xf32, #tpu.memory_space<hbm>> -> memref<38x51xf32, #tpu.memory_space<hbm>>
        tpu.wait_dma2 semaphore(%run_scoped3A : memref<!tpu.dma_semaphore, #tpu.memory_space<semaphore_mem>>) src(%dma_wait3A_340 : memref<38x51xf32, #tpu.memory_space<hbm>>) dst(%dma_wait3A_337 : memref<38x51xf32, #tpu.memory_space<vmem>>)
        tpu.yield
      }) : () -> ()
      "tpu.region"() ({
        %run_scoped3A = tpu.sem_alloc : memref<!tpu.dma_semaphore, #tpu.memory_space<semaphore_mem>>
        %dma_start3A = arith.constant 38 : i32
        %dma_start3A_319 = arith.constant 0 : i32
        %dma_start3A_320 = tpu.memref_slice %arg4[%dma_start3A, %dma_start3A_319] : memref<64x51xf32, #tpu.memory_space<vmem>> -> memref<25x51xf32, #tpu.memory_space<vmem>>
        %dma_start3A_321 = arith.constant 2732 : i32
        %dma_start3A_322 = arith.constant 0 : i32
        %dma_start3A_323 = tpu.memref_slice %arg2[%dma_start3A_321, %dma_start3A_322] : memref<4096x51xf32, #tpu.memory_space<hbm>> -> memref<25x51xf32, #tpu.memory_space<hbm>>
        %dma_start3A_324 = arith.constant 38 : i32
        %dma_start3A_325 = arith.constant 0 : i32
        %dma_start3A_326 = tpu.memref_slice %arg4[%dma_start3A_324, %dma_start3A_325] : memref<64x51xf32, #tpu.memory_space<vmem>> -> memref<25x51xf32, #tpu.memory_space<vmem>>
        %dma_start3A_327 = arith.constant 2732 : i32
        %dma_start3A_328 = arith.constant 0 : i32
        %dma_start3A_329 = tpu.memref_slice %arg2[%dma_start3A_327, %dma_start3A_328] : memref<4096x51xf32, #tpu.memory_space<hbm>> -> memref<25x51xf32, #tpu.memory_space<hbm>>
        tpu.enqueue_dma source(%dma_start3A_329 : memref<25x51xf32, #tpu.memory_space<hbm>>) target(%dma_start3A_326 : memref<25x51xf32, #tpu.memory_space<vmem>>) target_semaphore(%run_scoped3A : memref<!tpu.dma_semaphore, #tpu.memory_space<semaphore_mem>>)
        %dma_wait3A = arith.constant 38 : i32
        %dma_wait3A_330 = arith.constant 0 : i32
        %dma_wait3A_331 = tpu.memref_slice %arg4[%dma_wait3A, %dma_wait3A_330] : memref<64x51xf32, #tpu.memory_space<vmem>> -> memref<25x51xf32, #tpu.memory_space<vmem>>
        %dma_wait3A_332 = arith.constant 2732 : i32
        %dma_wait3A_333 = arith.constant 0 : i32
        %dma_wait3A_334 = tpu.memref_slice %arg2[%dma_wait3A_332, %dma_wait3A_333] : memref<4096x51xf32, #tpu.memory_space<hbm>> -> memref<25x51xf32, #tpu.memory_space<hbm>>
        %dma_wait3A_335 = arith.constant 38 : i32
        %dma_wait3A_336 = arith.constant 0 : i32
        %dma_wait3A_337 = tpu.memref_slice %arg4[%dma_wait3A_335, %dma_wait3A_336] : memref<64x51xf32, #tpu.memory_space<vmem>> -> memref<25x51xf32, #tpu.memory_space<vmem>>
        %dma_wait3A_338 = arith.constant 2732 : i32
        %dma_wait3A_339 = arith.constant 0 : i32
        %dma_wait3A_340 = tpu.memref_slice %arg2[%dma_wait3A_338, %dma_wait3A_339] : memref<4096x51xf32, #tpu.memory_space<hbm>> -> memref<25x51xf32, #tpu.memory_space<hbm>>
        tpu.wait_dma2 semaphore(%run_scoped3A : memref<!tpu.dma_semaphore, #tpu.memory_space<semaphore_mem>>) src(%dma_wait3A_340 : memref<25x51xf32, #tpu.memory_space<hbm>>) dst(%dma_wait3A_337 : memref<25x51xf32, #tpu.memory_space<vmem>>)
        tpu.yield
      }) : () -> ()
    } else {
    }
    %eq3A_88 = arith.constant 18 : i32
    %eq3A_89 = arith.cmpi eq, %add3A, %eq3A_88 : i32
    %convert_element_type3A_90 = arith.extui %eq3A_89 : i1 to i32
    %cond3A_91 = arith.constant 0 : i32
    %cond3A_92 = arith.cmpi ne, %convert_element_type3A_90, %cond3A_91 : i32
    scf.if %cond3A_92 {
      "tpu.region"() ({
        %run_scoped3A = tpu.sem_alloc : memref<!tpu.dma_semaphore, #tpu.memory_space<semaphore_mem>>
        %dma_start3A = arith.constant 0 : i32
        %dma_start3A_319 = arith.constant 0 : i32
        %dma_start3A_320 = tpu.memref_slice %arg4[%dma_start3A, %dma_start3A_319] : memref<64x51xf32, #tpu.memory_space<vmem>> -> memref<62x51xf32, #tpu.memory_space<vmem>>
        %dma_start3A_321 = arith.constant 2757 : i32
        %dma_start3A_322 = arith.constant 0 : i32
        %dma_start3A_323 = tpu.memref_slice %arg2[%dma_start3A_321, %dma_start3A_322] : memref<4096x51xf32, #tpu.memory_space<hbm>> -> memref<62x51xf32, #tpu.memory_space<hbm>>
        %dma_start3A_324 = arith.constant 0 : i32
        %dma_start3A_325 = arith.constant 0 : i32
        %dma_start3A_326 = tpu.memref_slice %arg4[%dma_start3A_324, %dma_start3A_325] : memref<64x51xf32, #tpu.memory_space<vmem>> -> memref<62x51xf32, #tpu.memory_space<vmem>>
        %dma_start3A_327 = arith.constant 2757 : i32
        %dma_start3A_328 = arith.constant 0 : i32
        %dma_start3A_329 = tpu.memref_slice %arg2[%dma_start3A_327, %dma_start3A_328] : memref<4096x51xf32, #tpu.memory_space<hbm>> -> memref<62x51xf32, #tpu.memory_space<hbm>>
        tpu.enqueue_dma source(%dma_start3A_329 : memref<62x51xf32, #tpu.memory_space<hbm>>) target(%dma_start3A_326 : memref<62x51xf32, #tpu.memory_space<vmem>>) target_semaphore(%run_scoped3A : memref<!tpu.dma_semaphore, #tpu.memory_space<semaphore_mem>>)
        %dma_wait3A = arith.constant 0 : i32
        %dma_wait3A_330 = arith.constant 0 : i32
        %dma_wait3A_331 = tpu.memref_slice %arg4[%dma_wait3A, %dma_wait3A_330] : memref<64x51xf32, #tpu.memory_space<vmem>> -> memref<62x51xf32, #tpu.memory_space<vmem>>
        %dma_wait3A_332 = arith.constant 2757 : i32
        %dma_wait3A_333 = arith.constant 0 : i32
        %dma_wait3A_334 = tpu.memref_slice %arg2[%dma_wait3A_332, %dma_wait3A_333] : memref<4096x51xf32, #tpu.memory_space<hbm>> -> memref<62x51xf32, #tpu.memory_space<hbm>>
        %dma_wait3A_335 = arith.constant 0 : i32
        %dma_wait3A_336 = arith.constant 0 : i32
        %dma_wait3A_337 = tpu.memref_slice %arg4[%dma_wait3A_335, %dma_wait3A_336] : memref<64x51xf32, #tpu.memory_space<vmem>> -> memref<62x51xf32, #tpu.memory_space<vmem>>
        %dma_wait3A_338 = arith.constant 2757 : i32
        %dma_wait3A_339 = arith.constant 0 : i32
        %dma_wait3A_340 = tpu.memref_slice %arg2[%dma_wait3A_338, %dma_wait3A_339] : memref<4096x51xf32, #tpu.memory_space<hbm>> -> memref<62x51xf32, #tpu.memory_space<hbm>>
        tpu.wait_dma2 semaphore(%run_scoped3A : memref<!tpu.dma_semaphore, #tpu.memory_space<semaphore_mem>>) src(%dma_wait3A_340 : memref<62x51xf32, #tpu.memory_space<hbm>>) dst(%dma_wait3A_337 : memref<62x51xf32, #tpu.memory_space<vmem>>)
        tpu.yield
      }) : () -> ()
    } else {
    }
    %eq3A_93 = arith.constant 19 : i32
    %eq3A_94 = arith.cmpi eq, %add3A, %eq3A_93 : i32
    %convert_element_type3A_95 = arith.extui %eq3A_94 : i1 to i32
    %cond3A_96 = arith.constant 0 : i32
    %cond3A_97 = arith.cmpi ne, %convert_element_type3A_95, %cond3A_96 : i32
    scf.if %cond3A_97 {
      "tpu.region"() ({
        %run_scoped3A = tpu.sem_alloc : memref<!tpu.dma_semaphore, #tpu.memory_space<semaphore_mem>>
        %dma_start3A = arith.constant 0 : i32
        %dma_start3A_319 = arith.constant 0 : i32
        %dma_start3A_320 = tpu.memref_slice %arg4[%dma_start3A, %dma_start3A_319] : memref<64x51xf32, #tpu.memory_space<vmem>> -> memref<13x51xf32, #tpu.memory_space<vmem>>
        %dma_start3A_321 = arith.constant 2819 : i32
        %dma_start3A_322 = arith.constant 0 : i32
        %dma_start3A_323 = tpu.memref_slice %arg2[%dma_start3A_321, %dma_start3A_322] : memref<4096x51xf32, #tpu.memory_space<hbm>> -> memref<13x51xf32, #tpu.memory_space<hbm>>
        %dma_start3A_324 = arith.constant 0 : i32
        %dma_start3A_325 = arith.constant 0 : i32
        %dma_start3A_326 = tpu.memref_slice %arg4[%dma_start3A_324, %dma_start3A_325] : memref<64x51xf32, #tpu.memory_space<vmem>> -> memref<13x51xf32, #tpu.memory_space<vmem>>
        %dma_start3A_327 = arith.constant 2819 : i32
        %dma_start3A_328 = arith.constant 0 : i32
        %dma_start3A_329 = tpu.memref_slice %arg2[%dma_start3A_327, %dma_start3A_328] : memref<4096x51xf32, #tpu.memory_space<hbm>> -> memref<13x51xf32, #tpu.memory_space<hbm>>
        tpu.enqueue_dma source(%dma_start3A_329 : memref<13x51xf32, #tpu.memory_space<hbm>>) target(%dma_start3A_326 : memref<13x51xf32, #tpu.memory_space<vmem>>) target_semaphore(%run_scoped3A : memref<!tpu.dma_semaphore, #tpu.memory_space<semaphore_mem>>)
        %dma_wait3A = arith.constant 0 : i32
        %dma_wait3A_330 = arith.constant 0 : i32
        %dma_wait3A_331 = tpu.memref_slice %arg4[%dma_wait3A, %dma_wait3A_330] : memref<64x51xf32, #tpu.memory_space<vmem>> -> memref<13x51xf32, #tpu.memory_space<vmem>>
        %dma_wait3A_332 = arith.constant 2819 : i32
        %dma_wait3A_333 = arith.constant 0 : i32
        %dma_wait3A_334 = tpu.memref_slice %arg2[%dma_wait3A_332, %dma_wait3A_333] : memref<4096x51xf32, #tpu.memory_space<hbm>> -> memref<13x51xf32, #tpu.memory_space<hbm>>
        %dma_wait3A_335 = arith.constant 0 : i32
        %dma_wait3A_336 = arith.constant 0 : i32
        %dma_wait3A_337 = tpu.memref_slice %arg4[%dma_wait3A_335, %dma_wait3A_336] : memref<64x51xf32, #tpu.memory_space<vmem>> -> memref<13x51xf32, #tpu.memory_space<vmem>>
        %dma_wait3A_338 = arith.constant 2819 : i32
        %dma_wait3A_339 = arith.constant 0 : i32
        %dma_wait3A_340 = tpu.memref_slice %arg2[%dma_wait3A_338, %dma_wait3A_339] : memref<4096x51xf32, #tpu.memory_space<hbm>> -> memref<13x51xf32, #tpu.memory_space<hbm>>
        tpu.wait_dma2 semaphore(%run_scoped3A : memref<!tpu.dma_semaphore, #tpu.memory_space<semaphore_mem>>) src(%dma_wait3A_340 : memref<13x51xf32, #tpu.memory_space<hbm>>) dst(%dma_wait3A_337 : memref<13x51xf32, #tpu.memory_space<vmem>>)
        tpu.yield
      }) : () -> ()
      "tpu.region"() ({
        %run_scoped3A = tpu.sem_alloc : memref<!tpu.dma_semaphore, #tpu.memory_space<semaphore_mem>>
        %dma_start3A = arith.constant 13 : i32
        %dma_start3A_319 = arith.constant 0 : i32
        %dma_start3A_320 = tpu.memref_slice %arg4[%dma_start3A, %dma_start3A_319] : memref<64x51xf32, #tpu.memory_space<vmem>> -> memref<50x51xf32, #tpu.memory_space<vmem>>
        %dma_start3A_321 = arith.constant 1302 : i32
        %dma_start3A_322 = arith.constant 0 : i32
        %dma_start3A_323 = tpu.memref_slice %arg2[%dma_start3A_321, %dma_start3A_322] : memref<4096x51xf32, #tpu.memory_space<hbm>> -> memref<50x51xf32, #tpu.memory_space<hbm>>
        %dma_start3A_324 = arith.constant 13 : i32
        %dma_start3A_325 = arith.constant 0 : i32
        %dma_start3A_326 = tpu.memref_slice %arg4[%dma_start3A_324, %dma_start3A_325] : memref<64x51xf32, #tpu.memory_space<vmem>> -> memref<50x51xf32, #tpu.memory_space<vmem>>
        %dma_start3A_327 = arith.constant 1302 : i32
        %dma_start3A_328 = arith.constant 0 : i32
        %dma_start3A_329 = tpu.memref_slice %arg2[%dma_start3A_327, %dma_start3A_328] : memref<4096x51xf32, #tpu.memory_space<hbm>> -> memref<50x51xf32, #tpu.memory_space<hbm>>
        tpu.enqueue_dma source(%dma_start3A_329 : memref<50x51xf32, #tpu.memory_space<hbm>>) target(%dma_start3A_326 : memref<50x51xf32, #tpu.memory_space<vmem>>) target_semaphore(%run_scoped3A : memref<!tpu.dma_semaphore, #tpu.memory_space<semaphore_mem>>)
        %dma_wait3A = arith.constant 13 : i32
        %dma_wait3A_330 = arith.constant 0 : i32
        %dma_wait3A_331 = tpu.memref_slice %arg4[%dma_wait3A, %dma_wait3A_330] : memref<64x51xf32, #tpu.memory_space<vmem>> -> memref<50x51xf32, #tpu.memory_space<vmem>>
        %dma_wait3A_332 = arith.constant 1302 : i32
        %dma_wait3A_333 = arith.constant 0 : i32
        %dma_wait3A_334 = tpu.memref_slice %arg2[%dma_wait3A_332, %dma_wait3A_333] : memref<4096x51xf32, #tpu.memory_space<hbm>> -> memref<50x51xf32, #tpu.memory_space<hbm>>
        %dma_wait3A_335 = arith.constant 13 : i32
        %dma_wait3A_336 = arith.constant 0 : i32
        %dma_wait3A_337 = tpu.memref_slice %arg4[%dma_wait3A_335, %dma_wait3A_336] : memref<64x51xf32, #tpu.memory_space<vmem>> -> memref<50x51xf32, #tpu.memory_space<vmem>>
        %dma_wait3A_338 = arith.constant 1302 : i32
        %dma_wait3A_339 = arith.constant 0 : i32
        %dma_wait3A_340 = tpu.memref_slice %arg2[%dma_wait3A_338, %dma_wait3A_339] : memref<4096x51xf32, #tpu.memory_space<hbm>> -> memref<50x51xf32, #tpu.memory_space<hbm>>
        tpu.wait_dma2 semaphore(%run_scoped3A : memref<!tpu.dma_semaphore, #tpu.memory_space<semaphore_mem>>) src(%dma_wait3A_340 : memref<50x51xf32, #tpu.memory_space<hbm>>) dst(%dma_wait3A_337 : memref<50x51xf32, #tpu.memory_space<vmem>>)
        tpu.yield
      }) : () -> ()
    } else {
    }
    %eq3A_98 = arith.constant 20 : i32
    %eq3A_99 = arith.cmpi eq, %add3A, %eq3A_98 : i32
    %convert_element_type3A_100 = arith.extui %eq3A_99 : i1 to i32
    %cond3A_101 = arith.constant 0 : i32
    %cond3A_102 = arith.cmpi ne, %convert_element_type3A_100, %cond3A_101 : i32
    scf.if %cond3A_102 {
      "tpu.region"() ({
        %run_scoped3A = tpu.sem_alloc : memref<!tpu.dma_semaphore, #tpu.memory_space<semaphore_mem>>
        %dma_start3A = arith.constant 0 : i32
        %dma_start3A_319 = arith.constant 0 : i32
        %dma_start3A_320 = tpu.memref_slice %arg4[%dma_start3A, %dma_start3A_319] : memref<64x51xf32, #tpu.memory_space<vmem>> -> memref<50x51xf32, #tpu.memory_space<vmem>>
        %dma_start3A_321 = arith.constant 1352 : i32
        %dma_start3A_322 = arith.constant 0 : i32
        %dma_start3A_323 = tpu.memref_slice %arg2[%dma_start3A_321, %dma_start3A_322] : memref<4096x51xf32, #tpu.memory_space<hbm>> -> memref<50x51xf32, #tpu.memory_space<hbm>>
        %dma_start3A_324 = arith.constant 0 : i32
        %dma_start3A_325 = arith.constant 0 : i32
        %dma_start3A_326 = tpu.memref_slice %arg4[%dma_start3A_324, %dma_start3A_325] : memref<64x51xf32, #tpu.memory_space<vmem>> -> memref<50x51xf32, #tpu.memory_space<vmem>>
        %dma_start3A_327 = arith.constant 1352 : i32
        %dma_start3A_328 = arith.constant 0 : i32
        %dma_start3A_329 = tpu.memref_slice %arg2[%dma_start3A_327, %dma_start3A_328] : memref<4096x51xf32, #tpu.memory_space<hbm>> -> memref<50x51xf32, #tpu.memory_space<hbm>>
        tpu.enqueue_dma source(%dma_start3A_329 : memref<50x51xf32, #tpu.memory_space<hbm>>) target(%dma_start3A_326 : memref<50x51xf32, #tpu.memory_space<vmem>>) target_semaphore(%run_scoped3A : memref<!tpu.dma_semaphore, #tpu.memory_space<semaphore_mem>>)
        %dma_wait3A = arith.constant 0 : i32
        %dma_wait3A_330 = arith.constant 0 : i32
        %dma_wait3A_331 = tpu.memref_slice %arg4[%dma_wait3A, %dma_wait3A_330] : memref<64x51xf32, #tpu.memory_space<vmem>> -> memref<50x51xf32, #tpu.memory_space<vmem>>
        %dma_wait3A_332 = arith.constant 1352 : i32
        %dma_wait3A_333 = arith.constant 0 : i32
        %dma_wait3A_334 = tpu.memref_slice %arg2[%dma_wait3A_332, %dma_wait3A_333] : memref<4096x51xf32, #tpu.memory_space<hbm>> -> memref<50x51xf32, #tpu.memory_space<hbm>>
        %dma_wait3A_335 = arith.constant 0 : i32
        %dma_wait3A_336 = arith.constant 0 : i32
        %dma_wait3A_337 = tpu.memref_slice %arg4[%dma_wait3A_335, %dma_wait3A_336] : memref<64x51xf32, #tpu.memory_space<vmem>> -> memref<50x51xf32, #tpu.memory_space<vmem>>
        %dma_wait3A_338 = arith.constant 1352 : i32
        %dma_wait3A_339 = arith.constant 0 : i32
        %dma_wait3A_340 = tpu.memref_slice %arg2[%dma_wait3A_338, %dma_wait3A_339] : memref<4096x51xf32, #tpu.memory_space<hbm>> -> memref<50x51xf32, #tpu.memory_space<hbm>>
        tpu.wait_dma2 semaphore(%run_scoped3A : memref<!tpu.dma_semaphore, #tpu.memory_space<semaphore_mem>>) src(%dma_wait3A_340 : memref<50x51xf32, #tpu.memory_space<hbm>>) dst(%dma_wait3A_337 : memref<50x51xf32, #tpu.memory_space<vmem>>)
        tpu.yield
      }) : () -> ()
      "tpu.region"() ({
        %run_scoped3A = tpu.sem_alloc : memref<!tpu.dma_semaphore, #tpu.memory_space<semaphore_mem>>
        %dma_start3A = arith.constant 50 : i32
        %dma_start3A_319 = arith.constant 0 : i32
        %dma_start3A_320 = tpu.memref_slice %arg4[%dma_start3A, %dma_start3A_319] : memref<64x51xf32, #tpu.memory_space<vmem>> -> memref<12x51xf32, #tpu.memory_space<vmem>>
        %dma_start3A_321 = arith.constant 3350 : i32
        %dma_start3A_322 = arith.constant 0 : i32
        %dma_start3A_323 = tpu.memref_slice %arg2[%dma_start3A_321, %dma_start3A_322] : memref<4096x51xf32, #tpu.memory_space<hbm>> -> memref<12x51xf32, #tpu.memory_space<hbm>>
        %dma_start3A_324 = arith.constant 50 : i32
        %dma_start3A_325 = arith.constant 0 : i32
        %dma_start3A_326 = tpu.memref_slice %arg4[%dma_start3A_324, %dma_start3A_325] : memref<64x51xf32, #tpu.memory_space<vmem>> -> memref<12x51xf32, #tpu.memory_space<vmem>>
        %dma_start3A_327 = arith.constant 3350 : i32
        %dma_start3A_328 = arith.constant 0 : i32
        %dma_start3A_329 = tpu.memref_slice %arg2[%dma_start3A_327, %dma_start3A_328] : memref<4096x51xf32, #tpu.memory_space<hbm>> -> memref<12x51xf32, #tpu.memory_space<hbm>>
        tpu.enqueue_dma source(%dma_start3A_329 : memref<12x51xf32, #tpu.memory_space<hbm>>) target(%dma_start3A_326 : memref<12x51xf32, #tpu.memory_space<vmem>>) target_semaphore(%run_scoped3A : memref<!tpu.dma_semaphore, #tpu.memory_space<semaphore_mem>>)
        %dma_wait3A = arith.constant 50 : i32
        %dma_wait3A_330 = arith.constant 0 : i32
        %dma_wait3A_331 = tpu.memref_slice %arg4[%dma_wait3A, %dma_wait3A_330] : memref<64x51xf32, #tpu.memory_space<vmem>> -> memref<12x51xf32, #tpu.memory_space<vmem>>
        %dma_wait3A_332 = arith.constant 3350 : i32
        %dma_wait3A_333 = arith.constant 0 : i32
        %dma_wait3A_334 = tpu.memref_slice %arg2[%dma_wait3A_332, %dma_wait3A_333] : memref<4096x51xf32, #tpu.memory_space<hbm>> -> memref<12x51xf32, #tpu.memory_space<hbm>>
        %dma_wait3A_335 = arith.constant 50 : i32
        %dma_wait3A_336 = arith.constant 0 : i32
        %dma_wait3A_337 = tpu.memref_slice %arg4[%dma_wait3A_335, %dma_wait3A_336] : memref<64x51xf32, #tpu.memory_space<vmem>> -> memref<12x51xf32, #tpu.memory_space<vmem>>
        %dma_wait3A_338 = arith.constant 3350 : i32
        %dma_wait3A_339 = arith.constant 0 : i32
        %dma_wait3A_340 = tpu.memref_slice %arg2[%dma_wait3A_338, %dma_wait3A_339] : memref<4096x51xf32, #tpu.memory_space<hbm>> -> memref<12x51xf32, #tpu.memory_space<hbm>>
        tpu.wait_dma2 semaphore(%run_scoped3A : memref<!tpu.dma_semaphore, #tpu.memory_space<semaphore_mem>>) src(%dma_wait3A_340 : memref<12x51xf32, #tpu.memory_space<hbm>>) dst(%dma_wait3A_337 : memref<12x51xf32, #tpu.memory_space<vmem>>)
        tpu.yield
      }) : () -> ()
    } else {
    }
    %eq3A_103 = arith.constant 21 : i32
    %eq3A_104 = arith.cmpi eq, %add3A, %eq3A_103 : i32
    %convert_element_type3A_105 = arith.extui %eq3A_104 : i1 to i32
    %cond3A_106 = arith.constant 0 : i32
    %cond3A_107 = arith.cmpi ne, %convert_element_type3A_105, %cond3A_106 : i32
    scf.if %cond3A_107 {
      "tpu.region"() ({
        %run_scoped3A = tpu.sem_alloc : memref<!tpu.dma_semaphore, #tpu.memory_space<semaphore_mem>>
        %dma_start3A = arith.constant 0 : i32
        %dma_start3A_319 = arith.constant 0 : i32
        %dma_start3A_320 = tpu.memref_slice %arg4[%dma_start3A, %dma_start3A_319] : memref<64x51xf32, #tpu.memory_space<vmem>> -> memref<63x51xf32, #tpu.memory_space<vmem>>
        %dma_start3A_321 = arith.constant 3362 : i32
        %dma_start3A_322 = arith.constant 0 : i32
        %dma_start3A_323 = tpu.memref_slice %arg2[%dma_start3A_321, %dma_start3A_322] : memref<4096x51xf32, #tpu.memory_space<hbm>> -> memref<63x51xf32, #tpu.memory_space<hbm>>
        %dma_start3A_324 = arith.constant 0 : i32
        %dma_start3A_325 = arith.constant 0 : i32
        %dma_start3A_326 = tpu.memref_slice %arg4[%dma_start3A_324, %dma_start3A_325] : memref<64x51xf32, #tpu.memory_space<vmem>> -> memref<63x51xf32, #tpu.memory_space<vmem>>
        %dma_start3A_327 = arith.constant 3362 : i32
        %dma_start3A_328 = arith.constant 0 : i32
        %dma_start3A_329 = tpu.memref_slice %arg2[%dma_start3A_327, %dma_start3A_328] : memref<4096x51xf32, #tpu.memory_space<hbm>> -> memref<63x51xf32, #tpu.memory_space<hbm>>
        tpu.enqueue_dma source(%dma_start3A_329 : memref<63x51xf32, #tpu.memory_space<hbm>>) target(%dma_start3A_326 : memref<63x51xf32, #tpu.memory_space<vmem>>) target_semaphore(%run_scoped3A : memref<!tpu.dma_semaphore, #tpu.memory_space<semaphore_mem>>)
        %dma_wait3A = arith.constant 0 : i32
        %dma_wait3A_330 = arith.constant 0 : i32
        %dma_wait3A_331 = tpu.memref_slice %arg4[%dma_wait3A, %dma_wait3A_330] : memref<64x51xf32, #tpu.memory_space<vmem>> -> memref<63x51xf32, #tpu.memory_space<vmem>>
        %dma_wait3A_332 = arith.constant 3362 : i32
        %dma_wait3A_333 = arith.constant 0 : i32
        %dma_wait3A_334 = tpu.memref_slice %arg2[%dma_wait3A_332, %dma_wait3A_333] : memref<4096x51xf32, #tpu.memory_space<hbm>> -> memref<63x51xf32, #tpu.memory_space<hbm>>
        %dma_wait3A_335 = arith.constant 0 : i32
        %dma_wait3A_336 = arith.constant 0 : i32
        %dma_wait3A_337 = tpu.memref_slice %arg4[%dma_wait3A_335, %dma_wait3A_336] : memref<64x51xf32, #tpu.memory_space<vmem>> -> memref<63x51xf32, #tpu.memory_space<vmem>>
        %dma_wait3A_338 = arith.constant 3362 : i32
        %dma_wait3A_339 = arith.constant 0 : i32
        %dma_wait3A_340 = tpu.memref_slice %arg2[%dma_wait3A_338, %dma_wait3A_339] : memref<4096x51xf32, #tpu.memory_space<hbm>> -> memref<63x51xf32, #tpu.memory_space<hbm>>
        tpu.wait_dma2 semaphore(%run_scoped3A : memref<!tpu.dma_semaphore, #tpu.memory_space<semaphore_mem>>) src(%dma_wait3A_340 : memref<63x51xf32, #tpu.memory_space<hbm>>) dst(%dma_wait3A_337 : memref<63x51xf32, #tpu.memory_space<vmem>>)
        tpu.yield
      }) : () -> ()
    } else {
    }
    %eq3A_108 = arith.constant 22 : i32
    %eq3A_109 = arith.cmpi eq, %add3A, %eq3A_108 : i32
    %convert_element_type3A_110 = arith.extui %eq3A_109 : i1 to i32
    %cond3A_111 = arith.constant 0 : i32
    %cond3A_112 = arith.cmpi ne, %convert_element_type3A_110, %cond3A_111 : i32
    scf.if %cond3A_112 {
      "tpu.region"() ({
        %run_scoped3A = tpu.sem_alloc : memref<!tpu.dma_semaphore, #tpu.memory_space<semaphore_mem>>
        %dma_start3A = arith.constant 0 : i32
        %dma_start3A_319 = arith.constant 0 : i32
        %dma_start3A_320 = tpu.memref_slice %arg4[%dma_start3A, %dma_start3A_319] : memref<64x51xf32, #tpu.memory_space<vmem>> -> memref<25x51xf32, #tpu.memory_space<vmem>>
        %dma_start3A_321 = arith.constant 3425 : i32
        %dma_start3A_322 = arith.constant 0 : i32
        %dma_start3A_323 = tpu.memref_slice %arg2[%dma_start3A_321, %dma_start3A_322] : memref<4096x51xf32, #tpu.memory_space<hbm>> -> memref<25x51xf32, #tpu.memory_space<hbm>>
        %dma_start3A_324 = arith.constant 0 : i32
        %dma_start3A_325 = arith.constant 0 : i32
        %dma_start3A_326 = tpu.memref_slice %arg4[%dma_start3A_324, %dma_start3A_325] : memref<64x51xf32, #tpu.memory_space<vmem>> -> memref<25x51xf32, #tpu.memory_space<vmem>>
        %dma_start3A_327 = arith.constant 3425 : i32
        %dma_start3A_328 = arith.constant 0 : i32
        %dma_start3A_329 = tpu.memref_slice %arg2[%dma_start3A_327, %dma_start3A_328] : memref<4096x51xf32, #tpu.memory_space<hbm>> -> memref<25x51xf32, #tpu.memory_space<hbm>>
        tpu.enqueue_dma source(%dma_start3A_329 : memref<25x51xf32, #tpu.memory_space<hbm>>) target(%dma_start3A_326 : memref<25x51xf32, #tpu.memory_space<vmem>>) target_semaphore(%run_scoped3A : memref<!tpu.dma_semaphore, #tpu.memory_space<semaphore_mem>>)
        %dma_wait3A = arith.constant 0 : i32
        %dma_wait3A_330 = arith.constant 0 : i32
        %dma_wait3A_331 = tpu.memref_slice %arg4[%dma_wait3A, %dma_wait3A_330] : memref<64x51xf32, #tpu.memory_space<vmem>> -> memref<25x51xf32, #tpu.memory_space<vmem>>
        %dma_wait3A_332 = arith.constant 3425 : i32
        %dma_wait3A_333 = arith.constant 0 : i32
        %dma_wait3A_334 = tpu.memref_slice %arg2[%dma_wait3A_332, %dma_wait3A_333] : memref<4096x51xf32, #tpu.memory_space<hbm>> -> memref<25x51xf32, #tpu.memory_space<hbm>>
        %dma_wait3A_335 = arith.constant 0 : i32
        %dma_wait3A_336 = arith.constant 0 : i32
        %dma_wait3A_337 = tpu.memref_slice %arg4[%dma_wait3A_335, %dma_wait3A_336] : memref<64x51xf32, #tpu.memory_space<vmem>> -> memref<25x51xf32, #tpu.memory_space<vmem>>
        %dma_wait3A_338 = arith.constant 3425 : i32
        %dma_wait3A_339 = arith.constant 0 : i32
        %dma_wait3A_340 = tpu.memref_slice %arg2[%dma_wait3A_338, %dma_wait3A_339] : memref<4096x51xf32, #tpu.memory_space<hbm>> -> memref<25x51xf32, #tpu.memory_space<hbm>>
        tpu.wait_dma2 semaphore(%run_scoped3A : memref<!tpu.dma_semaphore, #tpu.memory_space<semaphore_mem>>) src(%dma_wait3A_340 : memref<25x51xf32, #tpu.memory_space<hbm>>) dst(%dma_wait3A_337 : memref<25x51xf32, #tpu.memory_space<vmem>>)
        tpu.yield
      }) : () -> ()
      "tpu.region"() ({
        %run_scoped3A = tpu.sem_alloc : memref<!tpu.dma_semaphore, #tpu.memory_space<semaphore_mem>>
        %dma_start3A = arith.constant 25 : i32
        %dma_start3A_319 = arith.constant 0 : i32
        %dma_start3A_320 = tpu.memref_slice %arg4[%dma_start3A, %dma_start3A_319] : memref<64x51xf32, #tpu.memory_space<vmem>> -> memref<37x51xf32, #tpu.memory_space<vmem>>
        %dma_start3A_321 = arith.constant 1429 : i32
        %dma_start3A_322 = arith.constant 0 : i32
        %dma_start3A_323 = tpu.memref_slice %arg2[%dma_start3A_321, %dma_start3A_322] : memref<4096x51xf32, #tpu.memory_space<hbm>> -> memref<37x51xf32, #tpu.memory_space<hbm>>
        %dma_start3A_324 = arith.constant 25 : i32
        %dma_start3A_325 = arith.constant 0 : i32
        %dma_start3A_326 = tpu.memref_slice %arg4[%dma_start3A_324, %dma_start3A_325] : memref<64x51xf32, #tpu.memory_space<vmem>> -> memref<37x51xf32, #tpu.memory_space<vmem>>
        %dma_start3A_327 = arith.constant 1429 : i32
        %dma_start3A_328 = arith.constant 0 : i32
        %dma_start3A_329 = tpu.memref_slice %arg2[%dma_start3A_327, %dma_start3A_328] : memref<4096x51xf32, #tpu.memory_space<hbm>> -> memref<37x51xf32, #tpu.memory_space<hbm>>
        tpu.enqueue_dma source(%dma_start3A_329 : memref<37x51xf32, #tpu.memory_space<hbm>>) target(%dma_start3A_326 : memref<37x51xf32, #tpu.memory_space<vmem>>) target_semaphore(%run_scoped3A : memref<!tpu.dma_semaphore, #tpu.memory_space<semaphore_mem>>)
        %dma_wait3A = arith.constant 25 : i32
        %dma_wait3A_330 = arith.constant 0 : i32
        %dma_wait3A_331 = tpu.memref_slice %arg4[%dma_wait3A, %dma_wait3A_330] : memref<64x51xf32, #tpu.memory_space<vmem>> -> memref<37x51xf32, #tpu.memory_space<vmem>>
        %dma_wait3A_332 = arith.constant 1429 : i32
        %dma_wait3A_333 = arith.constant 0 : i32
        %dma_wait3A_334 = tpu.memref_slice %arg2[%dma_wait3A_332, %dma_wait3A_333] : memref<4096x51xf32, #tpu.memory_space<hbm>> -> memref<37x51xf32, #tpu.memory_space<hbm>>
        %dma_wait3A_335 = arith.constant 25 : i32
        %dma_wait3A_336 = arith.constant 0 : i32
        %dma_wait3A_337 = tpu.memref_slice %arg4[%dma_wait3A_335, %dma_wait3A_336] : memref<64x51xf32, #tpu.memory_space<vmem>> -> memref<37x51xf32, #tpu.memory_space<vmem>>
        %dma_wait3A_338 = arith.constant 1429 : i32
        %dma_wait3A_339 = arith.constant 0 : i32
        %dma_wait3A_340 = tpu.memref_slice %arg2[%dma_wait3A_338, %dma_wait3A_339] : memref<4096x51xf32, #tpu.memory_space<hbm>> -> memref<37x51xf32, #tpu.memory_space<hbm>>
        tpu.wait_dma2 semaphore(%run_scoped3A : memref<!tpu.dma_semaphore, #tpu.memory_space<semaphore_mem>>) src(%dma_wait3A_340 : memref<37x51xf32, #tpu.memory_space<hbm>>) dst(%dma_wait3A_337 : memref<37x51xf32, #tpu.memory_space<vmem>>)
        tpu.yield
      }) : () -> ()
    } else {
    }
    %eq3A_113 = arith.constant 23 : i32
    %eq3A_114 = arith.cmpi eq, %add3A, %eq3A_113 : i32
    %convert_element_type3A_115 = arith.extui %eq3A_114 : i1 to i32
    %cond3A_116 = arith.constant 0 : i32
    %cond3A_117 = arith.cmpi ne, %convert_element_type3A_115, %cond3A_116 : i32
    scf.if %cond3A_117 {
      "tpu.region"() ({
        %run_scoped3A = tpu.sem_alloc : memref<!tpu.dma_semaphore, #tpu.memory_space<semaphore_mem>>
        %dma_start3A = arith.constant 0 : i32
        %dma_start3A_319 = arith.constant 0 : i32
        %dma_start3A_320 = tpu.memref_slice %arg4[%dma_start3A, %dma_start3A_319] : memref<64x51xf32, #tpu.memory_space<vmem>> -> memref<63x51xf32, #tpu.memory_space<vmem>>
        %dma_start3A_321 = arith.constant 1466 : i32
        %dma_start3A_322 = arith.constant 0 : i32
        %dma_start3A_323 = tpu.memref_slice %arg2[%dma_start3A_321, %dma_start3A_322] : memref<4096x51xf32, #tpu.memory_space<hbm>> -> memref<63x51xf32, #tpu.memory_space<hbm>>
        %dma_start3A_324 = arith.constant 0 : i32
        %dma_start3A_325 = arith.constant 0 : i32
        %dma_start3A_326 = tpu.memref_slice %arg4[%dma_start3A_324, %dma_start3A_325] : memref<64x51xf32, #tpu.memory_space<vmem>> -> memref<63x51xf32, #tpu.memory_space<vmem>>
        %dma_start3A_327 = arith.constant 1466 : i32
        %dma_start3A_328 = arith.constant 0 : i32
        %dma_start3A_329 = tpu.memref_slice %arg2[%dma_start3A_327, %dma_start3A_328] : memref<4096x51xf32, #tpu.memory_space<hbm>> -> memref<63x51xf32, #tpu.memory_space<hbm>>
        tpu.enqueue_dma source(%dma_start3A_329 : memref<63x51xf32, #tpu.memory_space<hbm>>) target(%dma_start3A_326 : memref<63x51xf32, #tpu.memory_space<vmem>>) target_semaphore(%run_scoped3A : memref<!tpu.dma_semaphore, #tpu.memory_space<semaphore_mem>>)
        %dma_wait3A = arith.constant 0 : i32
        %dma_wait3A_330 = arith.constant 0 : i32
        %dma_wait3A_331 = tpu.memref_slice %arg4[%dma_wait3A, %dma_wait3A_330] : memref<64x51xf32, #tpu.memory_space<vmem>> -> memref<63x51xf32, #tpu.memory_space<vmem>>
        %dma_wait3A_332 = arith.constant 1466 : i32
        %dma_wait3A_333 = arith.constant 0 : i32
        %dma_wait3A_334 = tpu.memref_slice %arg2[%dma_wait3A_332, %dma_wait3A_333] : memref<4096x51xf32, #tpu.memory_space<hbm>> -> memref<63x51xf32, #tpu.memory_space<hbm>>
        %dma_wait3A_335 = arith.constant 0 : i32
        %dma_wait3A_336 = arith.constant 0 : i32
        %dma_wait3A_337 = tpu.memref_slice %arg4[%dma_wait3A_335, %dma_wait3A_336] : memref<64x51xf32, #tpu.memory_space<vmem>> -> memref<63x51xf32, #tpu.memory_space<vmem>>
        %dma_wait3A_338 = arith.constant 1466 : i32
        %dma_wait3A_339 = arith.constant 0 : i32
        %dma_wait3A_340 = tpu.memref_slice %arg2[%dma_wait3A_338, %dma_wait3A_339] : memref<4096x51xf32, #tpu.memory_space<hbm>> -> memref<63x51xf32, #tpu.memory_space<hbm>>
        tpu.wait_dma2 semaphore(%run_scoped3A : memref<!tpu.dma_semaphore, #tpu.memory_space<semaphore_mem>>) src(%dma_wait3A_340 : memref<63x51xf32, #tpu.memory_space<hbm>>) dst(%dma_wait3A_337 : memref<63x51xf32, #tpu.memory_space<vmem>>)
        tpu.yield
      }) : () -> ()
    } else {
    }
    %eq3A_118 = arith.constant 24 : i32
    %eq3A_119 = arith.cmpi eq, %add3A, %eq3A_118 : i32
    %convert_element_type3A_120 = arith.extui %eq3A_119 : i1 to i32
    %cond3A_121 = arith.constant 0 : i32
    %cond3A_122 = arith.cmpi ne, %convert_element_type3A_120, %cond3A_121 : i32
    scf.if %cond3A_122 {
      "tpu.region"() ({
        %run_scoped3A = tpu.sem_alloc : memref<!tpu.dma_semaphore, #tpu.memory_space<semaphore_mem>>
        %dma_start3A = arith.constant 0 : i32
        %dma_start3A_319 = arith.constant 0 : i32
        %dma_start3A_320 = tpu.memref_slice %arg4[%dma_start3A, %dma_start3A_319] : memref<64x51xf32, #tpu.memory_space<vmem>> -> memref<62x51xf32, #tpu.memory_space<vmem>>
        %dma_start3A_321 = arith.constant 3477 : i32
        %dma_start3A_322 = arith.constant 0 : i32
        %dma_start3A_323 = tpu.memref_slice %arg2[%dma_start3A_321, %dma_start3A_322] : memref<4096x51xf32, #tpu.memory_space<hbm>> -> memref<62x51xf32, #tpu.memory_space<hbm>>
        %dma_start3A_324 = arith.constant 0 : i32
        %dma_start3A_325 = arith.constant 0 : i32
        %dma_start3A_326 = tpu.memref_slice %arg4[%dma_start3A_324, %dma_start3A_325] : memref<64x51xf32, #tpu.memory_space<vmem>> -> memref<62x51xf32, #tpu.memory_space<vmem>>
        %dma_start3A_327 = arith.constant 3477 : i32
        %dma_start3A_328 = arith.constant 0 : i32
        %dma_start3A_329 = tpu.memref_slice %arg2[%dma_start3A_327, %dma_start3A_328] : memref<4096x51xf32, #tpu.memory_space<hbm>> -> memref<62x51xf32, #tpu.memory_space<hbm>>
        tpu.enqueue_dma source(%dma_start3A_329 : memref<62x51xf32, #tpu.memory_space<hbm>>) target(%dma_start3A_326 : memref<62x51xf32, #tpu.memory_space<vmem>>) target_semaphore(%run_scoped3A : memref<!tpu.dma_semaphore, #tpu.memory_space<semaphore_mem>>)
        %dma_wait3A = arith.constant 0 : i32
        %dma_wait3A_330 = arith.constant 0 : i32
        %dma_wait3A_331 = tpu.memref_slice %arg4[%dma_wait3A, %dma_wait3A_330] : memref<64x51xf32, #tpu.memory_space<vmem>> -> memref<62x51xf32, #tpu.memory_space<vmem>>
        %dma_wait3A_332 = arith.constant 3477 : i32
        %dma_wait3A_333 = arith.constant 0 : i32
        %dma_wait3A_334 = tpu.memref_slice %arg2[%dma_wait3A_332, %dma_wait3A_333] : memref<4096x51xf32, #tpu.memory_space<hbm>> -> memref<62x51xf32, #tpu.memory_space<hbm>>
        %dma_wait3A_335 = arith.constant 0 : i32
        %dma_wait3A_336 = arith.constant 0 : i32
        %dma_wait3A_337 = tpu.memref_slice %arg4[%dma_wait3A_335, %dma_wait3A_336] : memref<64x51xf32, #tpu.memory_space<vmem>> -> memref<62x51xf32, #tpu.memory_space<vmem>>
        %dma_wait3A_338 = arith.constant 3477 : i32
        %dma_wait3A_339 = arith.constant 0 : i32
        %dma_wait3A_340 = tpu.memref_slice %arg2[%dma_wait3A_338, %dma_wait3A_339] : memref<4096x51xf32, #tpu.memory_space<hbm>> -> memref<62x51xf32, #tpu.memory_space<hbm>>
        tpu.wait_dma2 semaphore(%run_scoped3A : memref<!tpu.dma_semaphore, #tpu.memory_space<semaphore_mem>>) src(%dma_wait3A_340 : memref<62x51xf32, #tpu.memory_space<hbm>>) dst(%dma_wait3A_337 : memref<62x51xf32, #tpu.memory_space<vmem>>)
        tpu.yield
      }) : () -> ()
    } else {
    }
    %eq3A_123 = arith.constant 25 : i32
    %eq3A_124 = arith.cmpi eq, %add3A, %eq3A_123 : i32
    %convert_element_type3A_125 = arith.extui %eq3A_124 : i1 to i32
    %cond3A_126 = arith.constant 0 : i32
    %cond3A_127 = arith.cmpi ne, %convert_element_type3A_125, %cond3A_126 : i32
    scf.if %cond3A_127 {
      "tpu.region"() ({
        %run_scoped3A = tpu.sem_alloc : memref<!tpu.dma_semaphore, #tpu.memory_space<semaphore_mem>>
        %dma_start3A = arith.constant 0 : i32
        %dma_start3A_319 = arith.constant 0 : i32
        %dma_start3A_320 = tpu.memref_slice %arg4[%dma_start3A, %dma_start3A_319] : memref<64x51xf32, #tpu.memory_space<vmem>> -> memref<38x51xf32, #tpu.memory_space<vmem>>
        %dma_start3A_321 = arith.constant 3539 : i32
        %dma_start3A_322 = arith.constant 0 : i32
        %dma_start3A_323 = tpu.memref_slice %arg2[%dma_start3A_321, %dma_start3A_322] : memref<4096x51xf32, #tpu.memory_space<hbm>> -> memref<38x51xf32, #tpu.memory_space<hbm>>
        %dma_start3A_324 = arith.constant 0 : i32
        %dma_start3A_325 = arith.constant 0 : i32
        %dma_start3A_326 = tpu.memref_slice %arg4[%dma_start3A_324, %dma_start3A_325] : memref<64x51xf32, #tpu.memory_space<vmem>> -> memref<38x51xf32, #tpu.memory_space<vmem>>
        %dma_start3A_327 = arith.constant 3539 : i32
        %dma_start3A_328 = arith.constant 0 : i32
        %dma_start3A_329 = tpu.memref_slice %arg2[%dma_start3A_327, %dma_start3A_328] : memref<4096x51xf32, #tpu.memory_space<hbm>> -> memref<38x51xf32, #tpu.memory_space<hbm>>
        tpu.enqueue_dma source(%dma_start3A_329 : memref<38x51xf32, #tpu.memory_space<hbm>>) target(%dma_start3A_326 : memref<38x51xf32, #tpu.memory_space<vmem>>) target_semaphore(%run_scoped3A : memref<!tpu.dma_semaphore, #tpu.memory_space<semaphore_mem>>)
        %dma_wait3A = arith.constant 0 : i32
        %dma_wait3A_330 = arith.constant 0 : i32
        %dma_wait3A_331 = tpu.memref_slice %arg4[%dma_wait3A, %dma_wait3A_330] : memref<64x51xf32, #tpu.memory_space<vmem>> -> memref<38x51xf32, #tpu.memory_space<vmem>>
        %dma_wait3A_332 = arith.constant 3539 : i32
        %dma_wait3A_333 = arith.constant 0 : i32
        %dma_wait3A_334 = tpu.memref_slice %arg2[%dma_wait3A_332, %dma_wait3A_333] : memref<4096x51xf32, #tpu.memory_space<hbm>> -> memref<38x51xf32, #tpu.memory_space<hbm>>
        %dma_wait3A_335 = arith.constant 0 : i32
        %dma_wait3A_336 = arith.constant 0 : i32
        %dma_wait3A_337 = tpu.memref_slice %arg4[%dma_wait3A_335, %dma_wait3A_336] : memref<64x51xf32, #tpu.memory_space<vmem>> -> memref<38x51xf32, #tpu.memory_space<vmem>>
        %dma_wait3A_338 = arith.constant 3539 : i32
        %dma_wait3A_339 = arith.constant 0 : i32
        %dma_wait3A_340 = tpu.memref_slice %arg2[%dma_wait3A_338, %dma_wait3A_339] : memref<4096x51xf32, #tpu.memory_space<hbm>> -> memref<38x51xf32, #tpu.memory_space<hbm>>
        tpu.wait_dma2 semaphore(%run_scoped3A : memref<!tpu.dma_semaphore, #tpu.memory_space<semaphore_mem>>) src(%dma_wait3A_340 : memref<38x51xf32, #tpu.memory_space<hbm>>) dst(%dma_wait3A_337 : memref<38x51xf32, #tpu.memory_space<vmem>>)
        tpu.yield
      }) : () -> ()
      "tpu.region"() ({
        %run_scoped3A = tpu.sem_alloc : memref<!tpu.dma_semaphore, #tpu.memory_space<semaphore_mem>>
        %dma_start3A = arith.constant 38 : i32
        %dma_start3A_319 = arith.constant 0 : i32
        %dma_start3A_320 = tpu.memref_slice %arg4[%dma_start3A, %dma_start3A_319] : memref<64x51xf32, #tpu.memory_space<vmem>> -> memref<25x51xf32, #tpu.memory_space<vmem>>
        %dma_start3A_321 = arith.constant 1874 : i32
        %dma_start3A_322 = arith.constant 0 : i32
        %dma_start3A_323 = tpu.memref_slice %arg2[%dma_start3A_321, %dma_start3A_322] : memref<4096x51xf32, #tpu.memory_space<hbm>> -> memref<25x51xf32, #tpu.memory_space<hbm>>
        %dma_start3A_324 = arith.constant 38 : i32
        %dma_start3A_325 = arith.constant 0 : i32
        %dma_start3A_326 = tpu.memref_slice %arg4[%dma_start3A_324, %dma_start3A_325] : memref<64x51xf32, #tpu.memory_space<vmem>> -> memref<25x51xf32, #tpu.memory_space<vmem>>
        %dma_start3A_327 = arith.constant 1874 : i32
        %dma_start3A_328 = arith.constant 0 : i32
        %dma_start3A_329 = tpu.memref_slice %arg2[%dma_start3A_327, %dma_start3A_328] : memref<4096x51xf32, #tpu.memory_space<hbm>> -> memref<25x51xf32, #tpu.memory_space<hbm>>
        tpu.enqueue_dma source(%dma_start3A_329 : memref<25x51xf32, #tpu.memory_space<hbm>>) target(%dma_start3A_326 : memref<25x51xf32, #tpu.memory_space<vmem>>) target_semaphore(%run_scoped3A : memref<!tpu.dma_semaphore, #tpu.memory_space<semaphore_mem>>)
        %dma_wait3A = arith.constant 38 : i32
        %dma_wait3A_330 = arith.constant 0 : i32
        %dma_wait3A_331 = tpu.memref_slice %arg4[%dma_wait3A, %dma_wait3A_330] : memref<64x51xf32, #tpu.memory_space<vmem>> -> memref<25x51xf32, #tpu.memory_space<vmem>>
        %dma_wait3A_332 = arith.constant 1874 : i32
        %dma_wait3A_333 = arith.constant 0 : i32
        %dma_wait3A_334 = tpu.memref_slice %arg2[%dma_wait3A_332, %dma_wait3A_333] : memref<4096x51xf32, #tpu.memory_space<hbm>> -> memref<25x51xf32, #tpu.memory_space<hbm>>
        %dma_wait3A_335 = arith.constant 38 : i32
        %dma_wait3A_336 = arith.constant 0 : i32
        %dma_wait3A_337 = tpu.memref_slice %arg4[%dma_wait3A_335, %dma_wait3A_336] : memref<64x51xf32, #tpu.memory_space<vmem>> -> memref<25x51xf32, #tpu.memory_space<vmem>>
        %dma_wait3A_338 = arith.constant 1874 : i32
        %dma_wait3A_339 = arith.constant 0 : i32
        %dma_wait3A_340 = tpu.memref_slice %arg2[%dma_wait3A_338, %dma_wait3A_339] : memref<4096x51xf32, #tpu.memory_space<hbm>> -> memref<25x51xf32, #tpu.memory_space<hbm>>
        tpu.wait_dma2 semaphore(%run_scoped3A : memref<!tpu.dma_semaphore, #tpu.memory_space<semaphore_mem>>) src(%dma_wait3A_340 : memref<25x51xf32, #tpu.memory_space<hbm>>) dst(%dma_wait3A_337 : memref<25x51xf32, #tpu.memory_space<vmem>>)
        tpu.yield
      }) : () -> ()
    } else {
    }
    %eq3A_128 = arith.constant 26 : i32
    %eq3A_129 = arith.cmpi eq, %add3A, %eq3A_128 : i32
    %convert_element_type3A_130 = arith.extui %eq3A_129 : i1 to i32
    %cond3A_131 = arith.constant 0 : i32
    %cond3A_132 = arith.cmpi ne, %convert_element_type3A_130, %cond3A_131 : i32
    scf.if %cond3A_132 {
      "tpu.region"() ({
        %run_scoped3A = tpu.sem_alloc : memref<!tpu.dma_semaphore, #tpu.memory_space<semaphore_mem>>
        %dma_start3A = arith.constant 0 : i32
        %dma_start3A_319 = arith.constant 0 : i32
        %dma_start3A_320 = tpu.memref_slice %arg4[%dma_start3A, %dma_start3A_319] : memref<64x51xf32, #tpu.memory_space<vmem>> -> memref<62x51xf32, #tpu.memory_space<vmem>>
        %dma_start3A_321 = arith.constant 1899 : i32
        %dma_start3A_322 = arith.constant 0 : i32
        %dma_start3A_323 = tpu.memref_slice %arg2[%dma_start3A_321, %dma_start3A_322] : memref<4096x51xf32, #tpu.memory_space<hbm>> -> memref<62x51xf32, #tpu.memory_space<hbm>>
        %dma_start3A_324 = arith.constant 0 : i32
        %dma_start3A_325 = arith.constant 0 : i32
        %dma_start3A_326 = tpu.memref_slice %arg4[%dma_start3A_324, %dma_start3A_325] : memref<64x51xf32, #tpu.memory_space<vmem>> -> memref<62x51xf32, #tpu.memory_space<vmem>>
        %dma_start3A_327 = arith.constant 1899 : i32
        %dma_start3A_328 = arith.constant 0 : i32
        %dma_start3A_329 = tpu.memref_slice %arg2[%dma_start3A_327, %dma_start3A_328] : memref<4096x51xf32, #tpu.memory_space<hbm>> -> memref<62x51xf32, #tpu.memory_space<hbm>>
        tpu.enqueue_dma source(%dma_start3A_329 : memref<62x51xf32, #tpu.memory_space<hbm>>) target(%dma_start3A_326 : memref<62x51xf32, #tpu.memory_space<vmem>>) target_semaphore(%run_scoped3A : memref<!tpu.dma_semaphore, #tpu.memory_space<semaphore_mem>>)
        %dma_wait3A = arith.constant 0 : i32
        %dma_wait3A_330 = arith.constant 0 : i32
        %dma_wait3A_331 = tpu.memref_slice %arg4[%dma_wait3A, %dma_wait3A_330] : memref<64x51xf32, #tpu.memory_space<vmem>> -> memref<62x51xf32, #tpu.memory_space<vmem>>
        %dma_wait3A_332 = arith.constant 1899 : i32
        %dma_wait3A_333 = arith.constant 0 : i32
        %dma_wait3A_334 = tpu.memref_slice %arg2[%dma_wait3A_332, %dma_wait3A_333] : memref<4096x51xf32, #tpu.memory_space<hbm>> -> memref<62x51xf32, #tpu.memory_space<hbm>>
        %dma_wait3A_335 = arith.constant 0 : i32
        %dma_wait3A_336 = arith.constant 0 : i32
        %dma_wait3A_337 = tpu.memref_slice %arg4[%dma_wait3A_335, %dma_wait3A_336] : memref<64x51xf32, #tpu.memory_space<vmem>> -> memref<62x51xf32, #tpu.memory_space<vmem>>
        %dma_wait3A_338 = arith.constant 1899 : i32
        %dma_wait3A_339 = arith.constant 0 : i32
        %dma_wait3A_340 = tpu.memref_slice %arg2[%dma_wait3A_338, %dma_wait3A_339] : memref<4096x51xf32, #tpu.memory_space<hbm>> -> memref<62x51xf32, #tpu.memory_space<hbm>>
        tpu.wait_dma2 semaphore(%run_scoped3A : memref<!tpu.dma_semaphore, #tpu.memory_space<semaphore_mem>>) src(%dma_wait3A_340 : memref<62x51xf32, #tpu.memory_space<hbm>>) dst(%dma_wait3A_337 : memref<62x51xf32, #tpu.memory_space<vmem>>)
        tpu.yield
      }) : () -> ()
    } else {
    }
    %eq3A_133 = arith.constant 27 : i32
    %eq3A_134 = arith.cmpi eq, %add3A, %eq3A_133 : i32
    %convert_element_type3A_135 = arith.extui %eq3A_134 : i1 to i32
    %cond3A_136 = arith.constant 0 : i32
    %cond3A_137 = arith.cmpi ne, %convert_element_type3A_135, %cond3A_136 : i32
    scf.if %cond3A_137 {
      "tpu.region"() ({
        %run_scoped3A = tpu.sem_alloc : memref<!tpu.dma_semaphore, #tpu.memory_space<semaphore_mem>>
        %dma_start3A = arith.constant 0 : i32
        %dma_start3A_319 = arith.constant 0 : i32
        %dma_start3A_320 = tpu.memref_slice %arg4[%dma_start3A, %dma_start3A_319] : memref<64x51xf32, #tpu.memory_space<vmem>> -> memref<13x51xf32, #tpu.memory_space<vmem>>
        %dma_start3A_321 = arith.constant 1961 : i32
        %dma_start3A_322 = arith.constant 0 : i32
        %dma_start3A_323 = tpu.memref_slice %arg2[%dma_start3A_321, %dma_start3A_322] : memref<4096x51xf32, #tpu.memory_space<hbm>> -> memref<13x51xf32, #tpu.memory_space<hbm>>
        %dma_start3A_324 = arith.constant 0 : i32
        %dma_start3A_325 = arith.constant 0 : i32
        %dma_start3A_326 = tpu.memref_slice %arg4[%dma_start3A_324, %dma_start3A_325] : memref<64x51xf32, #tpu.memory_space<vmem>> -> memref<13x51xf32, #tpu.memory_space<vmem>>
        %dma_start3A_327 = arith.constant 1961 : i32
        %dma_start3A_328 = arith.constant 0 : i32
        %dma_start3A_329 = tpu.memref_slice %arg2[%dma_start3A_327, %dma_start3A_328] : memref<4096x51xf32, #tpu.memory_space<hbm>> -> memref<13x51xf32, #tpu.memory_space<hbm>>
        tpu.enqueue_dma source(%dma_start3A_329 : memref<13x51xf32, #tpu.memory_space<hbm>>) target(%dma_start3A_326 : memref<13x51xf32, #tpu.memory_space<vmem>>) target_semaphore(%run_scoped3A : memref<!tpu.dma_semaphore, #tpu.memory_space<semaphore_mem>>)
        %dma_wait3A = arith.constant 0 : i32
        %dma_wait3A_330 = arith.constant 0 : i32
        %dma_wait3A_331 = tpu.memref_slice %arg4[%dma_wait3A, %dma_wait3A_330] : memref<64x51xf32, #tpu.memory_space<vmem>> -> memref<13x51xf32, #tpu.memory_space<vmem>>
        %dma_wait3A_332 = arith.constant 1961 : i32
        %dma_wait3A_333 = arith.constant 0 : i32
        %dma_wait3A_334 = tpu.memref_slice %arg2[%dma_wait3A_332, %dma_wait3A_333] : memref<4096x51xf32, #tpu.memory_space<hbm>> -> memref<13x51xf32, #tpu.memory_space<hbm>>
        %dma_wait3A_335 = arith.constant 0 : i32
        %dma_wait3A_336 = arith.constant 0 : i32
        %dma_wait3A_337 = tpu.memref_slice %arg4[%dma_wait3A_335, %dma_wait3A_336] : memref<64x51xf32, #tpu.memory_space<vmem>> -> memref<13x51xf32, #tpu.memory_space<vmem>>
        %dma_wait3A_338 = arith.constant 1961 : i32
        %dma_wait3A_339 = arith.constant 0 : i32
        %dma_wait3A_340 = tpu.memref_slice %arg2[%dma_wait3A_338, %dma_wait3A_339] : memref<4096x51xf32, #tpu.memory_space<hbm>> -> memref<13x51xf32, #tpu.memory_space<hbm>>
        tpu.wait_dma2 semaphore(%run_scoped3A : memref<!tpu.dma_semaphore, #tpu.memory_space<semaphore_mem>>) src(%dma_wait3A_340 : memref<13x51xf32, #tpu.memory_space<hbm>>) dst(%dma_wait3A_337 : memref<13x51xf32, #tpu.memory_space<vmem>>)
        tpu.yield
      }) : () -> ()
      "tpu.region"() ({
        %run_scoped3A = tpu.sem_alloc : memref<!tpu.dma_semaphore, #tpu.memory_space<semaphore_mem>>
        %dma_start3A = arith.constant 13 : i32
        %dma_start3A_319 = arith.constant 0 : i32
        %dma_start3A_320 = tpu.memref_slice %arg4[%dma_start3A, %dma_start3A_319] : memref<64x51xf32, #tpu.memory_space<vmem>> -> memref<50x51xf32, #tpu.memory_space<vmem>>
        %dma_start3A_321 = arith.constant 3922 : i32
        %dma_start3A_322 = arith.constant 0 : i32
        %dma_start3A_323 = tpu.memref_slice %arg2[%dma_start3A_321, %dma_start3A_322] : memref<4096x51xf32, #tpu.memory_space<hbm>> -> memref<50x51xf32, #tpu.memory_space<hbm>>
        %dma_start3A_324 = arith.constant 13 : i32
        %dma_start3A_325 = arith.constant 0 : i32
        %dma_start3A_326 = tpu.memref_slice %arg4[%dma_start3A_324, %dma_start3A_325] : memref<64x51xf32, #tpu.memory_space<vmem>> -> memref<50x51xf32, #tpu.memory_space<vmem>>
        %dma_start3A_327 = arith.constant 3922 : i32
        %dma_start3A_328 = arith.constant 0 : i32
        %dma_start3A_329 = tpu.memref_slice %arg2[%dma_start3A_327, %dma_start3A_328] : memref<4096x51xf32, #tpu.memory_space<hbm>> -> memref<50x51xf32, #tpu.memory_space<hbm>>
        tpu.enqueue_dma source(%dma_start3A_329 : memref<50x51xf32, #tpu.memory_space<hbm>>) target(%dma_start3A_326 : memref<50x51xf32, #tpu.memory_space<vmem>>) target_semaphore(%run_scoped3A : memref<!tpu.dma_semaphore, #tpu.memory_space<semaphore_mem>>)
        %dma_wait3A = arith.constant 13 : i32
        %dma_wait3A_330 = arith.constant 0 : i32
        %dma_wait3A_331 = tpu.memref_slice %arg4[%dma_wait3A, %dma_wait3A_330] : memref<64x51xf32, #tpu.memory_space<vmem>> -> memref<50x51xf32, #tpu.memory_space<vmem>>
        %dma_wait3A_332 = arith.constant 3922 : i32
        %dma_wait3A_333 = arith.constant 0 : i32
        %dma_wait3A_334 = tpu.memref_slice %arg2[%dma_wait3A_332, %dma_wait3A_333] : memref<4096x51xf32, #tpu.memory_space<hbm>> -> memref<50x51xf32, #tpu.memory_space<hbm>>
        %dma_wait3A_335 = arith.constant 13 : i32
        %dma_wait3A_336 = arith.constant 0 : i32
        %dma_wait3A_337 = tpu.memref_slice %arg4[%dma_wait3A_335, %dma_wait3A_336] : memref<64x51xf32, #tpu.memory_space<vmem>> -> memref<50x51xf32, #tpu.memory_space<vmem>>
        %dma_wait3A_338 = arith.constant 3922 : i32
        %dma_wait3A_339 = arith.constant 0 : i32
        %dma_wait3A_340 = tpu.memref_slice %arg2[%dma_wait3A_338, %dma_wait3A_339] : memref<4096x51xf32, #tpu.memory_space<hbm>> -> memref<50x51xf32, #tpu.memory_space<hbm>>
        tpu.wait_dma2 semaphore(%run_scoped3A : memref<!tpu.dma_semaphore, #tpu.memory_space<semaphore_mem>>) src(%dma_wait3A_340 : memref<50x51xf32, #tpu.memory_space<hbm>>) dst(%dma_wait3A_337 : memref<50x51xf32, #tpu.memory_space<vmem>>)
        tpu.yield
      }) : () -> ()
    } else {
    }
    %eq3A_138 = arith.constant 28 : i32
    %eq3A_139 = arith.cmpi eq, %add3A, %eq3A_138 : i32
    %convert_element_type3A_140 = arith.extui %eq3A_139 : i1 to i32
    %cond3A_141 = arith.constant 0 : i32
    %cond3A_142 = arith.cmpi ne, %convert_element_type3A_140, %cond3A_141 : i32
    scf.if %cond3A_142 {
      "tpu.region"() ({
        %run_scoped3A = tpu.sem_alloc : memref<!tpu.dma_semaphore, #tpu.memory_space<semaphore_mem>>
        %dma_start3A = arith.constant 0 : i32
        %dma_start3A_319 = arith.constant 0 : i32
        %dma_start3A_320 = tpu.memref_slice %arg4[%dma_start3A, %dma_start3A_319] : memref<64x51xf32, #tpu.memory_space<vmem>> -> memref<50x51xf32, #tpu.memory_space<vmem>>
        %dma_start3A_321 = arith.constant 3972 : i32
        %dma_start3A_322 = arith.constant 0 : i32
        %dma_start3A_323 = tpu.memref_slice %arg2[%dma_start3A_321, %dma_start3A_322] : memref<4096x51xf32, #tpu.memory_space<hbm>> -> memref<50x51xf32, #tpu.memory_space<hbm>>
        %dma_start3A_324 = arith.constant 0 : i32
        %dma_start3A_325 = arith.constant 0 : i32
        %dma_start3A_326 = tpu.memref_slice %arg4[%dma_start3A_324, %dma_start3A_325] : memref<64x51xf32, #tpu.memory_space<vmem>> -> memref<50x51xf32, #tpu.memory_space<vmem>>
        %dma_start3A_327 = arith.constant 3972 : i32
        %dma_start3A_328 = arith.constant 0 : i32
        %dma_start3A_329 = tpu.memref_slice %arg2[%dma_start3A_327, %dma_start3A_328] : memref<4096x51xf32, #tpu.memory_space<hbm>> -> memref<50x51xf32, #tpu.memory_space<hbm>>
        tpu.enqueue_dma source(%dma_start3A_329 : memref<50x51xf32, #tpu.memory_space<hbm>>) target(%dma_start3A_326 : memref<50x51xf32, #tpu.memory_space<vmem>>) target_semaphore(%run_scoped3A : memref<!tpu.dma_semaphore, #tpu.memory_space<semaphore_mem>>)
        %dma_wait3A = arith.constant 0 : i32
        %dma_wait3A_330 = arith.constant 0 : i32
        %dma_wait3A_331 = tpu.memref_slice %arg4[%dma_wait3A, %dma_wait3A_330] : memref<64x51xf32, #tpu.memory_space<vmem>> -> memref<50x51xf32, #tpu.memory_space<vmem>>
        %dma_wait3A_332 = arith.constant 3972 : i32
        %dma_wait3A_333 = arith.constant 0 : i32
        %dma_wait3A_334 = tpu.memref_slice %arg2[%dma_wait3A_332, %dma_wait3A_333] : memref<4096x51xf32, #tpu.memory_space<hbm>> -> memref<50x51xf32, #tpu.memory_space<hbm>>
        %dma_wait3A_335 = arith.constant 0 : i32
        %dma_wait3A_336 = arith.constant 0 : i32
        %dma_wait3A_337 = tpu.memref_slice %arg4[%dma_wait3A_335, %dma_wait3A_336] : memref<64x51xf32, #tpu.memory_space<vmem>> -> memref<50x51xf32, #tpu.memory_space<vmem>>
        %dma_wait3A_338 = arith.constant 3972 : i32
        %dma_wait3A_339 = arith.constant 0 : i32
        %dma_wait3A_340 = tpu.memref_slice %arg2[%dma_wait3A_338, %dma_wait3A_339] : memref<4096x51xf32, #tpu.memory_space<hbm>> -> memref<50x51xf32, #tpu.memory_space<hbm>>
        tpu.wait_dma2 semaphore(%run_scoped3A : memref<!tpu.dma_semaphore, #tpu.memory_space<semaphore_mem>>) src(%dma_wait3A_340 : memref<50x51xf32, #tpu.memory_space<hbm>>) dst(%dma_wait3A_337 : memref<50x51xf32, #tpu.memory_space<vmem>>)
        tpu.yield
      }) : () -> ()
      "tpu.region"() ({
        %run_scoped3A = tpu.sem_alloc : memref<!tpu.dma_semaphore, #tpu.memory_space<semaphore_mem>>
        %dma_start3A = arith.constant 50 : i32
        %dma_start3A_319 = arith.constant 0 : i32
        %dma_start3A_320 = tpu.memref_slice %arg4[%dma_start3A, %dma_start3A_319] : memref<64x51xf32, #tpu.memory_space<vmem>> -> memref<12x51xf32, #tpu.memory_space<vmem>>
        %dma_start3A_321 = arith.constant 770 : i32
        %dma_start3A_322 = arith.constant 0 : i32
        %dma_start3A_323 = tpu.memref_slice %arg2[%dma_start3A_321, %dma_start3A_322] : memref<4096x51xf32, #tpu.memory_space<hbm>> -> memref<12x51xf32, #tpu.memory_space<hbm>>
        %dma_start3A_324 = arith.constant 50 : i32
        %dma_start3A_325 = arith.constant 0 : i32
        %dma_start3A_326 = tpu.memref_slice %arg4[%dma_start3A_324, %dma_start3A_325] : memref<64x51xf32, #tpu.memory_space<vmem>> -> memref<12x51xf32, #tpu.memory_space<vmem>>
        %dma_start3A_327 = arith.constant 770 : i32
        %dma_start3A_328 = arith.constant 0 : i32
        %dma_start3A_329 = tpu.memref_slice %arg2[%dma_start3A_327, %dma_start3A_328] : memref<4096x51xf32, #tpu.memory_space<hbm>> -> memref<12x51xf32, #tpu.memory_space<hbm>>
        tpu.enqueue_dma source(%dma_start3A_329 : memref<12x51xf32, #tpu.memory_space<hbm>>) target(%dma_start3A_326 : memref<12x51xf32, #tpu.memory_space<vmem>>) target_semaphore(%run_scoped3A : memref<!tpu.dma_semaphore, #tpu.memory_space<semaphore_mem>>)
        %dma_wait3A = arith.constant 50 : i32
        %dma_wait3A_330 = arith.constant 0 : i32
        %dma_wait3A_331 = tpu.memref_slice %arg4[%dma_wait3A, %dma_wait3A_330] : memref<64x51xf32, #tpu.memory_space<vmem>> -> memref<12x51xf32, #tpu.memory_space<vmem>>
        %dma_wait3A_332 = arith.constant 770 : i32
        %dma_wait3A_333 = arith.constant 0 : i32
        %dma_wait3A_334 = tpu.memref_slice %arg2[%dma_wait3A_332, %dma_wait3A_333] : memref<4096x51xf32, #tpu.memory_space<hbm>> -> memref<12x51xf32, #tpu.memory_space<hbm>>
        %dma_wait3A_335 = arith.constant 50 : i32
        %dma_wait3A_336 = arith.constant 0 : i32
        %dma_wait3A_337 = tpu.memref_slice %arg4[%dma_wait3A_335, %dma_wait3A_336] : memref<64x51xf32, #tpu.memory_space<vmem>> -> memref<12x51xf32, #tpu.memory_space<vmem>>
        %dma_wait3A_338 = arith.constant 770 : i32
        %dma_wait3A_339 = arith.constant 0 : i32
        %dma_wait3A_340 = tpu.memref_slice %arg2[%dma_wait3A_338, %dma_wait3A_339] : memref<4096x51xf32, #tpu.memory_space<hbm>> -> memref<12x51xf32, #tpu.memory_space<hbm>>
        tpu.wait_dma2 semaphore(%run_scoped3A : memref<!tpu.dma_semaphore, #tpu.memory_space<semaphore_mem>>) src(%dma_wait3A_340 : memref<12x51xf32, #tpu.memory_space<hbm>>) dst(%dma_wait3A_337 : memref<12x51xf32, #tpu.memory_space<vmem>>)
        tpu.yield
      }) : () -> ()
    } else {
    }
    %eq3A_143 = arith.constant 29 : i32
    %eq3A_144 = arith.cmpi eq, %add3A, %eq3A_143 : i32
    %convert_element_type3A_145 = arith.extui %eq3A_144 : i1 to i32
    %cond3A_146 = arith.constant 0 : i32
    %cond3A_147 = arith.cmpi ne, %convert_element_type3A_145, %cond3A_146 : i32
    scf.if %cond3A_147 {
      "tpu.region"() ({
        %run_scoped3A = tpu.sem_alloc : memref<!tpu.dma_semaphore, #tpu.memory_space<semaphore_mem>>
        %dma_start3A = arith.constant 0 : i32
        %dma_start3A_319 = arith.constant 0 : i32
        %dma_start3A_320 = tpu.memref_slice %arg4[%dma_start3A, %dma_start3A_319] : memref<64x51xf32, #tpu.memory_space<vmem>> -> memref<63x51xf32, #tpu.memory_space<vmem>>
        %dma_start3A_321 = arith.constant 782 : i32
        %dma_start3A_322 = arith.constant 0 : i32
        %dma_start3A_323 = tpu.memref_slice %arg2[%dma_start3A_321, %dma_start3A_322] : memref<4096x51xf32, #tpu.memory_space<hbm>> -> memref<63x51xf32, #tpu.memory_space<hbm>>
        %dma_start3A_324 = arith.constant 0 : i32
        %dma_start3A_325 = arith.constant 0 : i32
        %dma_start3A_326 = tpu.memref_slice %arg4[%dma_start3A_324, %dma_start3A_325] : memref<64x51xf32, #tpu.memory_space<vmem>> -> memref<63x51xf32, #tpu.memory_space<vmem>>
        %dma_start3A_327 = arith.constant 782 : i32
        %dma_start3A_328 = arith.constant 0 : i32
        %dma_start3A_329 = tpu.memref_slice %arg2[%dma_start3A_327, %dma_start3A_328] : memref<4096x51xf32, #tpu.memory_space<hbm>> -> memref<63x51xf32, #tpu.memory_space<hbm>>
        tpu.enqueue_dma source(%dma_start3A_329 : memref<63x51xf32, #tpu.memory_space<hbm>>) target(%dma_start3A_326 : memref<63x51xf32, #tpu.memory_space<vmem>>) target_semaphore(%run_scoped3A : memref<!tpu.dma_semaphore, #tpu.memory_space<semaphore_mem>>)
        %dma_wait3A = arith.constant 0 : i32
        %dma_wait3A_330 = arith.constant 0 : i32
        %dma_wait3A_331 = tpu.memref_slice %arg4[%dma_wait3A, %dma_wait3A_330] : memref<64x51xf32, #tpu.memory_space<vmem>> -> memref<63x51xf32, #tpu.memory_space<vmem>>
        %dma_wait3A_332 = arith.constant 782 : i32
        %dma_wait3A_333 = arith.constant 0 : i32
        %dma_wait3A_334 = tpu.memref_slice %arg2[%dma_wait3A_332, %dma_wait3A_333] : memref<4096x51xf32, #tpu.memory_space<hbm>> -> memref<63x51xf32, #tpu.memory_space<hbm>>
        %dma_wait3A_335 = arith.constant 0 : i32
        %dma_wait3A_336 = arith.constant 0 : i32
        %dma_wait3A_337 = tpu.memref_slice %arg4[%dma_wait3A_335, %dma_wait3A_336] : memref<64x51xf32, #tpu.memory_space<vmem>> -> memref<63x51xf32, #tpu.memory_space<vmem>>
        %dma_wait3A_338 = arith.constant 782 : i32
        %dma_wait3A_339 = arith.constant 0 : i32
        %dma_wait3A_340 = tpu.memref_slice %arg2[%dma_wait3A_338, %dma_wait3A_339] : memref<4096x51xf32, #tpu.memory_space<hbm>> -> memref<63x51xf32, #tpu.memory_space<hbm>>
        tpu.wait_dma2 semaphore(%run_scoped3A : memref<!tpu.dma_semaphore, #tpu.memory_space<semaphore_mem>>) src(%dma_wait3A_340 : memref<63x51xf32, #tpu.memory_space<hbm>>) dst(%dma_wait3A_337 : memref<63x51xf32, #tpu.memory_space<vmem>>)
        tpu.yield
      }) : () -> ()
    } else {
    }
    %eq3A_148 = arith.constant 30 : i32
    %eq3A_149 = arith.cmpi eq, %add3A, %eq3A_148 : i32
    %convert_element_type3A_150 = arith.extui %eq3A_149 : i1 to i32
    %cond3A_151 = arith.constant 0 : i32
    %cond3A_152 = arith.cmpi ne, %convert_element_type3A_150, %cond3A_151 : i32
    scf.if %cond3A_152 {
      "tpu.region"() ({
        %run_scoped3A = tpu.sem_alloc : memref<!tpu.dma_semaphore, #tpu.memory_space<semaphore_mem>>
        %dma_start3A = arith.constant 0 : i32
        %dma_start3A_319 = arith.constant 0 : i32
        %dma_start3A_320 = tpu.memref_slice %arg4[%dma_start3A, %dma_start3A_319] : memref<64x51xf32, #tpu.memory_space<vmem>> -> memref<25x51xf32, #tpu.memory_space<vmem>>
        %dma_start3A_321 = arith.constant 845 : i32
        %dma_start3A_322 = arith.constant 0 : i32
        %dma_start3A_323 = tpu.memref_slice %arg2[%dma_start3A_321, %dma_start3A_322] : memref<4096x51xf32, #tpu.memory_space<hbm>> -> memref<25x51xf32, #tpu.memory_space<hbm>>
        %dma_start3A_324 = arith.constant 0 : i32
        %dma_start3A_325 = arith.constant 0 : i32
        %dma_start3A_326 = tpu.memref_slice %arg4[%dma_start3A_324, %dma_start3A_325] : memref<64x51xf32, #tpu.memory_space<vmem>> -> memref<25x51xf32, #tpu.memory_space<vmem>>
        %dma_start3A_327 = arith.constant 845 : i32
        %dma_start3A_328 = arith.constant 0 : i32
        %dma_start3A_329 = tpu.memref_slice %arg2[%dma_start3A_327, %dma_start3A_328] : memref<4096x51xf32, #tpu.memory_space<hbm>> -> memref<25x51xf32, #tpu.memory_space<hbm>>
        tpu.enqueue_dma source(%dma_start3A_329 : memref<25x51xf32, #tpu.memory_space<hbm>>) target(%dma_start3A_326 : memref<25x51xf32, #tpu.memory_space<vmem>>) target_semaphore(%run_scoped3A : memref<!tpu.dma_semaphore, #tpu.memory_space<semaphore_mem>>)
        %dma_wait3A = arith.constant 0 : i32
        %dma_wait3A_330 = arith.constant 0 : i32
        %dma_wait3A_331 = tpu.memref_slice %arg4[%dma_wait3A, %dma_wait3A_330] : memref<64x51xf32, #tpu.memory_space<vmem>> -> memref<25x51xf32, #tpu.memory_space<vmem>>
        %dma_wait3A_332 = arith.constant 845 : i32
        %dma_wait3A_333 = arith.constant 0 : i32
        %dma_wait3A_334 = tpu.memref_slice %arg2[%dma_wait3A_332, %dma_wait3A_333] : memref<4096x51xf32, #tpu.memory_space<hbm>> -> memref<25x51xf32, #tpu.memory_space<hbm>>
        %dma_wait3A_335 = arith.constant 0 : i32
        %dma_wait3A_336 = arith.constant 0 : i32
        %dma_wait3A_337 = tpu.memref_slice %arg4[%dma_wait3A_335, %dma_wait3A_336] : memref<64x51xf32, #tpu.memory_space<vmem>> -> memref<25x51xf32, #tpu.memory_space<vmem>>
        %dma_wait3A_338 = arith.constant 845 : i32
        %dma_wait3A_339 = arith.constant 0 : i32
        %dma_wait3A_340 = tpu.memref_slice %arg2[%dma_wait3A_338, %dma_wait3A_339] : memref<4096x51xf32, #tpu.memory_space<hbm>> -> memref<25x51xf32, #tpu.memory_space<hbm>>
        tpu.wait_dma2 semaphore(%run_scoped3A : memref<!tpu.dma_semaphore, #tpu.memory_space<semaphore_mem>>) src(%dma_wait3A_340 : memref<25x51xf32, #tpu.memory_space<hbm>>) dst(%dma_wait3A_337 : memref<25x51xf32, #tpu.memory_space<vmem>>)
        tpu.yield
      }) : () -> ()
      "tpu.region"() ({
        %run_scoped3A = tpu.sem_alloc : memref<!tpu.dma_semaphore, #tpu.memory_space<semaphore_mem>>
        %dma_start3A = arith.constant 25 : i32
        %dma_start3A_319 = arith.constant 0 : i32
        %dma_start3A_320 = tpu.memref_slice %arg4[%dma_start3A, %dma_start3A_319] : memref<64x51xf32, #tpu.memory_space<vmem>> -> memref<37x51xf32, #tpu.memory_space<vmem>>
        %dma_start3A_321 = arith.constant 2818 : i32
        %dma_start3A_322 = arith.constant 0 : i32
        %dma_start3A_323 = tpu.memref_slice %arg2[%dma_start3A_321, %dma_start3A_322] : memref<4096x51xf32, #tpu.memory_space<hbm>> -> memref<37x51xf32, #tpu.memory_space<hbm>>
        %dma_start3A_324 = arith.constant 25 : i32
        %dma_start3A_325 = arith.constant 0 : i32
        %dma_start3A_326 = tpu.memref_slice %arg4[%dma_start3A_324, %dma_start3A_325] : memref<64x51xf32, #tpu.memory_space<vmem>> -> memref<37x51xf32, #tpu.memory_space<vmem>>
        %dma_start3A_327 = arith.constant 2818 : i32
        %dma_start3A_328 = arith.constant 0 : i32
        %dma_start3A_329 = tpu.memref_slice %arg2[%dma_start3A_327, %dma_start3A_328] : memref<4096x51xf32, #tpu.memory_space<hbm>> -> memref<37x51xf32, #tpu.memory_space<hbm>>
        tpu.enqueue_dma source(%dma_start3A_329 : memref<37x51xf32, #tpu.memory_space<hbm>>) target(%dma_start3A_326 : memref<37x51xf32, #tpu.memory_space<vmem>>) target_semaphore(%run_scoped3A : memref<!tpu.dma_semaphore, #tpu.memory_space<semaphore_mem>>)
        %dma_wait3A = arith.constant 25 : i32
        %dma_wait3A_330 = arith.constant 0 : i32
        %dma_wait3A_331 = tpu.memref_slice %arg4[%dma_wait3A, %dma_wait3A_330] : memref<64x51xf32, #tpu.memory_space<vmem>> -> memref<37x51xf32, #tpu.memory_space<vmem>>
        %dma_wait3A_332 = arith.constant 2818 : i32
        %dma_wait3A_333 = arith.constant 0 : i32
        %dma_wait3A_334 = tpu.memref_slice %arg2[%dma_wait3A_332, %dma_wait3A_333] : memref<4096x51xf32, #tpu.memory_space<hbm>> -> memref<37x51xf32, #tpu.memory_space<hbm>>
        %dma_wait3A_335 = arith.constant 25 : i32
        %dma_wait3A_336 = arith.constant 0 : i32
        %dma_wait3A_337 = tpu.memref_slice %arg4[%dma_wait3A_335, %dma_wait3A_336] : memref<64x51xf32, #tpu.memory_space<vmem>> -> memref<37x51xf32, #tpu.memory_space<vmem>>
        %dma_wait3A_338 = arith.constant 2818 : i32
        %dma_wait3A_339 = arith.constant 0 : i32
        %dma_wait3A_340 = tpu.memref_slice %arg2[%dma_wait3A_338, %dma_wait3A_339] : memref<4096x51xf32, #tpu.memory_space<hbm>> -> memref<37x51xf32, #tpu.memory_space<hbm>>
        tpu.wait_dma2 semaphore(%run_scoped3A : memref<!tpu.dma_semaphore, #tpu.memory_space<semaphore_mem>>) src(%dma_wait3A_340 : memref<37x51xf32, #tpu.memory_space<hbm>>) dst(%dma_wait3A_337 : memref<37x51xf32, #tpu.memory_space<vmem>>)
        tpu.yield
      }) : () -> ()
    } else {
    }
    %eq3A_153 = arith.constant 31 : i32
    %eq3A_154 = arith.cmpi eq, %add3A, %eq3A_153 : i32
    %convert_element_type3A_155 = arith.extui %eq3A_154 : i1 to i32
    %cond3A_156 = arith.constant 0 : i32
    %cond3A_157 = arith.cmpi ne, %convert_element_type3A_155, %cond3A_156 : i32
    scf.if %cond3A_157 {
      "tpu.region"() ({
        %run_scoped3A = tpu.sem_alloc : memref<!tpu.dma_semaphore, #tpu.memory_space<semaphore_mem>>
        %dma_start3A = arith.constant 0 : i32
        %dma_start3A_319 = arith.constant 0 : i32
        %dma_start3A_320 = tpu.memref_slice %arg4[%dma_start3A, %dma_start3A_319] : memref<64x51xf32, #tpu.memory_space<vmem>> -> memref<63x51xf32, #tpu.memory_space<vmem>>
        %dma_start3A_321 = arith.constant 2855 : i32
        %dma_start3A_322 = arith.constant 0 : i32
        %dma_start3A_323 = tpu.memref_slice %arg2[%dma_start3A_321, %dma_start3A_322] : memref<4096x51xf32, #tpu.memory_space<hbm>> -> memref<63x51xf32, #tpu.memory_space<hbm>>
        %dma_start3A_324 = arith.constant 0 : i32
        %dma_start3A_325 = arith.constant 0 : i32
        %dma_start3A_326 = tpu.memref_slice %arg4[%dma_start3A_324, %dma_start3A_325] : memref<64x51xf32, #tpu.memory_space<vmem>> -> memref<63x51xf32, #tpu.memory_space<vmem>>
        %dma_start3A_327 = arith.constant 2855 : i32
        %dma_start3A_328 = arith.constant 0 : i32
        %dma_start3A_329 = tpu.memref_slice %arg2[%dma_start3A_327, %dma_start3A_328] : memref<4096x51xf32, #tpu.memory_space<hbm>> -> memref<63x51xf32, #tpu.memory_space<hbm>>
        tpu.enqueue_dma source(%dma_start3A_329 : memref<63x51xf32, #tpu.memory_space<hbm>>) target(%dma_start3A_326 : memref<63x51xf32, #tpu.memory_space<vmem>>) target_semaphore(%run_scoped3A : memref<!tpu.dma_semaphore, #tpu.memory_space<semaphore_mem>>)
        %dma_wait3A = arith.constant 0 : i32
        %dma_wait3A_330 = arith.constant 0 : i32
        %dma_wait3A_331 = tpu.memref_slice %arg4[%dma_wait3A, %dma_wait3A_330] : memref<64x51xf32, #tpu.memory_space<vmem>> -> memref<63x51xf32, #tpu.memory_space<vmem>>
        %dma_wait3A_332 = arith.constant 2855 : i32
        %dma_wait3A_333 = arith.constant 0 : i32
        %dma_wait3A_334 = tpu.memref_slice %arg2[%dma_wait3A_332, %dma_wait3A_333] : memref<4096x51xf32, #tpu.memory_space<hbm>> -> memref<63x51xf32, #tpu.memory_space<hbm>>
        %dma_wait3A_335 = arith.constant 0 : i32
        %dma_wait3A_336 = arith.constant 0 : i32
        %dma_wait3A_337 = tpu.memref_slice %arg4[%dma_wait3A_335, %dma_wait3A_336] : memref<64x51xf32, #tpu.memory_space<vmem>> -> memref<63x51xf32, #tpu.memory_space<vmem>>
        %dma_wait3A_338 = arith.constant 2855 : i32
        %dma_wait3A_339 = arith.constant 0 : i32
        %dma_wait3A_340 = tpu.memref_slice %arg2[%dma_wait3A_338, %dma_wait3A_339] : memref<4096x51xf32, #tpu.memory_space<hbm>> -> memref<63x51xf32, #tpu.memory_space<hbm>>
        tpu.wait_dma2 semaphore(%run_scoped3A : memref<!tpu.dma_semaphore, #tpu.memory_space<semaphore_mem>>) src(%dma_wait3A_340 : memref<63x51xf32, #tpu.memory_space<hbm>>) dst(%dma_wait3A_337 : memref<63x51xf32, #tpu.memory_space<vmem>>)
        tpu.yield
      }) : () -> ()
    } else {
    }
    %iota3A = tpu.iota {dimensions = array<i32: 0>} : vector<16xi32>
    %broadcast_in_dim3A = arith.constant 0.000000e+00 : f32
    %broadcast_in_dim3A_158 = vector.broadcast %broadcast_in_dim3A : f32 to vector<16xf32>
    %eq3A_159 = arith.constant 0 : i32
    %eq3A_160 = arith.cmpi eq, %add3A, %eq3A_159 : i32
    %convert_element_type3A_161 = arith.extui %eq3A_160 : i1 to i32
    %cond3A_162 = arith.constant 0 : i32
    %cond3A_163 = arith.cmpi ne, %convert_element_type3A_161, %cond3A_162 : i32
    scf.if %cond3A_163 {
      "tpu.region"() ({
        %run_scoped3A = tpu.sem_alloc : memref<!tpu.dma_semaphore, #tpu.memory_space<semaphore_mem>>
        %dma_start3A = arith.constant 0 : i32
        %dma_start3A_319 = arith.constant 0 : i32
        %dma_start3A_320 = tpu.memref_slice %arg4[%dma_start3A, %dma_start3A_319] : memref<64x51xf32, #tpu.memory_space<vmem>> -> memref<62x51xf32, #tpu.memory_space<vmem>>
        %dma_start3A_321 = arith.constant 0 : i32
        %dma_start3A_322 = arith.constant 0 : i32
        %dma_start3A_323 = tpu.memref_slice %arg3[%dma_start3A_321, %dma_start3A_322] : memref<2000x51xf32, #tpu.memory_space<hbm>> -> memref<62x51xf32, #tpu.memory_space<hbm>>
        %dma_start3A_324 = arith.constant 0 : i32
        %dma_start3A_325 = arith.constant 0 : i32
        %dma_start3A_326 = tpu.memref_slice %arg3[%dma_start3A_324, %dma_start3A_325] : memref<2000x51xf32, #tpu.memory_space<hbm>> -> memref<62x51xf32, #tpu.memory_space<hbm>>
        %dma_start3A_327 = arith.constant 0 : i32
        %dma_start3A_328 = arith.constant 0 : i32
        %dma_start3A_329 = tpu.memref_slice %arg4[%dma_start3A_327, %dma_start3A_328] : memref<64x51xf32, #tpu.memory_space<vmem>> -> memref<62x51xf32, #tpu.memory_space<vmem>>
        tpu.enqueue_dma source(%dma_start3A_329 : memref<62x51xf32, #tpu.memory_space<vmem>>) target(%dma_start3A_326 : memref<62x51xf32, #tpu.memory_space<hbm>>) target_semaphore(%run_scoped3A : memref<!tpu.dma_semaphore, #tpu.memory_space<semaphore_mem>>)
        %dma_wait3A = arith.constant 0 : i32
        %dma_wait3A_330 = arith.constant 0 : i32
        %dma_wait3A_331 = tpu.memref_slice %arg4[%dma_wait3A, %dma_wait3A_330] : memref<64x51xf32, #tpu.memory_space<vmem>> -> memref<62x51xf32, #tpu.memory_space<vmem>>
        %dma_wait3A_332 = arith.constant 0 : i32
        %dma_wait3A_333 = arith.constant 0 : i32
        %dma_wait3A_334 = tpu.memref_slice %arg3[%dma_wait3A_332, %dma_wait3A_333] : memref<2000x51xf32, #tpu.memory_space<hbm>> -> memref<62x51xf32, #tpu.memory_space<hbm>>
        %dma_wait3A_335 = arith.constant 0 : i32
        %dma_wait3A_336 = arith.constant 0 : i32
        %dma_wait3A_337 = tpu.memref_slice %arg3[%dma_wait3A_335, %dma_wait3A_336] : memref<2000x51xf32, #tpu.memory_space<hbm>> -> memref<62x51xf32, #tpu.memory_space<hbm>>
        %dma_wait3A_338 = arith.constant 0 : i32
        %dma_wait3A_339 = arith.constant 0 : i32
        %dma_wait3A_340 = tpu.memref_slice %arg4[%dma_wait3A_338, %dma_wait3A_339] : memref<64x51xf32, #tpu.memory_space<vmem>> -> memref<62x51xf32, #tpu.memory_space<vmem>>
        tpu.wait_dma2 semaphore(%run_scoped3A : memref<!tpu.dma_semaphore, #tpu.memory_space<semaphore_mem>>) src(%dma_wait3A_340 : memref<62x51xf32, #tpu.memory_space<vmem>>) dst(%dma_wait3A_337 : memref<62x51xf32, #tpu.memory_space<hbm>>)
        tpu.yield
      }) : () -> ()
    } else {
    }
    %eq3A_164 = arith.constant 1 : i32
    %eq3A_165 = arith.cmpi eq, %add3A, %eq3A_164 : i32
    %convert_element_type3A_166 = arith.extui %eq3A_165 : i1 to i32
    %cond3A_167 = arith.constant 0 : i32
    %cond3A_168 = arith.cmpi ne, %convert_element_type3A_166, %cond3A_167 : i32
    scf.if %cond3A_168 {
      "tpu.region"() ({
        %run_scoped3A = tpu.sem_alloc : memref<!tpu.dma_semaphore, #tpu.memory_space<semaphore_mem>>
        %dma_start3A = arith.constant 0 : i32
        %dma_start3A_319 = arith.constant 0 : i32
        %dma_start3A_320 = tpu.memref_slice %arg4[%dma_start3A, %dma_start3A_319] : memref<64x51xf32, #tpu.memory_space<vmem>> -> memref<63x51xf32, #tpu.memory_space<vmem>>
        %dma_start3A_321 = arith.constant 62 : i32
        %dma_start3A_322 = arith.constant 0 : i32
        %dma_start3A_323 = tpu.memref_slice %arg3[%dma_start3A_321, %dma_start3A_322] : memref<2000x51xf32, #tpu.memory_space<hbm>> -> memref<63x51xf32, #tpu.memory_space<hbm>>
        %dma_start3A_324 = arith.constant 62 : i32
        %dma_start3A_325 = arith.constant 0 : i32
        %dma_start3A_326 = tpu.memref_slice %arg3[%dma_start3A_324, %dma_start3A_325] : memref<2000x51xf32, #tpu.memory_space<hbm>> -> memref<63x51xf32, #tpu.memory_space<hbm>>
        %dma_start3A_327 = arith.constant 0 : i32
        %dma_start3A_328 = arith.constant 0 : i32
        %dma_start3A_329 = tpu.memref_slice %arg4[%dma_start3A_327, %dma_start3A_328] : memref<64x51xf32, #tpu.memory_space<vmem>> -> memref<63x51xf32, #tpu.memory_space<vmem>>
        tpu.enqueue_dma source(%dma_start3A_329 : memref<63x51xf32, #tpu.memory_space<vmem>>) target(%dma_start3A_326 : memref<63x51xf32, #tpu.memory_space<hbm>>) target_semaphore(%run_scoped3A : memref<!tpu.dma_semaphore, #tpu.memory_space<semaphore_mem>>)
        %dma_wait3A = arith.constant 0 : i32
        %dma_wait3A_330 = arith.constant 0 : i32
        %dma_wait3A_331 = tpu.memref_slice %arg4[%dma_wait3A, %dma_wait3A_330] : memref<64x51xf32, #tpu.memory_space<vmem>> -> memref<63x51xf32, #tpu.memory_space<vmem>>
        %dma_wait3A_332 = arith.constant 62 : i32
        %dma_wait3A_333 = arith.constant 0 : i32
        %dma_wait3A_334 = tpu.memref_slice %arg3[%dma_wait3A_332, %dma_wait3A_333] : memref<2000x51xf32, #tpu.memory_space<hbm>> -> memref<63x51xf32, #tpu.memory_space<hbm>>
        %dma_wait3A_335 = arith.constant 62 : i32
        %dma_wait3A_336 = arith.constant 0 : i32
        %dma_wait3A_337 = tpu.memref_slice %arg3[%dma_wait3A_335, %dma_wait3A_336] : memref<2000x51xf32, #tpu.memory_space<hbm>> -> memref<63x51xf32, #tpu.memory_space<hbm>>
        %dma_wait3A_338 = arith.constant 0 : i32
        %dma_wait3A_339 = arith.constant 0 : i32
        %dma_wait3A_340 = tpu.memref_slice %arg4[%dma_wait3A_338, %dma_wait3A_339] : memref<64x51xf32, #tpu.memory_space<vmem>> -> memref<63x51xf32, #tpu.memory_space<vmem>>
        tpu.wait_dma2 semaphore(%run_scoped3A : memref<!tpu.dma_semaphore, #tpu.memory_space<semaphore_mem>>) src(%dma_wait3A_340 : memref<63x51xf32, #tpu.memory_space<vmem>>) dst(%dma_wait3A_337 : memref<63x51xf32, #tpu.memory_space<hbm>>)
        tpu.yield
      }) : () -> ()
    } else {
    }
    %eq3A_169 = arith.constant 2 : i32
    %eq3A_170 = arith.cmpi eq, %add3A, %eq3A_169 : i32
    %convert_element_type3A_171 = arith.extui %eq3A_170 : i1 to i32
    %cond3A_172 = arith.constant 0 : i32
    %cond3A_173 = arith.cmpi ne, %convert_element_type3A_171, %cond3A_172 : i32
    scf.if %cond3A_173 {
      "tpu.region"() ({
        %run_scoped3A = tpu.sem_alloc : memref<!tpu.dma_semaphore, #tpu.memory_space<semaphore_mem>>
        %dma_start3A = arith.constant 0 : i32
        %dma_start3A_319 = arith.constant 0 : i32
        %dma_start3A_320 = tpu.memref_slice %arg4[%dma_start3A, %dma_start3A_319] : memref<64x51xf32, #tpu.memory_space<vmem>> -> memref<62x51xf32, #tpu.memory_space<vmem>>
        %dma_start3A_321 = arith.constant 125 : i32
        %dma_start3A_322 = arith.constant 0 : i32
        %dma_start3A_323 = tpu.memref_slice %arg3[%dma_start3A_321, %dma_start3A_322] : memref<2000x51xf32, #tpu.memory_space<hbm>> -> memref<62x51xf32, #tpu.memory_space<hbm>>
        %dma_start3A_324 = arith.constant 125 : i32
        %dma_start3A_325 = arith.constant 0 : i32
        %dma_start3A_326 = tpu.memref_slice %arg3[%dma_start3A_324, %dma_start3A_325] : memref<2000x51xf32, #tpu.memory_space<hbm>> -> memref<62x51xf32, #tpu.memory_space<hbm>>
        %dma_start3A_327 = arith.constant 0 : i32
        %dma_start3A_328 = arith.constant 0 : i32
        %dma_start3A_329 = tpu.memref_slice %arg4[%dma_start3A_327, %dma_start3A_328] : memref<64x51xf32, #tpu.memory_space<vmem>> -> memref<62x51xf32, #tpu.memory_space<vmem>>
        tpu.enqueue_dma source(%dma_start3A_329 : memref<62x51xf32, #tpu.memory_space<vmem>>) target(%dma_start3A_326 : memref<62x51xf32, #tpu.memory_space<hbm>>) target_semaphore(%run_scoped3A : memref<!tpu.dma_semaphore, #tpu.memory_space<semaphore_mem>>)
        %dma_wait3A = arith.constant 0 : i32
        %dma_wait3A_330 = arith.constant 0 : i32
        %dma_wait3A_331 = tpu.memref_slice %arg4[%dma_wait3A, %dma_wait3A_330] : memref<64x51xf32, #tpu.memory_space<vmem>> -> memref<62x51xf32, #tpu.memory_space<vmem>>
        %dma_wait3A_332 = arith.constant 125 : i32
        %dma_wait3A_333 = arith.constant 0 : i32
        %dma_wait3A_334 = tpu.memref_slice %arg3[%dma_wait3A_332, %dma_wait3A_333] : memref<2000x51xf32, #tpu.memory_space<hbm>> -> memref<62x51xf32, #tpu.memory_space<hbm>>
        %dma_wait3A_335 = arith.constant 125 : i32
        %dma_wait3A_336 = arith.constant 0 : i32
        %dma_wait3A_337 = tpu.memref_slice %arg3[%dma_wait3A_335, %dma_wait3A_336] : memref<2000x51xf32, #tpu.memory_space<hbm>> -> memref<62x51xf32, #tpu.memory_space<hbm>>
        %dma_wait3A_338 = arith.constant 0 : i32
        %dma_wait3A_339 = arith.constant 0 : i32
        %dma_wait3A_340 = tpu.memref_slice %arg4[%dma_wait3A_338, %dma_wait3A_339] : memref<64x51xf32, #tpu.memory_space<vmem>> -> memref<62x51xf32, #tpu.memory_space<vmem>>
        tpu.wait_dma2 semaphore(%run_scoped3A : memref<!tpu.dma_semaphore, #tpu.memory_space<semaphore_mem>>) src(%dma_wait3A_340 : memref<62x51xf32, #tpu.memory_space<vmem>>) dst(%dma_wait3A_337 : memref<62x51xf32, #tpu.memory_space<hbm>>)
        tpu.yield
      }) : () -> ()
    } else {
    }
    %eq3A_174 = arith.constant 3 : i32
    %eq3A_175 = arith.cmpi eq, %add3A, %eq3A_174 : i32
    %convert_element_type3A_176 = arith.extui %eq3A_175 : i1 to i32
    %cond3A_177 = arith.constant 0 : i32
    %cond3A_178 = arith.cmpi ne, %convert_element_type3A_176, %cond3A_177 : i32
    scf.if %cond3A_178 {
      "tpu.region"() ({
        %run_scoped3A = tpu.sem_alloc : memref<!tpu.dma_semaphore, #tpu.memory_space<semaphore_mem>>
        %dma_start3A = arith.constant 0 : i32
        %dma_start3A_319 = arith.constant 0 : i32
        %dma_start3A_320 = tpu.memref_slice %arg4[%dma_start3A, %dma_start3A_319] : memref<64x51xf32, #tpu.memory_space<vmem>> -> memref<63x51xf32, #tpu.memory_space<vmem>>
        %dma_start3A_321 = arith.constant 187 : i32
        %dma_start3A_322 = arith.constant 0 : i32
        %dma_start3A_323 = tpu.memref_slice %arg3[%dma_start3A_321, %dma_start3A_322] : memref<2000x51xf32, #tpu.memory_space<hbm>> -> memref<63x51xf32, #tpu.memory_space<hbm>>
        %dma_start3A_324 = arith.constant 187 : i32
        %dma_start3A_325 = arith.constant 0 : i32
        %dma_start3A_326 = tpu.memref_slice %arg3[%dma_start3A_324, %dma_start3A_325] : memref<2000x51xf32, #tpu.memory_space<hbm>> -> memref<63x51xf32, #tpu.memory_space<hbm>>
        %dma_start3A_327 = arith.constant 0 : i32
        %dma_start3A_328 = arith.constant 0 : i32
        %dma_start3A_329 = tpu.memref_slice %arg4[%dma_start3A_327, %dma_start3A_328] : memref<64x51xf32, #tpu.memory_space<vmem>> -> memref<63x51xf32, #tpu.memory_space<vmem>>
        tpu.enqueue_dma source(%dma_start3A_329 : memref<63x51xf32, #tpu.memory_space<vmem>>) target(%dma_start3A_326 : memref<63x51xf32, #tpu.memory_space<hbm>>) target_semaphore(%run_scoped3A : memref<!tpu.dma_semaphore, #tpu.memory_space<semaphore_mem>>)
        %dma_wait3A = arith.constant 0 : i32
        %dma_wait3A_330 = arith.constant 0 : i32
        %dma_wait3A_331 = tpu.memref_slice %arg4[%dma_wait3A, %dma_wait3A_330] : memref<64x51xf32, #tpu.memory_space<vmem>> -> memref<63x51xf32, #tpu.memory_space<vmem>>
        %dma_wait3A_332 = arith.constant 187 : i32
        %dma_wait3A_333 = arith.constant 0 : i32
        %dma_wait3A_334 = tpu.memref_slice %arg3[%dma_wait3A_332, %dma_wait3A_333] : memref<2000x51xf32, #tpu.memory_space<hbm>> -> memref<63x51xf32, #tpu.memory_space<hbm>>
        %dma_wait3A_335 = arith.constant 187 : i32
        %dma_wait3A_336 = arith.constant 0 : i32
        %dma_wait3A_337 = tpu.memref_slice %arg3[%dma_wait3A_335, %dma_wait3A_336] : memref<2000x51xf32, #tpu.memory_space<hbm>> -> memref<63x51xf32, #tpu.memory_space<hbm>>
        %dma_wait3A_338 = arith.constant 0 : i32
        %dma_wait3A_339 = arith.constant 0 : i32
        %dma_wait3A_340 = tpu.memref_slice %arg4[%dma_wait3A_338, %dma_wait3A_339] : memref<64x51xf32, #tpu.memory_space<vmem>> -> memref<63x51xf32, #tpu.memory_space<vmem>>
        tpu.wait_dma2 semaphore(%run_scoped3A : memref<!tpu.dma_semaphore, #tpu.memory_space<semaphore_mem>>) src(%dma_wait3A_340 : memref<63x51xf32, #tpu.memory_space<vmem>>) dst(%dma_wait3A_337 : memref<63x51xf32, #tpu.memory_space<hbm>>)
        tpu.yield
      }) : () -> ()
    } else {
    }
    %eq3A_179 = arith.constant 4 : i32
    %eq3A_180 = arith.cmpi eq, %add3A, %eq3A_179 : i32
    %convert_element_type3A_181 = arith.extui %eq3A_180 : i1 to i32
    %cond3A_182 = arith.constant 0 : i32
    %cond3A_183 = arith.cmpi ne, %convert_element_type3A_181, %cond3A_182 : i32
    scf.if %cond3A_183 {
      "tpu.region"() ({
        %run_scoped3A = tpu.sem_alloc : memref<!tpu.dma_semaphore, #tpu.memory_space<semaphore_mem>>
        %dma_start3A = arith.constant 0 : i32
        %dma_start3A_319 = arith.constant 0 : i32
        %dma_start3A_320 = tpu.memref_slice %arg4[%dma_start3A, %dma_start3A_319] : memref<64x51xf32, #tpu.memory_space<vmem>> -> memref<62x51xf32, #tpu.memory_space<vmem>>
        %dma_start3A_321 = arith.constant 250 : i32
        %dma_start3A_322 = arith.constant 0 : i32
        %dma_start3A_323 = tpu.memref_slice %arg3[%dma_start3A_321, %dma_start3A_322] : memref<2000x51xf32, #tpu.memory_space<hbm>> -> memref<62x51xf32, #tpu.memory_space<hbm>>
        %dma_start3A_324 = arith.constant 250 : i32
        %dma_start3A_325 = arith.constant 0 : i32
        %dma_start3A_326 = tpu.memref_slice %arg3[%dma_start3A_324, %dma_start3A_325] : memref<2000x51xf32, #tpu.memory_space<hbm>> -> memref<62x51xf32, #tpu.memory_space<hbm>>
        %dma_start3A_327 = arith.constant 0 : i32
        %dma_start3A_328 = arith.constant 0 : i32
        %dma_start3A_329 = tpu.memref_slice %arg4[%dma_start3A_327, %dma_start3A_328] : memref<64x51xf32, #tpu.memory_space<vmem>> -> memref<62x51xf32, #tpu.memory_space<vmem>>
        tpu.enqueue_dma source(%dma_start3A_329 : memref<62x51xf32, #tpu.memory_space<vmem>>) target(%dma_start3A_326 : memref<62x51xf32, #tpu.memory_space<hbm>>) target_semaphore(%run_scoped3A : memref<!tpu.dma_semaphore, #tpu.memory_space<semaphore_mem>>)
        %dma_wait3A = arith.constant 0 : i32
        %dma_wait3A_330 = arith.constant 0 : i32
        %dma_wait3A_331 = tpu.memref_slice %arg4[%dma_wait3A, %dma_wait3A_330] : memref<64x51xf32, #tpu.memory_space<vmem>> -> memref<62x51xf32, #tpu.memory_space<vmem>>
        %dma_wait3A_332 = arith.constant 250 : i32
        %dma_wait3A_333 = arith.constant 0 : i32
        %dma_wait3A_334 = tpu.memref_slice %arg3[%dma_wait3A_332, %dma_wait3A_333] : memref<2000x51xf32, #tpu.memory_space<hbm>> -> memref<62x51xf32, #tpu.memory_space<hbm>>
        %dma_wait3A_335 = arith.constant 250 : i32
        %dma_wait3A_336 = arith.constant 0 : i32
        %dma_wait3A_337 = tpu.memref_slice %arg3[%dma_wait3A_335, %dma_wait3A_336] : memref<2000x51xf32, #tpu.memory_space<hbm>> -> memref<62x51xf32, #tpu.memory_space<hbm>>
        %dma_wait3A_338 = arith.constant 0 : i32
        %dma_wait3A_339 = arith.constant 0 : i32
        %dma_wait3A_340 = tpu.memref_slice %arg4[%dma_wait3A_338, %dma_wait3A_339] : memref<64x51xf32, #tpu.memory_space<vmem>> -> memref<62x51xf32, #tpu.memory_space<vmem>>
        tpu.wait_dma2 semaphore(%run_scoped3A : memref<!tpu.dma_semaphore, #tpu.memory_space<semaphore_mem>>) src(%dma_wait3A_340 : memref<62x51xf32, #tpu.memory_space<vmem>>) dst(%dma_wait3A_337 : memref<62x51xf32, #tpu.memory_space<hbm>>)
        tpu.yield
      }) : () -> ()
    } else {
    }
    %eq3A_184 = arith.constant 5 : i32
    %eq3A_185 = arith.cmpi eq, %add3A, %eq3A_184 : i32
    %convert_element_type3A_186 = arith.extui %eq3A_185 : i1 to i32
    %cond3A_187 = arith.constant 0 : i32
    %cond3A_188 = arith.cmpi ne, %convert_element_type3A_186, %cond3A_187 : i32
    scf.if %cond3A_188 {
      "tpu.region"() ({
        %run_scoped3A = tpu.sem_alloc : memref<!tpu.dma_semaphore, #tpu.memory_space<semaphore_mem>>
        %dma_start3A = arith.constant 0 : i32
        %dma_start3A_319 = arith.constant 0 : i32
        %dma_start3A_320 = tpu.memref_slice %arg4[%dma_start3A, %dma_start3A_319] : memref<64x51xf32, #tpu.memory_space<vmem>> -> memref<63x51xf32, #tpu.memory_space<vmem>>
        %dma_start3A_321 = arith.constant 312 : i32
        %dma_start3A_322 = arith.constant 0 : i32
        %dma_start3A_323 = tpu.memref_slice %arg3[%dma_start3A_321, %dma_start3A_322] : memref<2000x51xf32, #tpu.memory_space<hbm>> -> memref<63x51xf32, #tpu.memory_space<hbm>>
        %dma_start3A_324 = arith.constant 312 : i32
        %dma_start3A_325 = arith.constant 0 : i32
        %dma_start3A_326 = tpu.memref_slice %arg3[%dma_start3A_324, %dma_start3A_325] : memref<2000x51xf32, #tpu.memory_space<hbm>> -> memref<63x51xf32, #tpu.memory_space<hbm>>
        %dma_start3A_327 = arith.constant 0 : i32
        %dma_start3A_328 = arith.constant 0 : i32
        %dma_start3A_329 = tpu.memref_slice %arg4[%dma_start3A_327, %dma_start3A_328] : memref<64x51xf32, #tpu.memory_space<vmem>> -> memref<63x51xf32, #tpu.memory_space<vmem>>
        tpu.enqueue_dma source(%dma_start3A_329 : memref<63x51xf32, #tpu.memory_space<vmem>>) target(%dma_start3A_326 : memref<63x51xf32, #tpu.memory_space<hbm>>) target_semaphore(%run_scoped3A : memref<!tpu.dma_semaphore, #tpu.memory_space<semaphore_mem>>)
        %dma_wait3A = arith.constant 0 : i32
        %dma_wait3A_330 = arith.constant 0 : i32
        %dma_wait3A_331 = tpu.memref_slice %arg4[%dma_wait3A, %dma_wait3A_330] : memref<64x51xf32, #tpu.memory_space<vmem>> -> memref<63x51xf32, #tpu.memory_space<vmem>>
        %dma_wait3A_332 = arith.constant 312 : i32
        %dma_wait3A_333 = arith.constant 0 : i32
        %dma_wait3A_334 = tpu.memref_slice %arg3[%dma_wait3A_332, %dma_wait3A_333] : memref<2000x51xf32, #tpu.memory_space<hbm>> -> memref<63x51xf32, #tpu.memory_space<hbm>>
        %dma_wait3A_335 = arith.constant 312 : i32
        %dma_wait3A_336 = arith.constant 0 : i32
        %dma_wait3A_337 = tpu.memref_slice %arg3[%dma_wait3A_335, %dma_wait3A_336] : memref<2000x51xf32, #tpu.memory_space<hbm>> -> memref<63x51xf32, #tpu.memory_space<hbm>>
        %dma_wait3A_338 = arith.constant 0 : i32
        %dma_wait3A_339 = arith.constant 0 : i32
        %dma_wait3A_340 = tpu.memref_slice %arg4[%dma_wait3A_338, %dma_wait3A_339] : memref<64x51xf32, #tpu.memory_space<vmem>> -> memref<63x51xf32, #tpu.memory_space<vmem>>
        tpu.wait_dma2 semaphore(%run_scoped3A : memref<!tpu.dma_semaphore, #tpu.memory_space<semaphore_mem>>) src(%dma_wait3A_340 : memref<63x51xf32, #tpu.memory_space<vmem>>) dst(%dma_wait3A_337 : memref<63x51xf32, #tpu.memory_space<hbm>>)
        tpu.yield
      }) : () -> ()
    } else {
    }
    %eq3A_189 = arith.constant 6 : i32
    %eq3A_190 = arith.cmpi eq, %add3A, %eq3A_189 : i32
    %convert_element_type3A_191 = arith.extui %eq3A_190 : i1 to i32
    %cond3A_192 = arith.constant 0 : i32
    %cond3A_193 = arith.cmpi ne, %convert_element_type3A_191, %cond3A_192 : i32
    scf.if %cond3A_193 {
      "tpu.region"() ({
        %run_scoped3A = tpu.sem_alloc : memref<!tpu.dma_semaphore, #tpu.memory_space<semaphore_mem>>
        %dma_start3A = arith.constant 0 : i32
        %dma_start3A_319 = arith.constant 0 : i32
        %dma_start3A_320 = tpu.memref_slice %arg4[%dma_start3A, %dma_start3A_319] : memref<64x51xf32, #tpu.memory_space<vmem>> -> memref<62x51xf32, #tpu.memory_space<vmem>>
        %dma_start3A_321 = arith.constant 375 : i32
        %dma_start3A_322 = arith.constant 0 : i32
        %dma_start3A_323 = tpu.memref_slice %arg3[%dma_start3A_321, %dma_start3A_322] : memref<2000x51xf32, #tpu.memory_space<hbm>> -> memref<62x51xf32, #tpu.memory_space<hbm>>
        %dma_start3A_324 = arith.constant 375 : i32
        %dma_start3A_325 = arith.constant 0 : i32
        %dma_start3A_326 = tpu.memref_slice %arg3[%dma_start3A_324, %dma_start3A_325] : memref<2000x51xf32, #tpu.memory_space<hbm>> -> memref<62x51xf32, #tpu.memory_space<hbm>>
        %dma_start3A_327 = arith.constant 0 : i32
        %dma_start3A_328 = arith.constant 0 : i32
        %dma_start3A_329 = tpu.memref_slice %arg4[%dma_start3A_327, %dma_start3A_328] : memref<64x51xf32, #tpu.memory_space<vmem>> -> memref<62x51xf32, #tpu.memory_space<vmem>>
        tpu.enqueue_dma source(%dma_start3A_329 : memref<62x51xf32, #tpu.memory_space<vmem>>) target(%dma_start3A_326 : memref<62x51xf32, #tpu.memory_space<hbm>>) target_semaphore(%run_scoped3A : memref<!tpu.dma_semaphore, #tpu.memory_space<semaphore_mem>>)
        %dma_wait3A = arith.constant 0 : i32
        %dma_wait3A_330 = arith.constant 0 : i32
        %dma_wait3A_331 = tpu.memref_slice %arg4[%dma_wait3A, %dma_wait3A_330] : memref<64x51xf32, #tpu.memory_space<vmem>> -> memref<62x51xf32, #tpu.memory_space<vmem>>
        %dma_wait3A_332 = arith.constant 375 : i32
        %dma_wait3A_333 = arith.constant 0 : i32
        %dma_wait3A_334 = tpu.memref_slice %arg3[%dma_wait3A_332, %dma_wait3A_333] : memref<2000x51xf32, #tpu.memory_space<hbm>> -> memref<62x51xf32, #tpu.memory_space<hbm>>
        %dma_wait3A_335 = arith.constant 375 : i32
        %dma_wait3A_336 = arith.constant 0 : i32
        %dma_wait3A_337 = tpu.memref_slice %arg3[%dma_wait3A_335, %dma_wait3A_336] : memref<2000x51xf32, #tpu.memory_space<hbm>> -> memref<62x51xf32, #tpu.memory_space<hbm>>
        %dma_wait3A_338 = arith.constant 0 : i32
        %dma_wait3A_339 = arith.constant 0 : i32
        %dma_wait3A_340 = tpu.memref_slice %arg4[%dma_wait3A_338, %dma_wait3A_339] : memref<64x51xf32, #tpu.memory_space<vmem>> -> memref<62x51xf32, #tpu.memory_space<vmem>>
        tpu.wait_dma2 semaphore(%run_scoped3A : memref<!tpu.dma_semaphore, #tpu.memory_space<semaphore_mem>>) src(%dma_wait3A_340 : memref<62x51xf32, #tpu.memory_space<vmem>>) dst(%dma_wait3A_337 : memref<62x51xf32, #tpu.memory_space<hbm>>)
        tpu.yield
      }) : () -> ()
    } else {
    }
    %eq3A_194 = arith.constant 7 : i32
    %eq3A_195 = arith.cmpi eq, %add3A, %eq3A_194 : i32
    %convert_element_type3A_196 = arith.extui %eq3A_195 : i1 to i32
    %cond3A_197 = arith.constant 0 : i32
    %cond3A_198 = arith.cmpi ne, %convert_element_type3A_196, %cond3A_197 : i32
    scf.if %cond3A_198 {
      "tpu.region"() ({
        %run_scoped3A = tpu.sem_alloc : memref<!tpu.dma_semaphore, #tpu.memory_space<semaphore_mem>>
        %dma_start3A = arith.constant 0 : i32
        %dma_start3A_319 = arith.constant 0 : i32
        %dma_start3A_320 = tpu.memref_slice %arg4[%dma_start3A, %dma_start3A_319] : memref<64x51xf32, #tpu.memory_space<vmem>> -> memref<63x51xf32, #tpu.memory_space<vmem>>
        %dma_start3A_321 = arith.constant 437 : i32
        %dma_start3A_322 = arith.constant 0 : i32
        %dma_start3A_323 = tpu.memref_slice %arg3[%dma_start3A_321, %dma_start3A_322] : memref<2000x51xf32, #tpu.memory_space<hbm>> -> memref<63x51xf32, #tpu.memory_space<hbm>>
        %dma_start3A_324 = arith.constant 437 : i32
        %dma_start3A_325 = arith.constant 0 : i32
        %dma_start3A_326 = tpu.memref_slice %arg3[%dma_start3A_324, %dma_start3A_325] : memref<2000x51xf32, #tpu.memory_space<hbm>> -> memref<63x51xf32, #tpu.memory_space<hbm>>
        %dma_start3A_327 = arith.constant 0 : i32
        %dma_start3A_328 = arith.constant 0 : i32
        %dma_start3A_329 = tpu.memref_slice %arg4[%dma_start3A_327, %dma_start3A_328] : memref<64x51xf32, #tpu.memory_space<vmem>> -> memref<63x51xf32, #tpu.memory_space<vmem>>
        tpu.enqueue_dma source(%dma_start3A_329 : memref<63x51xf32, #tpu.memory_space<vmem>>) target(%dma_start3A_326 : memref<63x51xf32, #tpu.memory_space<hbm>>) target_semaphore(%run_scoped3A : memref<!tpu.dma_semaphore, #tpu.memory_space<semaphore_mem>>)
        %dma_wait3A = arith.constant 0 : i32
        %dma_wait3A_330 = arith.constant 0 : i32
        %dma_wait3A_331 = tpu.memref_slice %arg4[%dma_wait3A, %dma_wait3A_330] : memref<64x51xf32, #tpu.memory_space<vmem>> -> memref<63x51xf32, #tpu.memory_space<vmem>>
        %dma_wait3A_332 = arith.constant 437 : i32
        %dma_wait3A_333 = arith.constant 0 : i32
        %dma_wait3A_334 = tpu.memref_slice %arg3[%dma_wait3A_332, %dma_wait3A_333] : memref<2000x51xf32, #tpu.memory_space<hbm>> -> memref<63x51xf32, #tpu.memory_space<hbm>>
        %dma_wait3A_335 = arith.constant 437 : i32
        %dma_wait3A_336 = arith.constant 0 : i32
        %dma_wait3A_337 = tpu.memref_slice %arg3[%dma_wait3A_335, %dma_wait3A_336] : memref<2000x51xf32, #tpu.memory_space<hbm>> -> memref<63x51xf32, #tpu.memory_space<hbm>>
        %dma_wait3A_338 = arith.constant 0 : i32
        %dma_wait3A_339 = arith.constant 0 : i32
        %dma_wait3A_340 = tpu.memref_slice %arg4[%dma_wait3A_338, %dma_wait3A_339] : memref<64x51xf32, #tpu.memory_space<vmem>> -> memref<63x51xf32, #tpu.memory_space<vmem>>
        tpu.wait_dma2 semaphore(%run_scoped3A : memref<!tpu.dma_semaphore, #tpu.memory_space<semaphore_mem>>) src(%dma_wait3A_340 : memref<63x51xf32, #tpu.memory_space<vmem>>) dst(%dma_wait3A_337 : memref<63x51xf32, #tpu.memory_space<hbm>>)
        tpu.yield
      }) : () -> ()
    } else {
    }
    %eq3A_199 = arith.constant 8 : i32
    %eq3A_200 = arith.cmpi eq, %add3A, %eq3A_199 : i32
    %convert_element_type3A_201 = arith.extui %eq3A_200 : i1 to i32
    %cond3A_202 = arith.constant 0 : i32
    %cond3A_203 = arith.cmpi ne, %convert_element_type3A_201, %cond3A_202 : i32
    scf.if %cond3A_203 {
      "tpu.region"() ({
        %run_scoped3A = tpu.sem_alloc : memref<!tpu.dma_semaphore, #tpu.memory_space<semaphore_mem>>
        %dma_start3A = arith.constant 0 : i32
        %dma_start3A_319 = arith.constant 0 : i32
        %dma_start3A_320 = tpu.memref_slice %arg4[%dma_start3A, %dma_start3A_319] : memref<64x51xf32, #tpu.memory_space<vmem>> -> memref<62x51xf32, #tpu.memory_space<vmem>>
        %dma_start3A_321 = arith.constant 500 : i32
        %dma_start3A_322 = arith.constant 0 : i32
        %dma_start3A_323 = tpu.memref_slice %arg3[%dma_start3A_321, %dma_start3A_322] : memref<2000x51xf32, #tpu.memory_space<hbm>> -> memref<62x51xf32, #tpu.memory_space<hbm>>
        %dma_start3A_324 = arith.constant 500 : i32
        %dma_start3A_325 = arith.constant 0 : i32
        %dma_start3A_326 = tpu.memref_slice %arg3[%dma_start3A_324, %dma_start3A_325] : memref<2000x51xf32, #tpu.memory_space<hbm>> -> memref<62x51xf32, #tpu.memory_space<hbm>>
        %dma_start3A_327 = arith.constant 0 : i32
        %dma_start3A_328 = arith.constant 0 : i32
        %dma_start3A_329 = tpu.memref_slice %arg4[%dma_start3A_327, %dma_start3A_328] : memref<64x51xf32, #tpu.memory_space<vmem>> -> memref<62x51xf32, #tpu.memory_space<vmem>>
        tpu.enqueue_dma source(%dma_start3A_329 : memref<62x51xf32, #tpu.memory_space<vmem>>) target(%dma_start3A_326 : memref<62x51xf32, #tpu.memory_space<hbm>>) target_semaphore(%run_scoped3A : memref<!tpu.dma_semaphore, #tpu.memory_space<semaphore_mem>>)
        %dma_wait3A = arith.constant 0 : i32
        %dma_wait3A_330 = arith.constant 0 : i32
        %dma_wait3A_331 = tpu.memref_slice %arg4[%dma_wait3A, %dma_wait3A_330] : memref<64x51xf32, #tpu.memory_space<vmem>> -> memref<62x51xf32, #tpu.memory_space<vmem>>
        %dma_wait3A_332 = arith.constant 500 : i32
        %dma_wait3A_333 = arith.constant 0 : i32
        %dma_wait3A_334 = tpu.memref_slice %arg3[%dma_wait3A_332, %dma_wait3A_333] : memref<2000x51xf32, #tpu.memory_space<hbm>> -> memref<62x51xf32, #tpu.memory_space<hbm>>
        %dma_wait3A_335 = arith.constant 500 : i32
        %dma_wait3A_336 = arith.constant 0 : i32
        %dma_wait3A_337 = tpu.memref_slice %arg3[%dma_wait3A_335, %dma_wait3A_336] : memref<2000x51xf32, #tpu.memory_space<hbm>> -> memref<62x51xf32, #tpu.memory_space<hbm>>
        %dma_wait3A_338 = arith.constant 0 : i32
        %dma_wait3A_339 = arith.constant 0 : i32
        %dma_wait3A_340 = tpu.memref_slice %arg4[%dma_wait3A_338, %dma_wait3A_339] : memref<64x51xf32, #tpu.memory_space<vmem>> -> memref<62x51xf32, #tpu.memory_space<vmem>>
        tpu.wait_dma2 semaphore(%run_scoped3A : memref<!tpu.dma_semaphore, #tpu.memory_space<semaphore_mem>>) src(%dma_wait3A_340 : memref<62x51xf32, #tpu.memory_space<vmem>>) dst(%dma_wait3A_337 : memref<62x51xf32, #tpu.memory_space<hbm>>)
        tpu.yield
      }) : () -> ()
    } else {
    }
    %eq3A_204 = arith.constant 9 : i32
    %eq3A_205 = arith.cmpi eq, %add3A, %eq3A_204 : i32
    %convert_element_type3A_206 = arith.extui %eq3A_205 : i1 to i32
    %cond3A_207 = arith.constant 0 : i32
    %cond3A_208 = arith.cmpi ne, %convert_element_type3A_206, %cond3A_207 : i32
    scf.if %cond3A_208 {
      "tpu.region"() ({
        %run_scoped3A = tpu.sem_alloc : memref<!tpu.dma_semaphore, #tpu.memory_space<semaphore_mem>>
        %dma_start3A = arith.constant 0 : i32
        %dma_start3A_319 = arith.constant 0 : i32
        %dma_start3A_320 = tpu.memref_slice %arg4[%dma_start3A, %dma_start3A_319] : memref<64x51xf32, #tpu.memory_space<vmem>> -> memref<63x51xf32, #tpu.memory_space<vmem>>
        %dma_start3A_321 = arith.constant 562 : i32
        %dma_start3A_322 = arith.constant 0 : i32
        %dma_start3A_323 = tpu.memref_slice %arg3[%dma_start3A_321, %dma_start3A_322] : memref<2000x51xf32, #tpu.memory_space<hbm>> -> memref<63x51xf32, #tpu.memory_space<hbm>>
        %dma_start3A_324 = arith.constant 562 : i32
        %dma_start3A_325 = arith.constant 0 : i32
        %dma_start3A_326 = tpu.memref_slice %arg3[%dma_start3A_324, %dma_start3A_325] : memref<2000x51xf32, #tpu.memory_space<hbm>> -> memref<63x51xf32, #tpu.memory_space<hbm>>
        %dma_start3A_327 = arith.constant 0 : i32
        %dma_start3A_328 = arith.constant 0 : i32
        %dma_start3A_329 = tpu.memref_slice %arg4[%dma_start3A_327, %dma_start3A_328] : memref<64x51xf32, #tpu.memory_space<vmem>> -> memref<63x51xf32, #tpu.memory_space<vmem>>
        tpu.enqueue_dma source(%dma_start3A_329 : memref<63x51xf32, #tpu.memory_space<vmem>>) target(%dma_start3A_326 : memref<63x51xf32, #tpu.memory_space<hbm>>) target_semaphore(%run_scoped3A : memref<!tpu.dma_semaphore, #tpu.memory_space<semaphore_mem>>)
        %dma_wait3A = arith.constant 0 : i32
        %dma_wait3A_330 = arith.constant 0 : i32
        %dma_wait3A_331 = tpu.memref_slice %arg4[%dma_wait3A, %dma_wait3A_330] : memref<64x51xf32, #tpu.memory_space<vmem>> -> memref<63x51xf32, #tpu.memory_space<vmem>>
        %dma_wait3A_332 = arith.constant 562 : i32
        %dma_wait3A_333 = arith.constant 0 : i32
        %dma_wait3A_334 = tpu.memref_slice %arg3[%dma_wait3A_332, %dma_wait3A_333] : memref<2000x51xf32, #tpu.memory_space<hbm>> -> memref<63x51xf32, #tpu.memory_space<hbm>>
        %dma_wait3A_335 = arith.constant 562 : i32
        %dma_wait3A_336 = arith.constant 0 : i32
        %dma_wait3A_337 = tpu.memref_slice %arg3[%dma_wait3A_335, %dma_wait3A_336] : memref<2000x51xf32, #tpu.memory_space<hbm>> -> memref<63x51xf32, #tpu.memory_space<hbm>>
        %dma_wait3A_338 = arith.constant 0 : i32
        %dma_wait3A_339 = arith.constant 0 : i32
        %dma_wait3A_340 = tpu.memref_slice %arg4[%dma_wait3A_338, %dma_wait3A_339] : memref<64x51xf32, #tpu.memory_space<vmem>> -> memref<63x51xf32, #tpu.memory_space<vmem>>
        tpu.wait_dma2 semaphore(%run_scoped3A : memref<!tpu.dma_semaphore, #tpu.memory_space<semaphore_mem>>) src(%dma_wait3A_340 : memref<63x51xf32, #tpu.memory_space<vmem>>) dst(%dma_wait3A_337 : memref<63x51xf32, #tpu.memory_space<hbm>>)
        tpu.yield
      }) : () -> ()
    } else {
    }
    %eq3A_209 = arith.constant 10 : i32
    %eq3A_210 = arith.cmpi eq, %add3A, %eq3A_209 : i32
    %convert_element_type3A_211 = arith.extui %eq3A_210 : i1 to i32
    %cond3A_212 = arith.constant 0 : i32
    %cond3A_213 = arith.cmpi ne, %convert_element_type3A_211, %cond3A_212 : i32
    scf.if %cond3A_213 {
      "tpu.region"() ({
        %run_scoped3A = tpu.sem_alloc : memref<!tpu.dma_semaphore, #tpu.memory_space<semaphore_mem>>
        %dma_start3A = arith.constant 0 : i32
        %dma_start3A_319 = arith.constant 0 : i32
        %dma_start3A_320 = tpu.memref_slice %arg4[%dma_start3A, %dma_start3A_319] : memref<64x51xf32, #tpu.memory_space<vmem>> -> memref<62x51xf32, #tpu.memory_space<vmem>>
        %dma_start3A_321 = arith.constant 625 : i32
        %dma_start3A_322 = arith.constant 0 : i32
        %dma_start3A_323 = tpu.memref_slice %arg3[%dma_start3A_321, %dma_start3A_322] : memref<2000x51xf32, #tpu.memory_space<hbm>> -> memref<62x51xf32, #tpu.memory_space<hbm>>
        %dma_start3A_324 = arith.constant 625 : i32
        %dma_start3A_325 = arith.constant 0 : i32
        %dma_start3A_326 = tpu.memref_slice %arg3[%dma_start3A_324, %dma_start3A_325] : memref<2000x51xf32, #tpu.memory_space<hbm>> -> memref<62x51xf32, #tpu.memory_space<hbm>>
        %dma_start3A_327 = arith.constant 0 : i32
        %dma_start3A_328 = arith.constant 0 : i32
        %dma_start3A_329 = tpu.memref_slice %arg4[%dma_start3A_327, %dma_start3A_328] : memref<64x51xf32, #tpu.memory_space<vmem>> -> memref<62x51xf32, #tpu.memory_space<vmem>>
        tpu.enqueue_dma source(%dma_start3A_329 : memref<62x51xf32, #tpu.memory_space<vmem>>) target(%dma_start3A_326 : memref<62x51xf32, #tpu.memory_space<hbm>>) target_semaphore(%run_scoped3A : memref<!tpu.dma_semaphore, #tpu.memory_space<semaphore_mem>>)
        %dma_wait3A = arith.constant 0 : i32
        %dma_wait3A_330 = arith.constant 0 : i32
        %dma_wait3A_331 = tpu.memref_slice %arg4[%dma_wait3A, %dma_wait3A_330] : memref<64x51xf32, #tpu.memory_space<vmem>> -> memref<62x51xf32, #tpu.memory_space<vmem>>
        %dma_wait3A_332 = arith.constant 625 : i32
        %dma_wait3A_333 = arith.constant 0 : i32
        %dma_wait3A_334 = tpu.memref_slice %arg3[%dma_wait3A_332, %dma_wait3A_333] : memref<2000x51xf32, #tpu.memory_space<hbm>> -> memref<62x51xf32, #tpu.memory_space<hbm>>
        %dma_wait3A_335 = arith.constant 625 : i32
        %dma_wait3A_336 = arith.constant 0 : i32
        %dma_wait3A_337 = tpu.memref_slice %arg3[%dma_wait3A_335, %dma_wait3A_336] : memref<2000x51xf32, #tpu.memory_space<hbm>> -> memref<62x51xf32, #tpu.memory_space<hbm>>
        %dma_wait3A_338 = arith.constant 0 : i32
        %dma_wait3A_339 = arith.constant 0 : i32
        %dma_wait3A_340 = tpu.memref_slice %arg4[%dma_wait3A_338, %dma_wait3A_339] : memref<64x51xf32, #tpu.memory_space<vmem>> -> memref<62x51xf32, #tpu.memory_space<vmem>>
        tpu.wait_dma2 semaphore(%run_scoped3A : memref<!tpu.dma_semaphore, #tpu.memory_space<semaphore_mem>>) src(%dma_wait3A_340 : memref<62x51xf32, #tpu.memory_space<vmem>>) dst(%dma_wait3A_337 : memref<62x51xf32, #tpu.memory_space<hbm>>)
        tpu.yield
      }) : () -> ()
    } else {
    }
    %eq3A_214 = arith.constant 11 : i32
    %eq3A_215 = arith.cmpi eq, %add3A, %eq3A_214 : i32
    %convert_element_type3A_216 = arith.extui %eq3A_215 : i1 to i32
    %cond3A_217 = arith.constant 0 : i32
    %cond3A_218 = arith.cmpi ne, %convert_element_type3A_216, %cond3A_217 : i32
    scf.if %cond3A_218 {
      "tpu.region"() ({
        %run_scoped3A = tpu.sem_alloc : memref<!tpu.dma_semaphore, #tpu.memory_space<semaphore_mem>>
        %dma_start3A = arith.constant 0 : i32
        %dma_start3A_319 = arith.constant 0 : i32
        %dma_start3A_320 = tpu.memref_slice %arg4[%dma_start3A, %dma_start3A_319] : memref<64x51xf32, #tpu.memory_space<vmem>> -> memref<63x51xf32, #tpu.memory_space<vmem>>
        %dma_start3A_321 = arith.constant 687 : i32
        %dma_start3A_322 = arith.constant 0 : i32
        %dma_start3A_323 = tpu.memref_slice %arg3[%dma_start3A_321, %dma_start3A_322] : memref<2000x51xf32, #tpu.memory_space<hbm>> -> memref<63x51xf32, #tpu.memory_space<hbm>>
        %dma_start3A_324 = arith.constant 687 : i32
        %dma_start3A_325 = arith.constant 0 : i32
        %dma_start3A_326 = tpu.memref_slice %arg3[%dma_start3A_324, %dma_start3A_325] : memref<2000x51xf32, #tpu.memory_space<hbm>> -> memref<63x51xf32, #tpu.memory_space<hbm>>
        %dma_start3A_327 = arith.constant 0 : i32
        %dma_start3A_328 = arith.constant 0 : i32
        %dma_start3A_329 = tpu.memref_slice %arg4[%dma_start3A_327, %dma_start3A_328] : memref<64x51xf32, #tpu.memory_space<vmem>> -> memref<63x51xf32, #tpu.memory_space<vmem>>
        tpu.enqueue_dma source(%dma_start3A_329 : memref<63x51xf32, #tpu.memory_space<vmem>>) target(%dma_start3A_326 : memref<63x51xf32, #tpu.memory_space<hbm>>) target_semaphore(%run_scoped3A : memref<!tpu.dma_semaphore, #tpu.memory_space<semaphore_mem>>)
        %dma_wait3A = arith.constant 0 : i32
        %dma_wait3A_330 = arith.constant 0 : i32
        %dma_wait3A_331 = tpu.memref_slice %arg4[%dma_wait3A, %dma_wait3A_330] : memref<64x51xf32, #tpu.memory_space<vmem>> -> memref<63x51xf32, #tpu.memory_space<vmem>>
        %dma_wait3A_332 = arith.constant 687 : i32
        %dma_wait3A_333 = arith.constant 0 : i32
        %dma_wait3A_334 = tpu.memref_slice %arg3[%dma_wait3A_332, %dma_wait3A_333] : memref<2000x51xf32, #tpu.memory_space<hbm>> -> memref<63x51xf32, #tpu.memory_space<hbm>>
        %dma_wait3A_335 = arith.constant 687 : i32
        %dma_wait3A_336 = arith.constant 0 : i32
        %dma_wait3A_337 = tpu.memref_slice %arg3[%dma_wait3A_335, %dma_wait3A_336] : memref<2000x51xf32, #tpu.memory_space<hbm>> -> memref<63x51xf32, #tpu.memory_space<hbm>>
        %dma_wait3A_338 = arith.constant 0 : i32
        %dma_wait3A_339 = arith.constant 0 : i32
        %dma_wait3A_340 = tpu.memref_slice %arg4[%dma_wait3A_338, %dma_wait3A_339] : memref<64x51xf32, #tpu.memory_space<vmem>> -> memref<63x51xf32, #tpu.memory_space<vmem>>
        tpu.wait_dma2 semaphore(%run_scoped3A : memref<!tpu.dma_semaphore, #tpu.memory_space<semaphore_mem>>) src(%dma_wait3A_340 : memref<63x51xf32, #tpu.memory_space<vmem>>) dst(%dma_wait3A_337 : memref<63x51xf32, #tpu.memory_space<hbm>>)
        tpu.yield
      }) : () -> ()
    } else {
    }
    %eq3A_219 = arith.constant 12 : i32
    %eq3A_220 = arith.cmpi eq, %add3A, %eq3A_219 : i32
    %convert_element_type3A_221 = arith.extui %eq3A_220 : i1 to i32
    %cond3A_222 = arith.constant 0 : i32
    %cond3A_223 = arith.cmpi ne, %convert_element_type3A_221, %cond3A_222 : i32
    scf.if %cond3A_223 {
      "tpu.region"() ({
        %run_scoped3A = tpu.sem_alloc : memref<!tpu.dma_semaphore, #tpu.memory_space<semaphore_mem>>
        %dma_start3A = arith.constant 0 : i32
        %dma_start3A_319 = arith.constant 0 : i32
        %dma_start3A_320 = tpu.memref_slice %arg4[%dma_start3A, %dma_start3A_319] : memref<64x51xf32, #tpu.memory_space<vmem>> -> memref<62x51xf32, #tpu.memory_space<vmem>>
        %dma_start3A_321 = arith.constant 750 : i32
        %dma_start3A_322 = arith.constant 0 : i32
        %dma_start3A_323 = tpu.memref_slice %arg3[%dma_start3A_321, %dma_start3A_322] : memref<2000x51xf32, #tpu.memory_space<hbm>> -> memref<62x51xf32, #tpu.memory_space<hbm>>
        %dma_start3A_324 = arith.constant 750 : i32
        %dma_start3A_325 = arith.constant 0 : i32
        %dma_start3A_326 = tpu.memref_slice %arg3[%dma_start3A_324, %dma_start3A_325] : memref<2000x51xf32, #tpu.memory_space<hbm>> -> memref<62x51xf32, #tpu.memory_space<hbm>>
        %dma_start3A_327 = arith.constant 0 : i32
        %dma_start3A_328 = arith.constant 0 : i32
        %dma_start3A_329 = tpu.memref_slice %arg4[%dma_start3A_327, %dma_start3A_328] : memref<64x51xf32, #tpu.memory_space<vmem>> -> memref<62x51xf32, #tpu.memory_space<vmem>>
        tpu.enqueue_dma source(%dma_start3A_329 : memref<62x51xf32, #tpu.memory_space<vmem>>) target(%dma_start3A_326 : memref<62x51xf32, #tpu.memory_space<hbm>>) target_semaphore(%run_scoped3A : memref<!tpu.dma_semaphore, #tpu.memory_space<semaphore_mem>>)
        %dma_wait3A = arith.constant 0 : i32
        %dma_wait3A_330 = arith.constant 0 : i32
        %dma_wait3A_331 = tpu.memref_slice %arg4[%dma_wait3A, %dma_wait3A_330] : memref<64x51xf32, #tpu.memory_space<vmem>> -> memref<62x51xf32, #tpu.memory_space<vmem>>
        %dma_wait3A_332 = arith.constant 750 : i32
        %dma_wait3A_333 = arith.constant 0 : i32
        %dma_wait3A_334 = tpu.memref_slice %arg3[%dma_wait3A_332, %dma_wait3A_333] : memref<2000x51xf32, #tpu.memory_space<hbm>> -> memref<62x51xf32, #tpu.memory_space<hbm>>
        %dma_wait3A_335 = arith.constant 750 : i32
        %dma_wait3A_336 = arith.constant 0 : i32
        %dma_wait3A_337 = tpu.memref_slice %arg3[%dma_wait3A_335, %dma_wait3A_336] : memref<2000x51xf32, #tpu.memory_space<hbm>> -> memref<62x51xf32, #tpu.memory_space<hbm>>
        %dma_wait3A_338 = arith.constant 0 : i32
        %dma_wait3A_339 = arith.constant 0 : i32
        %dma_wait3A_340 = tpu.memref_slice %arg4[%dma_wait3A_338, %dma_wait3A_339] : memref<64x51xf32, #tpu.memory_space<vmem>> -> memref<62x51xf32, #tpu.memory_space<vmem>>
        tpu.wait_dma2 semaphore(%run_scoped3A : memref<!tpu.dma_semaphore, #tpu.memory_space<semaphore_mem>>) src(%dma_wait3A_340 : memref<62x51xf32, #tpu.memory_space<vmem>>) dst(%dma_wait3A_337 : memref<62x51xf32, #tpu.memory_space<hbm>>)
        tpu.yield
      }) : () -> ()
    } else {
    }
    %eq3A_224 = arith.constant 13 : i32
    %eq3A_225 = arith.cmpi eq, %add3A, %eq3A_224 : i32
    %convert_element_type3A_226 = arith.extui %eq3A_225 : i1 to i32
    %cond3A_227 = arith.constant 0 : i32
    %cond3A_228 = arith.cmpi ne, %convert_element_type3A_226, %cond3A_227 : i32
    scf.if %cond3A_228 {
      "tpu.region"() ({
        %run_scoped3A = tpu.sem_alloc : memref<!tpu.dma_semaphore, #tpu.memory_space<semaphore_mem>>
        %dma_start3A = arith.constant 0 : i32
        %dma_start3A_319 = arith.constant 0 : i32
        %dma_start3A_320 = tpu.memref_slice %arg4[%dma_start3A, %dma_start3A_319] : memref<64x51xf32, #tpu.memory_space<vmem>> -> memref<63x51xf32, #tpu.memory_space<vmem>>
        %dma_start3A_321 = arith.constant 812 : i32
        %dma_start3A_322 = arith.constant 0 : i32
        %dma_start3A_323 = tpu.memref_slice %arg3[%dma_start3A_321, %dma_start3A_322] : memref<2000x51xf32, #tpu.memory_space<hbm>> -> memref<63x51xf32, #tpu.memory_space<hbm>>
        %dma_start3A_324 = arith.constant 812 : i32
        %dma_start3A_325 = arith.constant 0 : i32
        %dma_start3A_326 = tpu.memref_slice %arg3[%dma_start3A_324, %dma_start3A_325] : memref<2000x51xf32, #tpu.memory_space<hbm>> -> memref<63x51xf32, #tpu.memory_space<hbm>>
        %dma_start3A_327 = arith.constant 0 : i32
        %dma_start3A_328 = arith.constant 0 : i32
        %dma_start3A_329 = tpu.memref_slice %arg4[%dma_start3A_327, %dma_start3A_328] : memref<64x51xf32, #tpu.memory_space<vmem>> -> memref<63x51xf32, #tpu.memory_space<vmem>>
        tpu.enqueue_dma source(%dma_start3A_329 : memref<63x51xf32, #tpu.memory_space<vmem>>) target(%dma_start3A_326 : memref<63x51xf32, #tpu.memory_space<hbm>>) target_semaphore(%run_scoped3A : memref<!tpu.dma_semaphore, #tpu.memory_space<semaphore_mem>>)
        %dma_wait3A = arith.constant 0 : i32
        %dma_wait3A_330 = arith.constant 0 : i32
        %dma_wait3A_331 = tpu.memref_slice %arg4[%dma_wait3A, %dma_wait3A_330] : memref<64x51xf32, #tpu.memory_space<vmem>> -> memref<63x51xf32, #tpu.memory_space<vmem>>
        %dma_wait3A_332 = arith.constant 812 : i32
        %dma_wait3A_333 = arith.constant 0 : i32
        %dma_wait3A_334 = tpu.memref_slice %arg3[%dma_wait3A_332, %dma_wait3A_333] : memref<2000x51xf32, #tpu.memory_space<hbm>> -> memref<63x51xf32, #tpu.memory_space<hbm>>
        %dma_wait3A_335 = arith.constant 812 : i32
        %dma_wait3A_336 = arith.constant 0 : i32
        %dma_wait3A_337 = tpu.memref_slice %arg3[%dma_wait3A_335, %dma_wait3A_336] : memref<2000x51xf32, #tpu.memory_space<hbm>> -> memref<63x51xf32, #tpu.memory_space<hbm>>
        %dma_wait3A_338 = arith.constant 0 : i32
        %dma_wait3A_339 = arith.constant 0 : i32
        %dma_wait3A_340 = tpu.memref_slice %arg4[%dma_wait3A_338, %dma_wait3A_339] : memref<64x51xf32, #tpu.memory_space<vmem>> -> memref<63x51xf32, #tpu.memory_space<vmem>>
        tpu.wait_dma2 semaphore(%run_scoped3A : memref<!tpu.dma_semaphore, #tpu.memory_space<semaphore_mem>>) src(%dma_wait3A_340 : memref<63x51xf32, #tpu.memory_space<vmem>>) dst(%dma_wait3A_337 : memref<63x51xf32, #tpu.memory_space<hbm>>)
        tpu.yield
      }) : () -> ()
    } else {
    }
    %eq3A_229 = arith.constant 14 : i32
    %eq3A_230 = arith.cmpi eq, %add3A, %eq3A_229 : i32
    %convert_element_type3A_231 = arith.extui %eq3A_230 : i1 to i32
    %cond3A_232 = arith.constant 0 : i32
    %cond3A_233 = arith.cmpi ne, %convert_element_type3A_231, %cond3A_232 : i32
    scf.if %cond3A_233 {
      "tpu.region"() ({
        %run_scoped3A = tpu.sem_alloc : memref<!tpu.dma_semaphore, #tpu.memory_space<semaphore_mem>>
        %dma_start3A = arith.constant 0 : i32
        %dma_start3A_319 = arith.constant 0 : i32
        %dma_start3A_320 = tpu.memref_slice %arg4[%dma_start3A, %dma_start3A_319] : memref<64x51xf32, #tpu.memory_space<vmem>> -> memref<62x51xf32, #tpu.memory_space<vmem>>
        %dma_start3A_321 = arith.constant 875 : i32
        %dma_start3A_322 = arith.constant 0 : i32
        %dma_start3A_323 = tpu.memref_slice %arg3[%dma_start3A_321, %dma_start3A_322] : memref<2000x51xf32, #tpu.memory_space<hbm>> -> memref<62x51xf32, #tpu.memory_space<hbm>>
        %dma_start3A_324 = arith.constant 875 : i32
        %dma_start3A_325 = arith.constant 0 : i32
        %dma_start3A_326 = tpu.memref_slice %arg3[%dma_start3A_324, %dma_start3A_325] : memref<2000x51xf32, #tpu.memory_space<hbm>> -> memref<62x51xf32, #tpu.memory_space<hbm>>
        %dma_start3A_327 = arith.constant 0 : i32
        %dma_start3A_328 = arith.constant 0 : i32
        %dma_start3A_329 = tpu.memref_slice %arg4[%dma_start3A_327, %dma_start3A_328] : memref<64x51xf32, #tpu.memory_space<vmem>> -> memref<62x51xf32, #tpu.memory_space<vmem>>
        tpu.enqueue_dma source(%dma_start3A_329 : memref<62x51xf32, #tpu.memory_space<vmem>>) target(%dma_start3A_326 : memref<62x51xf32, #tpu.memory_space<hbm>>) target_semaphore(%run_scoped3A : memref<!tpu.dma_semaphore, #tpu.memory_space<semaphore_mem>>)
        %dma_wait3A = arith.constant 0 : i32
        %dma_wait3A_330 = arith.constant 0 : i32
        %dma_wait3A_331 = tpu.memref_slice %arg4[%dma_wait3A, %dma_wait3A_330] : memref<64x51xf32, #tpu.memory_space<vmem>> -> memref<62x51xf32, #tpu.memory_space<vmem>>
        %dma_wait3A_332 = arith.constant 875 : i32
        %dma_wait3A_333 = arith.constant 0 : i32
        %dma_wait3A_334 = tpu.memref_slice %arg3[%dma_wait3A_332, %dma_wait3A_333] : memref<2000x51xf32, #tpu.memory_space<hbm>> -> memref<62x51xf32, #tpu.memory_space<hbm>>
        %dma_wait3A_335 = arith.constant 875 : i32
        %dma_wait3A_336 = arith.constant 0 : i32
        %dma_wait3A_337 = tpu.memref_slice %arg3[%dma_wait3A_335, %dma_wait3A_336] : memref<2000x51xf32, #tpu.memory_space<hbm>> -> memref<62x51xf32, #tpu.memory_space<hbm>>
        %dma_wait3A_338 = arith.constant 0 : i32
        %dma_wait3A_339 = arith.constant 0 : i32
        %dma_wait3A_340 = tpu.memref_slice %arg4[%dma_wait3A_338, %dma_wait3A_339] : memref<64x51xf32, #tpu.memory_space<vmem>> -> memref<62x51xf32, #tpu.memory_space<vmem>>
        tpu.wait_dma2 semaphore(%run_scoped3A : memref<!tpu.dma_semaphore, #tpu.memory_space<semaphore_mem>>) src(%dma_wait3A_340 : memref<62x51xf32, #tpu.memory_space<vmem>>) dst(%dma_wait3A_337 : memref<62x51xf32, #tpu.memory_space<hbm>>)
        tpu.yield
      }) : () -> ()
    } else {
    }
    %eq3A_234 = arith.constant 15 : i32
    %eq3A_235 = arith.cmpi eq, %add3A, %eq3A_234 : i32
    %convert_element_type3A_236 = arith.extui %eq3A_235 : i1 to i32
    %cond3A_237 = arith.constant 0 : i32
    %cond3A_238 = arith.cmpi ne, %convert_element_type3A_236, %cond3A_237 : i32
    scf.if %cond3A_238 {
      "tpu.region"() ({
        %run_scoped3A = tpu.sem_alloc : memref<!tpu.dma_semaphore, #tpu.memory_space<semaphore_mem>>
        %dma_start3A = arith.constant 0 : i32
        %dma_start3A_319 = arith.constant 0 : i32
        %dma_start3A_320 = tpu.memref_slice %arg4[%dma_start3A, %dma_start3A_319] : memref<64x51xf32, #tpu.memory_space<vmem>> -> memref<63x51xf32, #tpu.memory_space<vmem>>
        %dma_start3A_321 = arith.constant 937 : i32
        %dma_start3A_322 = arith.constant 0 : i32
        %dma_start3A_323 = tpu.memref_slice %arg3[%dma_start3A_321, %dma_start3A_322] : memref<2000x51xf32, #tpu.memory_space<hbm>> -> memref<63x51xf32, #tpu.memory_space<hbm>>
        %dma_start3A_324 = arith.constant 937 : i32
        %dma_start3A_325 = arith.constant 0 : i32
        %dma_start3A_326 = tpu.memref_slice %arg3[%dma_start3A_324, %dma_start3A_325] : memref<2000x51xf32, #tpu.memory_space<hbm>> -> memref<63x51xf32, #tpu.memory_space<hbm>>
        %dma_start3A_327 = arith.constant 0 : i32
        %dma_start3A_328 = arith.constant 0 : i32
        %dma_start3A_329 = tpu.memref_slice %arg4[%dma_start3A_327, %dma_start3A_328] : memref<64x51xf32, #tpu.memory_space<vmem>> -> memref<63x51xf32, #tpu.memory_space<vmem>>
        tpu.enqueue_dma source(%dma_start3A_329 : memref<63x51xf32, #tpu.memory_space<vmem>>) target(%dma_start3A_326 : memref<63x51xf32, #tpu.memory_space<hbm>>) target_semaphore(%run_scoped3A : memref<!tpu.dma_semaphore, #tpu.memory_space<semaphore_mem>>)
        %dma_wait3A = arith.constant 0 : i32
        %dma_wait3A_330 = arith.constant 0 : i32
        %dma_wait3A_331 = tpu.memref_slice %arg4[%dma_wait3A, %dma_wait3A_330] : memref<64x51xf32, #tpu.memory_space<vmem>> -> memref<63x51xf32, #tpu.memory_space<vmem>>
        %dma_wait3A_332 = arith.constant 937 : i32
        %dma_wait3A_333 = arith.constant 0 : i32
        %dma_wait3A_334 = tpu.memref_slice %arg3[%dma_wait3A_332, %dma_wait3A_333] : memref<2000x51xf32, #tpu.memory_space<hbm>> -> memref<63x51xf32, #tpu.memory_space<hbm>>
        %dma_wait3A_335 = arith.constant 937 : i32
        %dma_wait3A_336 = arith.constant 0 : i32
        %dma_wait3A_337 = tpu.memref_slice %arg3[%dma_wait3A_335, %dma_wait3A_336] : memref<2000x51xf32, #tpu.memory_space<hbm>> -> memref<63x51xf32, #tpu.memory_space<hbm>>
        %dma_wait3A_338 = arith.constant 0 : i32
        %dma_wait3A_339 = arith.constant 0 : i32
        %dma_wait3A_340 = tpu.memref_slice %arg4[%dma_wait3A_338, %dma_wait3A_339] : memref<64x51xf32, #tpu.memory_space<vmem>> -> memref<63x51xf32, #tpu.memory_space<vmem>>
        tpu.wait_dma2 semaphore(%run_scoped3A : memref<!tpu.dma_semaphore, #tpu.memory_space<semaphore_mem>>) src(%dma_wait3A_340 : memref<63x51xf32, #tpu.memory_space<vmem>>) dst(%dma_wait3A_337 : memref<63x51xf32, #tpu.memory_space<hbm>>)
        tpu.yield
      }) : () -> ()
    } else {
    }
    %eq3A_239 = arith.constant 16 : i32
    %eq3A_240 = arith.cmpi eq, %add3A, %eq3A_239 : i32
    %convert_element_type3A_241 = arith.extui %eq3A_240 : i1 to i32
    %cond3A_242 = arith.constant 0 : i32
    %cond3A_243 = arith.cmpi ne, %convert_element_type3A_241, %cond3A_242 : i32
    scf.if %cond3A_243 {
      "tpu.region"() ({
        %run_scoped3A = tpu.sem_alloc : memref<!tpu.dma_semaphore, #tpu.memory_space<semaphore_mem>>
        %dma_start3A = arith.constant 0 : i32
        %dma_start3A_319 = arith.constant 0 : i32
        %dma_start3A_320 = tpu.memref_slice %arg4[%dma_start3A, %dma_start3A_319] : memref<64x51xf32, #tpu.memory_space<vmem>> -> memref<62x51xf32, #tpu.memory_space<vmem>>
        %dma_start3A_321 = arith.constant 1000 : i32
        %dma_start3A_322 = arith.constant 0 : i32
        %dma_start3A_323 = tpu.memref_slice %arg3[%dma_start3A_321, %dma_start3A_322] : memref<2000x51xf32, #tpu.memory_space<hbm>> -> memref<62x51xf32, #tpu.memory_space<hbm>>
        %dma_start3A_324 = arith.constant 1000 : i32
        %dma_start3A_325 = arith.constant 0 : i32
        %dma_start3A_326 = tpu.memref_slice %arg3[%dma_start3A_324, %dma_start3A_325] : memref<2000x51xf32, #tpu.memory_space<hbm>> -> memref<62x51xf32, #tpu.memory_space<hbm>>
        %dma_start3A_327 = arith.constant 0 : i32
        %dma_start3A_328 = arith.constant 0 : i32
        %dma_start3A_329 = tpu.memref_slice %arg4[%dma_start3A_327, %dma_start3A_328] : memref<64x51xf32, #tpu.memory_space<vmem>> -> memref<62x51xf32, #tpu.memory_space<vmem>>
        tpu.enqueue_dma source(%dma_start3A_329 : memref<62x51xf32, #tpu.memory_space<vmem>>) target(%dma_start3A_326 : memref<62x51xf32, #tpu.memory_space<hbm>>) target_semaphore(%run_scoped3A : memref<!tpu.dma_semaphore, #tpu.memory_space<semaphore_mem>>)
        %dma_wait3A = arith.constant 0 : i32
        %dma_wait3A_330 = arith.constant 0 : i32
        %dma_wait3A_331 = tpu.memref_slice %arg4[%dma_wait3A, %dma_wait3A_330] : memref<64x51xf32, #tpu.memory_space<vmem>> -> memref<62x51xf32, #tpu.memory_space<vmem>>
        %dma_wait3A_332 = arith.constant 1000 : i32
        %dma_wait3A_333 = arith.constant 0 : i32
        %dma_wait3A_334 = tpu.memref_slice %arg3[%dma_wait3A_332, %dma_wait3A_333] : memref<2000x51xf32, #tpu.memory_space<hbm>> -> memref<62x51xf32, #tpu.memory_space<hbm>>
        %dma_wait3A_335 = arith.constant 1000 : i32
        %dma_wait3A_336 = arith.constant 0 : i32
        %dma_wait3A_337 = tpu.memref_slice %arg3[%dma_wait3A_335, %dma_wait3A_336] : memref<2000x51xf32, #tpu.memory_space<hbm>> -> memref<62x51xf32, #tpu.memory_space<hbm>>
        %dma_wait3A_338 = arith.constant 0 : i32
        %dma_wait3A_339 = arith.constant 0 : i32
        %dma_wait3A_340 = tpu.memref_slice %arg4[%dma_wait3A_338, %dma_wait3A_339] : memref<64x51xf32, #tpu.memory_space<vmem>> -> memref<62x51xf32, #tpu.memory_space<vmem>>
        tpu.wait_dma2 semaphore(%run_scoped3A : memref<!tpu.dma_semaphore, #tpu.memory_space<semaphore_mem>>) src(%dma_wait3A_340 : memref<62x51xf32, #tpu.memory_space<vmem>>) dst(%dma_wait3A_337 : memref<62x51xf32, #tpu.memory_space<hbm>>)
        tpu.yield
      }) : () -> ()
    } else {
    }
    %eq3A_244 = arith.constant 17 : i32
    %eq3A_245 = arith.cmpi eq, %add3A, %eq3A_244 : i32
    %convert_element_type3A_246 = arith.extui %eq3A_245 : i1 to i32
    %cond3A_247 = arith.constant 0 : i32
    %cond3A_248 = arith.cmpi ne, %convert_element_type3A_246, %cond3A_247 : i32
    scf.if %cond3A_248 {
      "tpu.region"() ({
        %run_scoped3A = tpu.sem_alloc : memref<!tpu.dma_semaphore, #tpu.memory_space<semaphore_mem>>
        %dma_start3A = arith.constant 0 : i32
        %dma_start3A_319 = arith.constant 0 : i32
        %dma_start3A_320 = tpu.memref_slice %arg4[%dma_start3A, %dma_start3A_319] : memref<64x51xf32, #tpu.memory_space<vmem>> -> memref<63x51xf32, #tpu.memory_space<vmem>>
        %dma_start3A_321 = arith.constant 1062 : i32
        %dma_start3A_322 = arith.constant 0 : i32
        %dma_start3A_323 = tpu.memref_slice %arg3[%dma_start3A_321, %dma_start3A_322] : memref<2000x51xf32, #tpu.memory_space<hbm>> -> memref<63x51xf32, #tpu.memory_space<hbm>>
        %dma_start3A_324 = arith.constant 1062 : i32
        %dma_start3A_325 = arith.constant 0 : i32
        %dma_start3A_326 = tpu.memref_slice %arg3[%dma_start3A_324, %dma_start3A_325] : memref<2000x51xf32, #tpu.memory_space<hbm>> -> memref<63x51xf32, #tpu.memory_space<hbm>>
        %dma_start3A_327 = arith.constant 0 : i32
        %dma_start3A_328 = arith.constant 0 : i32
        %dma_start3A_329 = tpu.memref_slice %arg4[%dma_start3A_327, %dma_start3A_328] : memref<64x51xf32, #tpu.memory_space<vmem>> -> memref<63x51xf32, #tpu.memory_space<vmem>>
        tpu.enqueue_dma source(%dma_start3A_329 : memref<63x51xf32, #tpu.memory_space<vmem>>) target(%dma_start3A_326 : memref<63x51xf32, #tpu.memory_space<hbm>>) target_semaphore(%run_scoped3A : memref<!tpu.dma_semaphore, #tpu.memory_space<semaphore_mem>>)
        %dma_wait3A = arith.constant 0 : i32
        %dma_wait3A_330 = arith.constant 0 : i32
        %dma_wait3A_331 = tpu.memref_slice %arg4[%dma_wait3A, %dma_wait3A_330] : memref<64x51xf32, #tpu.memory_space<vmem>> -> memref<63x51xf32, #tpu.memory_space<vmem>>
        %dma_wait3A_332 = arith.constant 1062 : i32
        %dma_wait3A_333 = arith.constant 0 : i32
        %dma_wait3A_334 = tpu.memref_slice %arg3[%dma_wait3A_332, %dma_wait3A_333] : memref<2000x51xf32, #tpu.memory_space<hbm>> -> memref<63x51xf32, #tpu.memory_space<hbm>>
        %dma_wait3A_335 = arith.constant 1062 : i32
        %dma_wait3A_336 = arith.constant 0 : i32
        %dma_wait3A_337 = tpu.memref_slice %arg3[%dma_wait3A_335, %dma_wait3A_336] : memref<2000x51xf32, #tpu.memory_space<hbm>> -> memref<63x51xf32, #tpu.memory_space<hbm>>
        %dma_wait3A_338 = arith.constant 0 : i32
        %dma_wait3A_339 = arith.constant 0 : i32
        %dma_wait3A_340 = tpu.memref_slice %arg4[%dma_wait3A_338, %dma_wait3A_339] : memref<64x51xf32, #tpu.memory_space<vmem>> -> memref<63x51xf32, #tpu.memory_space<vmem>>
        tpu.wait_dma2 semaphore(%run_scoped3A : memref<!tpu.dma_semaphore, #tpu.memory_space<semaphore_mem>>) src(%dma_wait3A_340 : memref<63x51xf32, #tpu.memory_space<vmem>>) dst(%dma_wait3A_337 : memref<63x51xf32, #tpu.memory_space<hbm>>)
        tpu.yield
      }) : () -> ()
    } else {
    }
    %eq3A_249 = arith.constant 18 : i32
    %eq3A_250 = arith.cmpi eq, %add3A, %eq3A_249 : i32
    %convert_element_type3A_251 = arith.extui %eq3A_250 : i1 to i32
    %cond3A_252 = arith.constant 0 : i32
    %cond3A_253 = arith.cmpi ne, %convert_element_type3A_251, %cond3A_252 : i32
    scf.if %cond3A_253 {
      "tpu.region"() ({
        %run_scoped3A = tpu.sem_alloc : memref<!tpu.dma_semaphore, #tpu.memory_space<semaphore_mem>>
        %dma_start3A = arith.constant 0 : i32
        %dma_start3A_319 = arith.constant 0 : i32
        %dma_start3A_320 = tpu.memref_slice %arg4[%dma_start3A, %dma_start3A_319] : memref<64x51xf32, #tpu.memory_space<vmem>> -> memref<62x51xf32, #tpu.memory_space<vmem>>
        %dma_start3A_321 = arith.constant 1125 : i32
        %dma_start3A_322 = arith.constant 0 : i32
        %dma_start3A_323 = tpu.memref_slice %arg3[%dma_start3A_321, %dma_start3A_322] : memref<2000x51xf32, #tpu.memory_space<hbm>> -> memref<62x51xf32, #tpu.memory_space<hbm>>
        %dma_start3A_324 = arith.constant 1125 : i32
        %dma_start3A_325 = arith.constant 0 : i32
        %dma_start3A_326 = tpu.memref_slice %arg3[%dma_start3A_324, %dma_start3A_325] : memref<2000x51xf32, #tpu.memory_space<hbm>> -> memref<62x51xf32, #tpu.memory_space<hbm>>
        %dma_start3A_327 = arith.constant 0 : i32
        %dma_start3A_328 = arith.constant 0 : i32
        %dma_start3A_329 = tpu.memref_slice %arg4[%dma_start3A_327, %dma_start3A_328] : memref<64x51xf32, #tpu.memory_space<vmem>> -> memref<62x51xf32, #tpu.memory_space<vmem>>
        tpu.enqueue_dma source(%dma_start3A_329 : memref<62x51xf32, #tpu.memory_space<vmem>>) target(%dma_start3A_326 : memref<62x51xf32, #tpu.memory_space<hbm>>) target_semaphore(%run_scoped3A : memref<!tpu.dma_semaphore, #tpu.memory_space<semaphore_mem>>)
        %dma_wait3A = arith.constant 0 : i32
        %dma_wait3A_330 = arith.constant 0 : i32
        %dma_wait3A_331 = tpu.memref_slice %arg4[%dma_wait3A, %dma_wait3A_330] : memref<64x51xf32, #tpu.memory_space<vmem>> -> memref<62x51xf32, #tpu.memory_space<vmem>>
        %dma_wait3A_332 = arith.constant 1125 : i32
        %dma_wait3A_333 = arith.constant 0 : i32
        %dma_wait3A_334 = tpu.memref_slice %arg3[%dma_wait3A_332, %dma_wait3A_333] : memref<2000x51xf32, #tpu.memory_space<hbm>> -> memref<62x51xf32, #tpu.memory_space<hbm>>
        %dma_wait3A_335 = arith.constant 1125 : i32
        %dma_wait3A_336 = arith.constant 0 : i32
        %dma_wait3A_337 = tpu.memref_slice %arg3[%dma_wait3A_335, %dma_wait3A_336] : memref<2000x51xf32, #tpu.memory_space<hbm>> -> memref<62x51xf32, #tpu.memory_space<hbm>>
        %dma_wait3A_338 = arith.constant 0 : i32
        %dma_wait3A_339 = arith.constant 0 : i32
        %dma_wait3A_340 = tpu.memref_slice %arg4[%dma_wait3A_338, %dma_wait3A_339] : memref<64x51xf32, #tpu.memory_space<vmem>> -> memref<62x51xf32, #tpu.memory_space<vmem>>
        tpu.wait_dma2 semaphore(%run_scoped3A : memref<!tpu.dma_semaphore, #tpu.memory_space<semaphore_mem>>) src(%dma_wait3A_340 : memref<62x51xf32, #tpu.memory_space<vmem>>) dst(%dma_wait3A_337 : memref<62x51xf32, #tpu.memory_space<hbm>>)
        tpu.yield
      }) : () -> ()
    } else {
    }
    %eq3A_254 = arith.constant 19 : i32
    %eq3A_255 = arith.cmpi eq, %add3A, %eq3A_254 : i32
    %convert_element_type3A_256 = arith.extui %eq3A_255 : i1 to i32
    %cond3A_257 = arith.constant 0 : i32
    %cond3A_258 = arith.cmpi ne, %convert_element_type3A_256, %cond3A_257 : i32
    scf.if %cond3A_258 {
      "tpu.region"() ({
        %run_scoped3A = tpu.sem_alloc : memref<!tpu.dma_semaphore, #tpu.memory_space<semaphore_mem>>
        %dma_start3A = arith.constant 0 : i32
        %dma_start3A_319 = arith.constant 0 : i32
        %dma_start3A_320 = tpu.memref_slice %arg4[%dma_start3A, %dma_start3A_319] : memref<64x51xf32, #tpu.memory_space<vmem>> -> memref<63x51xf32, #tpu.memory_space<vmem>>
        %dma_start3A_321 = arith.constant 1187 : i32
        %dma_start3A_322 = arith.constant 0 : i32
        %dma_start3A_323 = tpu.memref_slice %arg3[%dma_start3A_321, %dma_start3A_322] : memref<2000x51xf32, #tpu.memory_space<hbm>> -> memref<63x51xf32, #tpu.memory_space<hbm>>
        %dma_start3A_324 = arith.constant 1187 : i32
        %dma_start3A_325 = arith.constant 0 : i32
        %dma_start3A_326 = tpu.memref_slice %arg3[%dma_start3A_324, %dma_start3A_325] : memref<2000x51xf32, #tpu.memory_space<hbm>> -> memref<63x51xf32, #tpu.memory_space<hbm>>
        %dma_start3A_327 = arith.constant 0 : i32
        %dma_start3A_328 = arith.constant 0 : i32
        %dma_start3A_329 = tpu.memref_slice %arg4[%dma_start3A_327, %dma_start3A_328] : memref<64x51xf32, #tpu.memory_space<vmem>> -> memref<63x51xf32, #tpu.memory_space<vmem>>
        tpu.enqueue_dma source(%dma_start3A_329 : memref<63x51xf32, #tpu.memory_space<vmem>>) target(%dma_start3A_326 : memref<63x51xf32, #tpu.memory_space<hbm>>) target_semaphore(%run_scoped3A : memref<!tpu.dma_semaphore, #tpu.memory_space<semaphore_mem>>)
        %dma_wait3A = arith.constant 0 : i32
        %dma_wait3A_330 = arith.constant 0 : i32
        %dma_wait3A_331 = tpu.memref_slice %arg4[%dma_wait3A, %dma_wait3A_330] : memref<64x51xf32, #tpu.memory_space<vmem>> -> memref<63x51xf32, #tpu.memory_space<vmem>>
        %dma_wait3A_332 = arith.constant 1187 : i32
        %dma_wait3A_333 = arith.constant 0 : i32
        %dma_wait3A_334 = tpu.memref_slice %arg3[%dma_wait3A_332, %dma_wait3A_333] : memref<2000x51xf32, #tpu.memory_space<hbm>> -> memref<63x51xf32, #tpu.memory_space<hbm>>
        %dma_wait3A_335 = arith.constant 1187 : i32
        %dma_wait3A_336 = arith.constant 0 : i32
        %dma_wait3A_337 = tpu.memref_slice %arg3[%dma_wait3A_335, %dma_wait3A_336] : memref<2000x51xf32, #tpu.memory_space<hbm>> -> memref<63x51xf32, #tpu.memory_space<hbm>>
        %dma_wait3A_338 = arith.constant 0 : i32
        %dma_wait3A_339 = arith.constant 0 : i32
        %dma_wait3A_340 = tpu.memref_slice %arg4[%dma_wait3A_338, %dma_wait3A_339] : memref<64x51xf32, #tpu.memory_space<vmem>> -> memref<63x51xf32, #tpu.memory_space<vmem>>
        tpu.wait_dma2 semaphore(%run_scoped3A : memref<!tpu.dma_semaphore, #tpu.memory_space<semaphore_mem>>) src(%dma_wait3A_340 : memref<63x51xf32, #tpu.memory_space<vmem>>) dst(%dma_wait3A_337 : memref<63x51xf32, #tpu.memory_space<hbm>>)
        tpu.yield
      }) : () -> ()
    } else {
    }
    %eq3A_259 = arith.constant 20 : i32
    %eq3A_260 = arith.cmpi eq, %add3A, %eq3A_259 : i32
    %convert_element_type3A_261 = arith.extui %eq3A_260 : i1 to i32
    %cond3A_262 = arith.constant 0 : i32
    %cond3A_263 = arith.cmpi ne, %convert_element_type3A_261, %cond3A_262 : i32
    scf.if %cond3A_263 {
      "tpu.region"() ({
        %run_scoped3A = tpu.sem_alloc : memref<!tpu.dma_semaphore, #tpu.memory_space<semaphore_mem>>
        %dma_start3A = arith.constant 0 : i32
        %dma_start3A_319 = arith.constant 0 : i32
        %dma_start3A_320 = tpu.memref_slice %arg4[%dma_start3A, %dma_start3A_319] : memref<64x51xf32, #tpu.memory_space<vmem>> -> memref<62x51xf32, #tpu.memory_space<vmem>>
        %dma_start3A_321 = arith.constant 1250 : i32
        %dma_start3A_322 = arith.constant 0 : i32
        %dma_start3A_323 = tpu.memref_slice %arg3[%dma_start3A_321, %dma_start3A_322] : memref<2000x51xf32, #tpu.memory_space<hbm>> -> memref<62x51xf32, #tpu.memory_space<hbm>>
        %dma_start3A_324 = arith.constant 1250 : i32
        %dma_start3A_325 = arith.constant 0 : i32
        %dma_start3A_326 = tpu.memref_slice %arg3[%dma_start3A_324, %dma_start3A_325] : memref<2000x51xf32, #tpu.memory_space<hbm>> -> memref<62x51xf32, #tpu.memory_space<hbm>>
        %dma_start3A_327 = arith.constant 0 : i32
        %dma_start3A_328 = arith.constant 0 : i32
        %dma_start3A_329 = tpu.memref_slice %arg4[%dma_start3A_327, %dma_start3A_328] : memref<64x51xf32, #tpu.memory_space<vmem>> -> memref<62x51xf32, #tpu.memory_space<vmem>>
        tpu.enqueue_dma source(%dma_start3A_329 : memref<62x51xf32, #tpu.memory_space<vmem>>) target(%dma_start3A_326 : memref<62x51xf32, #tpu.memory_space<hbm>>) target_semaphore(%run_scoped3A : memref<!tpu.dma_semaphore, #tpu.memory_space<semaphore_mem>>)
        %dma_wait3A = arith.constant 0 : i32
        %dma_wait3A_330 = arith.constant 0 : i32
        %dma_wait3A_331 = tpu.memref_slice %arg4[%dma_wait3A, %dma_wait3A_330] : memref<64x51xf32, #tpu.memory_space<vmem>> -> memref<62x51xf32, #tpu.memory_space<vmem>>
        %dma_wait3A_332 = arith.constant 1250 : i32
        %dma_wait3A_333 = arith.constant 0 : i32
        %dma_wait3A_334 = tpu.memref_slice %arg3[%dma_wait3A_332, %dma_wait3A_333] : memref<2000x51xf32, #tpu.memory_space<hbm>> -> memref<62x51xf32, #tpu.memory_space<hbm>>
        %dma_wait3A_335 = arith.constant 1250 : i32
        %dma_wait3A_336 = arith.constant 0 : i32
        %dma_wait3A_337 = tpu.memref_slice %arg3[%dma_wait3A_335, %dma_wait3A_336] : memref<2000x51xf32, #tpu.memory_space<hbm>> -> memref<62x51xf32, #tpu.memory_space<hbm>>
        %dma_wait3A_338 = arith.constant 0 : i32
        %dma_wait3A_339 = arith.constant 0 : i32
        %dma_wait3A_340 = tpu.memref_slice %arg4[%dma_wait3A_338, %dma_wait3A_339] : memref<64x51xf32, #tpu.memory_space<vmem>> -> memref<62x51xf32, #tpu.memory_space<vmem>>
        tpu.wait_dma2 semaphore(%run_scoped3A : memref<!tpu.dma_semaphore, #tpu.memory_space<semaphore_mem>>) src(%dma_wait3A_340 : memref<62x51xf32, #tpu.memory_space<vmem>>) dst(%dma_wait3A_337 : memref<62x51xf32, #tpu.memory_space<hbm>>)
        tpu.yield
      }) : () -> ()
    } else {
    }
    %eq3A_264 = arith.constant 21 : i32
    %eq3A_265 = arith.cmpi eq, %add3A, %eq3A_264 : i32
    %convert_element_type3A_266 = arith.extui %eq3A_265 : i1 to i32
    %cond3A_267 = arith.constant 0 : i32
    %cond3A_268 = arith.cmpi ne, %convert_element_type3A_266, %cond3A_267 : i32
    scf.if %cond3A_268 {
      "tpu.region"() ({
        %run_scoped3A = tpu.sem_alloc : memref<!tpu.dma_semaphore, #tpu.memory_space<semaphore_mem>>
        %dma_start3A = arith.constant 0 : i32
        %dma_start3A_319 = arith.constant 0 : i32
        %dma_start3A_320 = tpu.memref_slice %arg4[%dma_start3A, %dma_start3A_319] : memref<64x51xf32, #tpu.memory_space<vmem>> -> memref<63x51xf32, #tpu.memory_space<vmem>>
        %dma_start3A_321 = arith.constant 1312 : i32
        %dma_start3A_322 = arith.constant 0 : i32
        %dma_start3A_323 = tpu.memref_slice %arg3[%dma_start3A_321, %dma_start3A_322] : memref<2000x51xf32, #tpu.memory_space<hbm>> -> memref<63x51xf32, #tpu.memory_space<hbm>>
        %dma_start3A_324 = arith.constant 1312 : i32
        %dma_start3A_325 = arith.constant 0 : i32
        %dma_start3A_326 = tpu.memref_slice %arg3[%dma_start3A_324, %dma_start3A_325] : memref<2000x51xf32, #tpu.memory_space<hbm>> -> memref<63x51xf32, #tpu.memory_space<hbm>>
        %dma_start3A_327 = arith.constant 0 : i32
        %dma_start3A_328 = arith.constant 0 : i32
        %dma_start3A_329 = tpu.memref_slice %arg4[%dma_start3A_327, %dma_start3A_328] : memref<64x51xf32, #tpu.memory_space<vmem>> -> memref<63x51xf32, #tpu.memory_space<vmem>>
        tpu.enqueue_dma source(%dma_start3A_329 : memref<63x51xf32, #tpu.memory_space<vmem>>) target(%dma_start3A_326 : memref<63x51xf32, #tpu.memory_space<hbm>>) target_semaphore(%run_scoped3A : memref<!tpu.dma_semaphore, #tpu.memory_space<semaphore_mem>>)
        %dma_wait3A = arith.constant 0 : i32
        %dma_wait3A_330 = arith.constant 0 : i32
        %dma_wait3A_331 = tpu.memref_slice %arg4[%dma_wait3A, %dma_wait3A_330] : memref<64x51xf32, #tpu.memory_space<vmem>> -> memref<63x51xf32, #tpu.memory_space<vmem>>
        %dma_wait3A_332 = arith.constant 1312 : i32
        %dma_wait3A_333 = arith.constant 0 : i32
        %dma_wait3A_334 = tpu.memref_slice %arg3[%dma_wait3A_332, %dma_wait3A_333] : memref<2000x51xf32, #tpu.memory_space<hbm>> -> memref<63x51xf32, #tpu.memory_space<hbm>>
        %dma_wait3A_335 = arith.constant 1312 : i32
        %dma_wait3A_336 = arith.constant 0 : i32
        %dma_wait3A_337 = tpu.memref_slice %arg3[%dma_wait3A_335, %dma_wait3A_336] : memref<2000x51xf32, #tpu.memory_space<hbm>> -> memref<63x51xf32, #tpu.memory_space<hbm>>
        %dma_wait3A_338 = arith.constant 0 : i32
        %dma_wait3A_339 = arith.constant 0 : i32
        %dma_wait3A_340 = tpu.memref_slice %arg4[%dma_wait3A_338, %dma_wait3A_339] : memref<64x51xf32, #tpu.memory_space<vmem>> -> memref<63x51xf32, #tpu.memory_space<vmem>>
        tpu.wait_dma2 semaphore(%run_scoped3A : memref<!tpu.dma_semaphore, #tpu.memory_space<semaphore_mem>>) src(%dma_wait3A_340 : memref<63x51xf32, #tpu.memory_space<vmem>>) dst(%dma_wait3A_337 : memref<63x51xf32, #tpu.memory_space<hbm>>)
        tpu.yield
      }) : () -> ()
    } else {
    }
    %eq3A_269 = arith.constant 22 : i32
    %eq3A_270 = arith.cmpi eq, %add3A, %eq3A_269 : i32
    %convert_element_type3A_271 = arith.extui %eq3A_270 : i1 to i32
    %cond3A_272 = arith.constant 0 : i32
    %cond3A_273 = arith.cmpi ne, %convert_element_type3A_271, %cond3A_272 : i32
    scf.if %cond3A_273 {
      "tpu.region"() ({
        %run_scoped3A = tpu.sem_alloc : memref<!tpu.dma_semaphore, #tpu.memory_space<semaphore_mem>>
        %dma_start3A = arith.constant 0 : i32
        %dma_start3A_319 = arith.constant 0 : i32
        %dma_start3A_320 = tpu.memref_slice %arg4[%dma_start3A, %dma_start3A_319] : memref<64x51xf32, #tpu.memory_space<vmem>> -> memref<62x51xf32, #tpu.memory_space<vmem>>
        %dma_start3A_321 = arith.constant 1375 : i32
        %dma_start3A_322 = arith.constant 0 : i32
        %dma_start3A_323 = tpu.memref_slice %arg3[%dma_start3A_321, %dma_start3A_322] : memref<2000x51xf32, #tpu.memory_space<hbm>> -> memref<62x51xf32, #tpu.memory_space<hbm>>
        %dma_start3A_324 = arith.constant 1375 : i32
        %dma_start3A_325 = arith.constant 0 : i32
        %dma_start3A_326 = tpu.memref_slice %arg3[%dma_start3A_324, %dma_start3A_325] : memref<2000x51xf32, #tpu.memory_space<hbm>> -> memref<62x51xf32, #tpu.memory_space<hbm>>
        %dma_start3A_327 = arith.constant 0 : i32
        %dma_start3A_328 = arith.constant 0 : i32
        %dma_start3A_329 = tpu.memref_slice %arg4[%dma_start3A_327, %dma_start3A_328] : memref<64x51xf32, #tpu.memory_space<vmem>> -> memref<62x51xf32, #tpu.memory_space<vmem>>
        tpu.enqueue_dma source(%dma_start3A_329 : memref<62x51xf32, #tpu.memory_space<vmem>>) target(%dma_start3A_326 : memref<62x51xf32, #tpu.memory_space<hbm>>) target_semaphore(%run_scoped3A : memref<!tpu.dma_semaphore, #tpu.memory_space<semaphore_mem>>)
        %dma_wait3A = arith.constant 0 : i32
        %dma_wait3A_330 = arith.constant 0 : i32
        %dma_wait3A_331 = tpu.memref_slice %arg4[%dma_wait3A, %dma_wait3A_330] : memref<64x51xf32, #tpu.memory_space<vmem>> -> memref<62x51xf32, #tpu.memory_space<vmem>>
        %dma_wait3A_332 = arith.constant 1375 : i32
        %dma_wait3A_333 = arith.constant 0 : i32
        %dma_wait3A_334 = tpu.memref_slice %arg3[%dma_wait3A_332, %dma_wait3A_333] : memref<2000x51xf32, #tpu.memory_space<hbm>> -> memref<62x51xf32, #tpu.memory_space<hbm>>
        %dma_wait3A_335 = arith.constant 1375 : i32
        %dma_wait3A_336 = arith.constant 0 : i32
        %dma_wait3A_337 = tpu.memref_slice %arg3[%dma_wait3A_335, %dma_wait3A_336] : memref<2000x51xf32, #tpu.memory_space<hbm>> -> memref<62x51xf32, #tpu.memory_space<hbm>>
        %dma_wait3A_338 = arith.constant 0 : i32
        %dma_wait3A_339 = arith.constant 0 : i32
        %dma_wait3A_340 = tpu.memref_slice %arg4[%dma_wait3A_338, %dma_wait3A_339] : memref<64x51xf32, #tpu.memory_space<vmem>> -> memref<62x51xf32, #tpu.memory_space<vmem>>
        tpu.wait_dma2 semaphore(%run_scoped3A : memref<!tpu.dma_semaphore, #tpu.memory_space<semaphore_mem>>) src(%dma_wait3A_340 : memref<62x51xf32, #tpu.memory_space<vmem>>) dst(%dma_wait3A_337 : memref<62x51xf32, #tpu.memory_space<hbm>>)
        tpu.yield
      }) : () -> ()
    } else {
    }
    %eq3A_274 = arith.constant 23 : i32
    %eq3A_275 = arith.cmpi eq, %add3A, %eq3A_274 : i32
    %convert_element_type3A_276 = arith.extui %eq3A_275 : i1 to i32
    %cond3A_277 = arith.constant 0 : i32
    %cond3A_278 = arith.cmpi ne, %convert_element_type3A_276, %cond3A_277 : i32
    scf.if %cond3A_278 {
      "tpu.region"() ({
        %run_scoped3A = tpu.sem_alloc : memref<!tpu.dma_semaphore, #tpu.memory_space<semaphore_mem>>
        %dma_start3A = arith.constant 0 : i32
        %dma_start3A_319 = arith.constant 0 : i32
        %dma_start3A_320 = tpu.memref_slice %arg4[%dma_start3A, %dma_start3A_319] : memref<64x51xf32, #tpu.memory_space<vmem>> -> memref<63x51xf32, #tpu.memory_space<vmem>>
        %dma_start3A_321 = arith.constant 1437 : i32
        %dma_start3A_322 = arith.constant 0 : i32
        %dma_start3A_323 = tpu.memref_slice %arg3[%dma_start3A_321, %dma_start3A_322] : memref<2000x51xf32, #tpu.memory_space<hbm>> -> memref<63x51xf32, #tpu.memory_space<hbm>>
        %dma_start3A_324 = arith.constant 1437 : i32
        %dma_start3A_325 = arith.constant 0 : i32
        %dma_start3A_326 = tpu.memref_slice %arg3[%dma_start3A_324, %dma_start3A_325] : memref<2000x51xf32, #tpu.memory_space<hbm>> -> memref<63x51xf32, #tpu.memory_space<hbm>>
        %dma_start3A_327 = arith.constant 0 : i32
        %dma_start3A_328 = arith.constant 0 : i32
        %dma_start3A_329 = tpu.memref_slice %arg4[%dma_start3A_327, %dma_start3A_328] : memref<64x51xf32, #tpu.memory_space<vmem>> -> memref<63x51xf32, #tpu.memory_space<vmem>>
        tpu.enqueue_dma source(%dma_start3A_329 : memref<63x51xf32, #tpu.memory_space<vmem>>) target(%dma_start3A_326 : memref<63x51xf32, #tpu.memory_space<hbm>>) target_semaphore(%run_scoped3A : memref<!tpu.dma_semaphore, #tpu.memory_space<semaphore_mem>>)
        %dma_wait3A = arith.constant 0 : i32
        %dma_wait3A_330 = arith.constant 0 : i32
        %dma_wait3A_331 = tpu.memref_slice %arg4[%dma_wait3A, %dma_wait3A_330] : memref<64x51xf32, #tpu.memory_space<vmem>> -> memref<63x51xf32, #tpu.memory_space<vmem>>
        %dma_wait3A_332 = arith.constant 1437 : i32
        %dma_wait3A_333 = arith.constant 0 : i32
        %dma_wait3A_334 = tpu.memref_slice %arg3[%dma_wait3A_332, %dma_wait3A_333] : memref<2000x51xf32, #tpu.memory_space<hbm>> -> memref<63x51xf32, #tpu.memory_space<hbm>>
        %dma_wait3A_335 = arith.constant 1437 : i32
        %dma_wait3A_336 = arith.constant 0 : i32
        %dma_wait3A_337 = tpu.memref_slice %arg3[%dma_wait3A_335, %dma_wait3A_336] : memref<2000x51xf32, #tpu.memory_space<hbm>> -> memref<63x51xf32, #tpu.memory_space<hbm>>
        %dma_wait3A_338 = arith.constant 0 : i32
        %dma_wait3A_339 = arith.constant 0 : i32
        %dma_wait3A_340 = tpu.memref_slice %arg4[%dma_wait3A_338, %dma_wait3A_339] : memref<64x51xf32, #tpu.memory_space<vmem>> -> memref<63x51xf32, #tpu.memory_space<vmem>>
        tpu.wait_dma2 semaphore(%run_scoped3A : memref<!tpu.dma_semaphore, #tpu.memory_space<semaphore_mem>>) src(%dma_wait3A_340 : memref<63x51xf32, #tpu.memory_space<vmem>>) dst(%dma_wait3A_337 : memref<63x51xf32, #tpu.memory_space<hbm>>)
        tpu.yield
      }) : () -> ()
    } else {
    }
    %eq3A_279 = arith.constant 24 : i32
    %eq3A_280 = arith.cmpi eq, %add3A, %eq3A_279 : i32
    %convert_element_type3A_281 = arith.extui %eq3A_280 : i1 to i32
    %cond3A_282 = arith.constant 0 : i32
    %cond3A_283 = arith.cmpi ne, %convert_element_type3A_281, %cond3A_282 : i32
    scf.if %cond3A_283 {
      "tpu.region"() ({
        %run_scoped3A = tpu.sem_alloc : memref<!tpu.dma_semaphore, #tpu.memory_space<semaphore_mem>>
        %dma_start3A = arith.constant 0 : i32
        %dma_start3A_319 = arith.constant 0 : i32
        %dma_start3A_320 = tpu.memref_slice %arg4[%dma_start3A, %dma_start3A_319] : memref<64x51xf32, #tpu.memory_space<vmem>> -> memref<62x51xf32, #tpu.memory_space<vmem>>
        %dma_start3A_321 = arith.constant 1500 : i32
        %dma_start3A_322 = arith.constant 0 : i32
        %dma_start3A_323 = tpu.memref_slice %arg3[%dma_start3A_321, %dma_start3A_322] : memref<2000x51xf32, #tpu.memory_space<hbm>> -> memref<62x51xf32, #tpu.memory_space<hbm>>
        %dma_start3A_324 = arith.constant 1500 : i32
        %dma_start3A_325 = arith.constant 0 : i32
        %dma_start3A_326 = tpu.memref_slice %arg3[%dma_start3A_324, %dma_start3A_325] : memref<2000x51xf32, #tpu.memory_space<hbm>> -> memref<62x51xf32, #tpu.memory_space<hbm>>
        %dma_start3A_327 = arith.constant 0 : i32
        %dma_start3A_328 = arith.constant 0 : i32
        %dma_start3A_329 = tpu.memref_slice %arg4[%dma_start3A_327, %dma_start3A_328] : memref<64x51xf32, #tpu.memory_space<vmem>> -> memref<62x51xf32, #tpu.memory_space<vmem>>
        tpu.enqueue_dma source(%dma_start3A_329 : memref<62x51xf32, #tpu.memory_space<vmem>>) target(%dma_start3A_326 : memref<62x51xf32, #tpu.memory_space<hbm>>) target_semaphore(%run_scoped3A : memref<!tpu.dma_semaphore, #tpu.memory_space<semaphore_mem>>)
        %dma_wait3A = arith.constant 0 : i32
        %dma_wait3A_330 = arith.constant 0 : i32
        %dma_wait3A_331 = tpu.memref_slice %arg4[%dma_wait3A, %dma_wait3A_330] : memref<64x51xf32, #tpu.memory_space<vmem>> -> memref<62x51xf32, #tpu.memory_space<vmem>>
        %dma_wait3A_332 = arith.constant 1500 : i32
        %dma_wait3A_333 = arith.constant 0 : i32
        %dma_wait3A_334 = tpu.memref_slice %arg3[%dma_wait3A_332, %dma_wait3A_333] : memref<2000x51xf32, #tpu.memory_space<hbm>> -> memref<62x51xf32, #tpu.memory_space<hbm>>
        %dma_wait3A_335 = arith.constant 1500 : i32
        %dma_wait3A_336 = arith.constant 0 : i32
        %dma_wait3A_337 = tpu.memref_slice %arg3[%dma_wait3A_335, %dma_wait3A_336] : memref<2000x51xf32, #tpu.memory_space<hbm>> -> memref<62x51xf32, #tpu.memory_space<hbm>>
        %dma_wait3A_338 = arith.constant 0 : i32
        %dma_wait3A_339 = arith.constant 0 : i32
        %dma_wait3A_340 = tpu.memref_slice %arg4[%dma_wait3A_338, %dma_wait3A_339] : memref<64x51xf32, #tpu.memory_space<vmem>> -> memref<62x51xf32, #tpu.memory_space<vmem>>
        tpu.wait_dma2 semaphore(%run_scoped3A : memref<!tpu.dma_semaphore, #tpu.memory_space<semaphore_mem>>) src(%dma_wait3A_340 : memref<62x51xf32, #tpu.memory_space<vmem>>) dst(%dma_wait3A_337 : memref<62x51xf32, #tpu.memory_space<hbm>>)
        tpu.yield
      }) : () -> ()
    } else {
    }
    %eq3A_284 = arith.constant 25 : i32
    %eq3A_285 = arith.cmpi eq, %add3A, %eq3A_284 : i32
    %convert_element_type3A_286 = arith.extui %eq3A_285 : i1 to i32
    %cond3A_287 = arith.constant 0 : i32
    %cond3A_288 = arith.cmpi ne, %convert_element_type3A_286, %cond3A_287 : i32
    scf.if %cond3A_288 {
      "tpu.region"() ({
        %run_scoped3A = tpu.sem_alloc : memref<!tpu.dma_semaphore, #tpu.memory_space<semaphore_mem>>
        %dma_start3A = arith.constant 0 : i32
        %dma_start3A_319 = arith.constant 0 : i32
        %dma_start3A_320 = tpu.memref_slice %arg4[%dma_start3A, %dma_start3A_319] : memref<64x51xf32, #tpu.memory_space<vmem>> -> memref<63x51xf32, #tpu.memory_space<vmem>>
        %dma_start3A_321 = arith.constant 1562 : i32
        %dma_start3A_322 = arith.constant 0 : i32
        %dma_start3A_323 = tpu.memref_slice %arg3[%dma_start3A_321, %dma_start3A_322] : memref<2000x51xf32, #tpu.memory_space<hbm>> -> memref<63x51xf32, #tpu.memory_space<hbm>>
        %dma_start3A_324 = arith.constant 1562 : i32
        %dma_start3A_325 = arith.constant 0 : i32
        %dma_start3A_326 = tpu.memref_slice %arg3[%dma_start3A_324, %dma_start3A_325] : memref<2000x51xf32, #tpu.memory_space<hbm>> -> memref<63x51xf32, #tpu.memory_space<hbm>>
        %dma_start3A_327 = arith.constant 0 : i32
        %dma_start3A_328 = arith.constant 0 : i32
        %dma_start3A_329 = tpu.memref_slice %arg4[%dma_start3A_327, %dma_start3A_328] : memref<64x51xf32, #tpu.memory_space<vmem>> -> memref<63x51xf32, #tpu.memory_space<vmem>>
        tpu.enqueue_dma source(%dma_start3A_329 : memref<63x51xf32, #tpu.memory_space<vmem>>) target(%dma_start3A_326 : memref<63x51xf32, #tpu.memory_space<hbm>>) target_semaphore(%run_scoped3A : memref<!tpu.dma_semaphore, #tpu.memory_space<semaphore_mem>>)
        %dma_wait3A = arith.constant 0 : i32
        %dma_wait3A_330 = arith.constant 0 : i32
        %dma_wait3A_331 = tpu.memref_slice %arg4[%dma_wait3A, %dma_wait3A_330] : memref<64x51xf32, #tpu.memory_space<vmem>> -> memref<63x51xf32, #tpu.memory_space<vmem>>
        %dma_wait3A_332 = arith.constant 1562 : i32
        %dma_wait3A_333 = arith.constant 0 : i32
        %dma_wait3A_334 = tpu.memref_slice %arg3[%dma_wait3A_332, %dma_wait3A_333] : memref<2000x51xf32, #tpu.memory_space<hbm>> -> memref<63x51xf32, #tpu.memory_space<hbm>>
        %dma_wait3A_335 = arith.constant 1562 : i32
        %dma_wait3A_336 = arith.constant 0 : i32
        %dma_wait3A_337 = tpu.memref_slice %arg3[%dma_wait3A_335, %dma_wait3A_336] : memref<2000x51xf32, #tpu.memory_space<hbm>> -> memref<63x51xf32, #tpu.memory_space<hbm>>
        %dma_wait3A_338 = arith.constant 0 : i32
        %dma_wait3A_339 = arith.constant 0 : i32
        %dma_wait3A_340 = tpu.memref_slice %arg4[%dma_wait3A_338, %dma_wait3A_339] : memref<64x51xf32, #tpu.memory_space<vmem>> -> memref<63x51xf32, #tpu.memory_space<vmem>>
        tpu.wait_dma2 semaphore(%run_scoped3A : memref<!tpu.dma_semaphore, #tpu.memory_space<semaphore_mem>>) src(%dma_wait3A_340 : memref<63x51xf32, #tpu.memory_space<vmem>>) dst(%dma_wait3A_337 : memref<63x51xf32, #tpu.memory_space<hbm>>)
        tpu.yield
      }) : () -> ()
    } else {
    }
    %eq3A_289 = arith.constant 26 : i32
    %eq3A_290 = arith.cmpi eq, %add3A, %eq3A_289 : i32
    %convert_element_type3A_291 = arith.extui %eq3A_290 : i1 to i32
    %cond3A_292 = arith.constant 0 : i32
    %cond3A_293 = arith.cmpi ne, %convert_element_type3A_291, %cond3A_292 : i32
    scf.if %cond3A_293 {
      "tpu.region"() ({
        %run_scoped3A = tpu.sem_alloc : memref<!tpu.dma_semaphore, #tpu.memory_space<semaphore_mem>>
        %dma_start3A = arith.constant 0 : i32
        %dma_start3A_319 = arith.constant 0 : i32
        %dma_start3A_320 = tpu.memref_slice %arg4[%dma_start3A, %dma_start3A_319] : memref<64x51xf32, #tpu.memory_space<vmem>> -> memref<62x51xf32, #tpu.memory_space<vmem>>
        %dma_start3A_321 = arith.constant 1625 : i32
        %dma_start3A_322 = arith.constant 0 : i32
        %dma_start3A_323 = tpu.memref_slice %arg3[%dma_start3A_321, %dma_start3A_322] : memref<2000x51xf32, #tpu.memory_space<hbm>> -> memref<62x51xf32, #tpu.memory_space<hbm>>
        %dma_start3A_324 = arith.constant 1625 : i32
        %dma_start3A_325 = arith.constant 0 : i32
        %dma_start3A_326 = tpu.memref_slice %arg3[%dma_start3A_324, %dma_start3A_325] : memref<2000x51xf32, #tpu.memory_space<hbm>> -> memref<62x51xf32, #tpu.memory_space<hbm>>
        %dma_start3A_327 = arith.constant 0 : i32
        %dma_start3A_328 = arith.constant 0 : i32
        %dma_start3A_329 = tpu.memref_slice %arg4[%dma_start3A_327, %dma_start3A_328] : memref<64x51xf32, #tpu.memory_space<vmem>> -> memref<62x51xf32, #tpu.memory_space<vmem>>
        tpu.enqueue_dma source(%dma_start3A_329 : memref<62x51xf32, #tpu.memory_space<vmem>>) target(%dma_start3A_326 : memref<62x51xf32, #tpu.memory_space<hbm>>) target_semaphore(%run_scoped3A : memref<!tpu.dma_semaphore, #tpu.memory_space<semaphore_mem>>)
        %dma_wait3A = arith.constant 0 : i32
        %dma_wait3A_330 = arith.constant 0 : i32
        %dma_wait3A_331 = tpu.memref_slice %arg4[%dma_wait3A, %dma_wait3A_330] : memref<64x51xf32, #tpu.memory_space<vmem>> -> memref<62x51xf32, #tpu.memory_space<vmem>>
        %dma_wait3A_332 = arith.constant 1625 : i32
        %dma_wait3A_333 = arith.constant 0 : i32
        %dma_wait3A_334 = tpu.memref_slice %arg3[%dma_wait3A_332, %dma_wait3A_333] : memref<2000x51xf32, #tpu.memory_space<hbm>> -> memref<62x51xf32, #tpu.memory_space<hbm>>
        %dma_wait3A_335 = arith.constant 1625 : i32
        %dma_wait3A_336 = arith.constant 0 : i32
        %dma_wait3A_337 = tpu.memref_slice %arg3[%dma_wait3A_335, %dma_wait3A_336] : memref<2000x51xf32, #tpu.memory_space<hbm>> -> memref<62x51xf32, #tpu.memory_space<hbm>>
        %dma_wait3A_338 = arith.constant 0 : i32
        %dma_wait3A_339 = arith.constant 0 : i32
        %dma_wait3A_340 = tpu.memref_slice %arg4[%dma_wait3A_338, %dma_wait3A_339] : memref<64x51xf32, #tpu.memory_space<vmem>> -> memref<62x51xf32, #tpu.memory_space<vmem>>
        tpu.wait_dma2 semaphore(%run_scoped3A : memref<!tpu.dma_semaphore, #tpu.memory_space<semaphore_mem>>) src(%dma_wait3A_340 : memref<62x51xf32, #tpu.memory_space<vmem>>) dst(%dma_wait3A_337 : memref<62x51xf32, #tpu.memory_space<hbm>>)
        tpu.yield
      }) : () -> ()
    } else {
    }
    %eq3A_294 = arith.constant 27 : i32
    %eq3A_295 = arith.cmpi eq, %add3A, %eq3A_294 : i32
    %convert_element_type3A_296 = arith.extui %eq3A_295 : i1 to i32
    %cond3A_297 = arith.constant 0 : i32
    %cond3A_298 = arith.cmpi ne, %convert_element_type3A_296, %cond3A_297 : i32
    scf.if %cond3A_298 {
      "tpu.region"() ({
        %run_scoped3A = tpu.sem_alloc : memref<!tpu.dma_semaphore, #tpu.memory_space<semaphore_mem>>
        %dma_start3A = arith.constant 0 : i32
        %dma_start3A_319 = arith.constant 0 : i32
        %dma_start3A_320 = tpu.memref_slice %arg4[%dma_start3A, %dma_start3A_319] : memref<64x51xf32, #tpu.memory_space<vmem>> -> memref<63x51xf32, #tpu.memory_space<vmem>>
        %dma_start3A_321 = arith.constant 1687 : i32
        %dma_start3A_322 = arith.constant 0 : i32
        %dma_start3A_323 = tpu.memref_slice %arg3[%dma_start3A_321, %dma_start3A_322] : memref<2000x51xf32, #tpu.memory_space<hbm>> -> memref<63x51xf32, #tpu.memory_space<hbm>>
        %dma_start3A_324 = arith.constant 1687 : i32
        %dma_start3A_325 = arith.constant 0 : i32
        %dma_start3A_326 = tpu.memref_slice %arg3[%dma_start3A_324, %dma_start3A_325] : memref<2000x51xf32, #tpu.memory_space<hbm>> -> memref<63x51xf32, #tpu.memory_space<hbm>>
        %dma_start3A_327 = arith.constant 0 : i32
        %dma_start3A_328 = arith.constant 0 : i32
        %dma_start3A_329 = tpu.memref_slice %arg4[%dma_start3A_327, %dma_start3A_328] : memref<64x51xf32, #tpu.memory_space<vmem>> -> memref<63x51xf32, #tpu.memory_space<vmem>>
        tpu.enqueue_dma source(%dma_start3A_329 : memref<63x51xf32, #tpu.memory_space<vmem>>) target(%dma_start3A_326 : memref<63x51xf32, #tpu.memory_space<hbm>>) target_semaphore(%run_scoped3A : memref<!tpu.dma_semaphore, #tpu.memory_space<semaphore_mem>>)
        %dma_wait3A = arith.constant 0 : i32
        %dma_wait3A_330 = arith.constant 0 : i32
        %dma_wait3A_331 = tpu.memref_slice %arg4[%dma_wait3A, %dma_wait3A_330] : memref<64x51xf32, #tpu.memory_space<vmem>> -> memref<63x51xf32, #tpu.memory_space<vmem>>
        %dma_wait3A_332 = arith.constant 1687 : i32
        %dma_wait3A_333 = arith.constant 0 : i32
        %dma_wait3A_334 = tpu.memref_slice %arg3[%dma_wait3A_332, %dma_wait3A_333] : memref<2000x51xf32, #tpu.memory_space<hbm>> -> memref<63x51xf32, #tpu.memory_space<hbm>>
        %dma_wait3A_335 = arith.constant 1687 : i32
        %dma_wait3A_336 = arith.constant 0 : i32
        %dma_wait3A_337 = tpu.memref_slice %arg3[%dma_wait3A_335, %dma_wait3A_336] : memref<2000x51xf32, #tpu.memory_space<hbm>> -> memref<63x51xf32, #tpu.memory_space<hbm>>
        %dma_wait3A_338 = arith.constant 0 : i32
        %dma_wait3A_339 = arith.constant 0 : i32
        %dma_wait3A_340 = tpu.memref_slice %arg4[%dma_wait3A_338, %dma_wait3A_339] : memref<64x51xf32, #tpu.memory_space<vmem>> -> memref<63x51xf32, #tpu.memory_space<vmem>>
        tpu.wait_dma2 semaphore(%run_scoped3A : memref<!tpu.dma_semaphore, #tpu.memory_space<semaphore_mem>>) src(%dma_wait3A_340 : memref<63x51xf32, #tpu.memory_space<vmem>>) dst(%dma_wait3A_337 : memref<63x51xf32, #tpu.memory_space<hbm>>)
        tpu.yield
      }) : () -> ()
    } else {
    }
    %eq3A_299 = arith.constant 28 : i32
    %eq3A_300 = arith.cmpi eq, %add3A, %eq3A_299 : i32
    %convert_element_type3A_301 = arith.extui %eq3A_300 : i1 to i32
    %cond3A_302 = arith.constant 0 : i32
    %cond3A_303 = arith.cmpi ne, %convert_element_type3A_301, %cond3A_302 : i32
    scf.if %cond3A_303 {
      "tpu.region"() ({
        %run_scoped3A = tpu.sem_alloc : memref<!tpu.dma_semaphore, #tpu.memory_space<semaphore_mem>>
        %dma_start3A = arith.constant 0 : i32
        %dma_start3A_319 = arith.constant 0 : i32
        %dma_start3A_320 = tpu.memref_slice %arg4[%dma_start3A, %dma_start3A_319] : memref<64x51xf32, #tpu.memory_space<vmem>> -> memref<62x51xf32, #tpu.memory_space<vmem>>
        %dma_start3A_321 = arith.constant 1750 : i32
        %dma_start3A_322 = arith.constant 0 : i32
        %dma_start3A_323 = tpu.memref_slice %arg3[%dma_start3A_321, %dma_start3A_322] : memref<2000x51xf32, #tpu.memory_space<hbm>> -> memref<62x51xf32, #tpu.memory_space<hbm>>
        %dma_start3A_324 = arith.constant 1750 : i32
        %dma_start3A_325 = arith.constant 0 : i32
        %dma_start3A_326 = tpu.memref_slice %arg3[%dma_start3A_324, %dma_start3A_325] : memref<2000x51xf32, #tpu.memory_space<hbm>> -> memref<62x51xf32, #tpu.memory_space<hbm>>
        %dma_start3A_327 = arith.constant 0 : i32
        %dma_start3A_328 = arith.constant 0 : i32
        %dma_start3A_329 = tpu.memref_slice %arg4[%dma_start3A_327, %dma_start3A_328] : memref<64x51xf32, #tpu.memory_space<vmem>> -> memref<62x51xf32, #tpu.memory_space<vmem>>
        tpu.enqueue_dma source(%dma_start3A_329 : memref<62x51xf32, #tpu.memory_space<vmem>>) target(%dma_start3A_326 : memref<62x51xf32, #tpu.memory_space<hbm>>) target_semaphore(%run_scoped3A : memref<!tpu.dma_semaphore, #tpu.memory_space<semaphore_mem>>)
        %dma_wait3A = arith.constant 0 : i32
        %dma_wait3A_330 = arith.constant 0 : i32
        %dma_wait3A_331 = tpu.memref_slice %arg4[%dma_wait3A, %dma_wait3A_330] : memref<64x51xf32, #tpu.memory_space<vmem>> -> memref<62x51xf32, #tpu.memory_space<vmem>>
        %dma_wait3A_332 = arith.constant 1750 : i32
        %dma_wait3A_333 = arith.constant 0 : i32
        %dma_wait3A_334 = tpu.memref_slice %arg3[%dma_wait3A_332, %dma_wait3A_333] : memref<2000x51xf32, #tpu.memory_space<hbm>> -> memref<62x51xf32, #tpu.memory_space<hbm>>
        %dma_wait3A_335 = arith.constant 1750 : i32
        %dma_wait3A_336 = arith.constant 0 : i32
        %dma_wait3A_337 = tpu.memref_slice %arg3[%dma_wait3A_335, %dma_wait3A_336] : memref<2000x51xf32, #tpu.memory_space<hbm>> -> memref<62x51xf32, #tpu.memory_space<hbm>>
        %dma_wait3A_338 = arith.constant 0 : i32
        %dma_wait3A_339 = arith.constant 0 : i32
        %dma_wait3A_340 = tpu.memref_slice %arg4[%dma_wait3A_338, %dma_wait3A_339] : memref<64x51xf32, #tpu.memory_space<vmem>> -> memref<62x51xf32, #tpu.memory_space<vmem>>
        tpu.wait_dma2 semaphore(%run_scoped3A : memref<!tpu.dma_semaphore, #tpu.memory_space<semaphore_mem>>) src(%dma_wait3A_340 : memref<62x51xf32, #tpu.memory_space<vmem>>) dst(%dma_wait3A_337 : memref<62x51xf32, #tpu.memory_space<hbm>>)
        tpu.yield
      }) : () -> ()
    } else {
    }
    %eq3A_304 = arith.constant 29 : i32
    %eq3A_305 = arith.cmpi eq, %add3A, %eq3A_304 : i32
    %convert_element_type3A_306 = arith.extui %eq3A_305 : i1 to i32
    %cond3A_307 = arith.constant 0 : i32
    %cond3A_308 = arith.cmpi ne, %convert_element_type3A_306, %cond3A_307 : i32
    scf.if %cond3A_308 {
      "tpu.region"() ({
        %run_scoped3A = tpu.sem_alloc : memref<!tpu.dma_semaphore, #tpu.memory_space<semaphore_mem>>
        %dma_start3A = arith.constant 0 : i32
        %dma_start3A_319 = arith.constant 0 : i32
        %dma_start3A_320 = tpu.memref_slice %arg4[%dma_start3A, %dma_start3A_319] : memref<64x51xf32, #tpu.memory_space<vmem>> -> memref<63x51xf32, #tpu.memory_space<vmem>>
        %dma_start3A_321 = arith.constant 1812 : i32
        %dma_start3A_322 = arith.constant 0 : i32
        %dma_start3A_323 = tpu.memref_slice %arg3[%dma_start3A_321, %dma_start3A_322] : memref<2000x51xf32, #tpu.memory_space<hbm>> -> memref<63x51xf32, #tpu.memory_space<hbm>>
        %dma_start3A_324 = arith.constant 1812 : i32
        %dma_start3A_325 = arith.constant 0 : i32
        %dma_start3A_326 = tpu.memref_slice %arg3[%dma_start3A_324, %dma_start3A_325] : memref<2000x51xf32, #tpu.memory_space<hbm>> -> memref<63x51xf32, #tpu.memory_space<hbm>>
        %dma_start3A_327 = arith.constant 0 : i32
        %dma_start3A_328 = arith.constant 0 : i32
        %dma_start3A_329 = tpu.memref_slice %arg4[%dma_start3A_327, %dma_start3A_328] : memref<64x51xf32, #tpu.memory_space<vmem>> -> memref<63x51xf32, #tpu.memory_space<vmem>>
        tpu.enqueue_dma source(%dma_start3A_329 : memref<63x51xf32, #tpu.memory_space<vmem>>) target(%dma_start3A_326 : memref<63x51xf32, #tpu.memory_space<hbm>>) target_semaphore(%run_scoped3A : memref<!tpu.dma_semaphore, #tpu.memory_space<semaphore_mem>>)
        %dma_wait3A = arith.constant 0 : i32
        %dma_wait3A_330 = arith.constant 0 : i32
        %dma_wait3A_331 = tpu.memref_slice %arg4[%dma_wait3A, %dma_wait3A_330] : memref<64x51xf32, #tpu.memory_space<vmem>> -> memref<63x51xf32, #tpu.memory_space<vmem>>
        %dma_wait3A_332 = arith.constant 1812 : i32
        %dma_wait3A_333 = arith.constant 0 : i32
        %dma_wait3A_334 = tpu.memref_slice %arg3[%dma_wait3A_332, %dma_wait3A_333] : memref<2000x51xf32, #tpu.memory_space<hbm>> -> memref<63x51xf32, #tpu.memory_space<hbm>>
        %dma_wait3A_335 = arith.constant 1812 : i32
        %dma_wait3A_336 = arith.constant 0 : i32
        %dma_wait3A_337 = tpu.memref_slice %arg3[%dma_wait3A_335, %dma_wait3A_336] : memref<2000x51xf32, #tpu.memory_space<hbm>> -> memref<63x51xf32, #tpu.memory_space<hbm>>
        %dma_wait3A_338 = arith.constant 0 : i32
        %dma_wait3A_339 = arith.constant 0 : i32
        %dma_wait3A_340 = tpu.memref_slice %arg4[%dma_wait3A_338, %dma_wait3A_339] : memref<64x51xf32, #tpu.memory_space<vmem>> -> memref<63x51xf32, #tpu.memory_space<vmem>>
        tpu.wait_dma2 semaphore(%run_scoped3A : memref<!tpu.dma_semaphore, #tpu.memory_space<semaphore_mem>>) src(%dma_wait3A_340 : memref<63x51xf32, #tpu.memory_space<vmem>>) dst(%dma_wait3A_337 : memref<63x51xf32, #tpu.memory_space<hbm>>)
        tpu.yield
      }) : () -> ()
    } else {
    }
    %eq3A_309 = arith.constant 30 : i32
    %eq3A_310 = arith.cmpi eq, %add3A, %eq3A_309 : i32
    %convert_element_type3A_311 = arith.extui %eq3A_310 : i1 to i32
    %cond3A_312 = arith.constant 0 : i32
    %cond3A_313 = arith.cmpi ne, %convert_element_type3A_311, %cond3A_312 : i32
    scf.if %cond3A_313 {
      "tpu.region"() ({
        %run_scoped3A = tpu.sem_alloc : memref<!tpu.dma_semaphore, #tpu.memory_space<semaphore_mem>>
        %dma_start3A = arith.constant 0 : i32
        %dma_start3A_319 = arith.constant 0 : i32
        %dma_start3A_320 = tpu.memref_slice %arg4[%dma_start3A, %dma_start3A_319] : memref<64x51xf32, #tpu.memory_space<vmem>> -> memref<62x51xf32, #tpu.memory_space<vmem>>
        %dma_start3A_321 = arith.constant 1875 : i32
        %dma_start3A_322 = arith.constant 0 : i32
        %dma_start3A_323 = tpu.memref_slice %arg3[%dma_start3A_321, %dma_start3A_322] : memref<2000x51xf32, #tpu.memory_space<hbm>> -> memref<62x51xf32, #tpu.memory_space<hbm>>
        %dma_start3A_324 = arith.constant 1875 : i32
        %dma_start3A_325 = arith.constant 0 : i32
        %dma_start3A_326 = tpu.memref_slice %arg3[%dma_start3A_324, %dma_start3A_325] : memref<2000x51xf32, #tpu.memory_space<hbm>> -> memref<62x51xf32, #tpu.memory_space<hbm>>
        %dma_start3A_327 = arith.constant 0 : i32
        %dma_start3A_328 = arith.constant 0 : i32
        %dma_start3A_329 = tpu.memref_slice %arg4[%dma_start3A_327, %dma_start3A_328] : memref<64x51xf32, #tpu.memory_space<vmem>> -> memref<62x51xf32, #tpu.memory_space<vmem>>
        tpu.enqueue_dma source(%dma_start3A_329 : memref<62x51xf32, #tpu.memory_space<vmem>>) target(%dma_start3A_326 : memref<62x51xf32, #tpu.memory_space<hbm>>) target_semaphore(%run_scoped3A : memref<!tpu.dma_semaphore, #tpu.memory_space<semaphore_mem>>)
        %dma_wait3A = arith.constant 0 : i32
        %dma_wait3A_330 = arith.constant 0 : i32
        %dma_wait3A_331 = tpu.memref_slice %arg4[%dma_wait3A, %dma_wait3A_330] : memref<64x51xf32, #tpu.memory_space<vmem>> -> memref<62x51xf32, #tpu.memory_space<vmem>>
        %dma_wait3A_332 = arith.constant 1875 : i32
        %dma_wait3A_333 = arith.constant 0 : i32
        %dma_wait3A_334 = tpu.memref_slice %arg3[%dma_wait3A_332, %dma_wait3A_333] : memref<2000x51xf32, #tpu.memory_space<hbm>> -> memref<62x51xf32, #tpu.memory_space<hbm>>
        %dma_wait3A_335 = arith.constant 1875 : i32
        %dma_wait3A_336 = arith.constant 0 : i32
        %dma_wait3A_337 = tpu.memref_slice %arg3[%dma_wait3A_335, %dma_wait3A_336] : memref<2000x51xf32, #tpu.memory_space<hbm>> -> memref<62x51xf32, #tpu.memory_space<hbm>>
        %dma_wait3A_338 = arith.constant 0 : i32
        %dma_wait3A_339 = arith.constant 0 : i32
        %dma_wait3A_340 = tpu.memref_slice %arg4[%dma_wait3A_338, %dma_wait3A_339] : memref<64x51xf32, #tpu.memory_space<vmem>> -> memref<62x51xf32, #tpu.memory_space<vmem>>
        tpu.wait_dma2 semaphore(%run_scoped3A : memref<!tpu.dma_semaphore, #tpu.memory_space<semaphore_mem>>) src(%dma_wait3A_340 : memref<62x51xf32, #tpu.memory_space<vmem>>) dst(%dma_wait3A_337 : memref<62x51xf32, #tpu.memory_space<hbm>>)
        tpu.yield
      }) : () -> ()
    } else {
    }
    %eq3A_314 = arith.constant 31 : i32
    %eq3A_315 = arith.cmpi eq, %add3A, %eq3A_314 : i32
    %convert_element_type3A_316 = arith.extui %eq3A_315 : i1 to i32
    %cond3A_317 = arith.constant 0 : i32
    %cond3A_318 = arith.cmpi ne, %convert_element_type3A_316, %cond3A_317 : i32
    scf.if %cond3A_318 {
      "tpu.region"() ({
        %run_scoped3A = tpu.sem_alloc : memref<!tpu.dma_semaphore, #tpu.memory_space<semaphore_mem>>
        %dma_start3A = arith.constant 0 : i32
        %dma_start3A_319 = arith.constant 0 : i32
        %dma_start3A_320 = tpu.memref_slice %arg4[%dma_start3A, %dma_start3A_319] : memref<64x51xf32, #tpu.memory_space<vmem>> -> memref<63x51xf32, #tpu.memory_space<vmem>>
        %dma_start3A_321 = arith.constant 1937 : i32
        %dma_start3A_322 = arith.constant 0 : i32
        %dma_start3A_323 = tpu.memref_slice %arg3[%dma_start3A_321, %dma_start3A_322] : memref<2000x51xf32, #tpu.memory_space<hbm>> -> memref<63x51xf32, #tpu.memory_space<hbm>>
        %dma_start3A_324 = arith.constant 1937 : i32
        %dma_start3A_325 = arith.constant 0 : i32
        %dma_start3A_326 = tpu.memref_slice %arg3[%dma_start3A_324, %dma_start3A_325] : memref<2000x51xf32, #tpu.memory_space<hbm>> -> memref<63x51xf32, #tpu.memory_space<hbm>>
        %dma_start3A_327 = arith.constant 0 : i32
        %dma_start3A_328 = arith.constant 0 : i32
        %dma_start3A_329 = tpu.memref_slice %arg4[%dma_start3A_327, %dma_start3A_328] : memref<64x51xf32, #tpu.memory_space<vmem>> -> memref<63x51xf32, #tpu.memory_space<vmem>>
        tpu.enqueue_dma source(%dma_start3A_329 : memref<63x51xf32, #tpu.memory_space<vmem>>) target(%dma_start3A_326 : memref<63x51xf32, #tpu.memory_space<hbm>>) target_semaphore(%run_scoped3A : memref<!tpu.dma_semaphore, #tpu.memory_space<semaphore_mem>>)
        %dma_wait3A = arith.constant 0 : i32
        %dma_wait3A_330 = arith.constant 0 : i32
        %dma_wait3A_331 = tpu.memref_slice %arg4[%dma_wait3A, %dma_wait3A_330] : memref<64x51xf32, #tpu.memory_space<vmem>> -> memref<63x51xf32, #tpu.memory_space<vmem>>
        %dma_wait3A_332 = arith.constant 1937 : i32
        %dma_wait3A_333 = arith.constant 0 : i32
        %dma_wait3A_334 = tpu.memref_slice %arg3[%dma_wait3A_332, %dma_wait3A_333] : memref<2000x51xf32, #tpu.memory_space<hbm>> -> memref<63x51xf32, #tpu.memory_space<hbm>>
        %dma_wait3A_335 = arith.constant 1937 : i32
        %dma_wait3A_336 = arith.constant 0 : i32
        %dma_wait3A_337 = tpu.memref_slice %arg3[%dma_wait3A_335, %dma_wait3A_336] : memref<2000x51xf32, #tpu.memory_space<hbm>> -> memref<63x51xf32, #tpu.memory_space<hbm>>
        %dma_wait3A_338 = arith.constant 0 : i32
        %dma_wait3A_339 = arith.constant 0 : i32
        %dma_wait3A_340 = tpu.memref_slice %arg4[%dma_wait3A_338, %dma_wait3A_339] : memref<64x51xf32, #tpu.memory_space<vmem>> -> memref<63x51xf32, #tpu.memory_space<vmem>>
        tpu.wait_dma2 semaphore(%run_scoped3A : memref<!tpu.dma_semaphore, #tpu.memory_space<semaphore_mem>>) src(%dma_wait3A_340 : memref<63x51xf32, #tpu.memory_space<vmem>>) dst(%dma_wait3A_337 : memref<63x51xf32, #tpu.memory_space<hbm>>)
        tpu.yield
      }) : () -> ()
    } else {
    }
    return
  }
}

</mosaic_0001>

<sc_bundles>
// kernel: kernel.3.cloned.1.call-start
scs
__scs_entry_jumppad:
0x0: {  	(pc) =	sbr.rel $0x88, $3  }
0x1: {  	(tag) =	ssettag $0x0;
	lr =	simm.s32 $0x1  }
0x2: {  	[smem:$0x3FA0] =	sst lr;
	_ =	strace $0xD0000000  }
0x3: {  	_ = 	snop  }
0x4: {  	_ = 	snop  }
0x5: {  	_ = 	snop  }
0x6: {  	_ = 	snop  }
0x7: {  	_ = 	snop  }
__scs_overlays_trampoline_lowered:
0x8: {  	[smem:$0x3FAF] =	sst s0  }
0x9: {  	[smem:$0x3FB0] =	sst s1  }
0xa: {  	[smem:$0x3FB1] =	sst s2  }
0xb: {  	[smem:$0x3FB2] =	sst s3  }
0xc: {  	[smem:$0x3FB3] =	sst s4  }
0xd: {  	[smem:$0x3FB4] =	sst s5  }
0xe: {  	[smem:$0x3FB5] =	sst s6  }
0xf: {  	[smem:$0x3FB6] =	sst s7  }
0x10: {  	[smem:$0x3FB7] =	sst s8  }
0x11: {  	[smem:$0x3FB8] =	sst s9;
	s0 =	simm.s32 @!p0 $0x0  }
0x12: {  	s1 =	sld [smem:$0x3F9E];
	s0 =	simm.s32 @p0 $0x1  }
0x13: {  	[smem:$0x3FB9] =	sst s0;
	s0 =	simm.s32 @!p1 $0x0  }
0x14: {  	s2 =	sld [smem:$0x3F9D];
	s0 =	simm.s32 @p1 $0x1  }
0x15: {  	[smem:$0x3FBA] =	sst s0;
	s0 =	simm.s32 @!p2 $0x0  }
0x16: {  	s3 =	sld [smem:$0x3FDB];
	s0 =	simm.s32 @p2 $0x1  }
0x17: {  	s4 =	simm.s32 $0x1BF5;
	[smem:$0x3FBC] =	sst s0  }
0x18: {  	s0 =	sld [smem:$0x3F9F];
	_ =	swait.ge [sflag:s4], $0x0  }
0x19: {  	s7 =	sld [smem:$0x3FA0]  }
0x1a: {  	s8 =	sadd.s32 $0xFFFFE003, lr  }
0x1b: {  	s9 =	sadd.s32 $0xFFFFFEF7, lr;
	s5 =	simm.s32 $0xFFFFFFFF;
	p2 =	slt.u32 s8, $0xFFFFF086  }
0x1c: {  	p1 =	slt.u32 s9, $0xF7A;
	s5 =	simm.s32 @!p2 $0x0  }
0x1d: {  	s5 =	simm.s32 @p1 $0x1;
	p0 =	seq.s32 s7, s2  }
0x1e: {  	s7 =	smul.u32 @!p0 $0xF7A, s2;
	p2 =	seq.s32 @!p0 s5, $0x0  }
0x1f: {  	s9 =	smul.u32 $0xF7A, s1;
	s8 =	simm.s32 @!p0 $0x1BF5;
	p2 =	por !p2, p0  }
0x20: {  	[sflag:s8] =	ssyncset.s32 @!p0 $0xFFFFF086;
	s6 =	sadd.s32 @!p0 s3, s7;
	s7 =	simm.s32 @!p0 $0x108  }
0x21: {  	s3 =	sadd.s32 s3, s9;
	s6 =	sadd.s32 @!p0 $0x88, s6;
	s7 =	simm.s32 @p2 $0x1082  }
0x22: {  	[simem:s7], [sflag:s8] =	dma.local @!p0 [hbm:s6], $0xF7A  }
0x23: {  	s9 =	sor.u32 $0xD0000000, s2;
	s6 =	simm.s32 $0x108;
	_ =	swait.ge @!p0 [sflag:s8], $0x0  }
0x24: {  	s3 =	sadd.s32 $0x88, s3;
	s6 =	simm.s32 @!p1 $0x1082;
	[sflag:s4] =	ssyncset.s32 $0xFFFFF086  }
0x25: {  	[simem:s6], [sflag:s4] =	dma.local [hbm:s3], $0xF7A  }
0x26: {  	[smem:$0x3FA0] =	sst s1;
	(tag) =	ssettag s2;
	_ =	strace s9  }
0x27: {  	s1 =	sld [smem:$0x3FB0]  }
0x28: {  	s2 =	sld [smem:$0x3FB1]  }
0x29: {  	s4 =	sld [smem:$0x3FB3]  }
0x2a: {  	p0 =	seq.s32 s5, $0x0;
	s5 =	sld [smem:$0x3FB4]  }
0x2b: {  	s6 =	sld [smem:$0x3FB5]  }
0x2c: {  	s7 =	sld [smem:$0x3FB6]  }
0x2d: {  	s3 =	simm.s32 $0x108;
	s8 =	sld [smem:$0x3FB7]  }
0x2e: {  	s3 =	simm.s32 @!p0 $0x1082;
	s9 =	sld [smem:$0x3FB8]  }
0x2f: {  	lr =	sadd.s32 s0, s3;
	s0 =	sld [smem:$0x3FAF]  }
0x30: {  	s3 =	sld [smem:$0x3FB2]  }
0x31: {  	[smem:$0x3FBB] =	sst s10  }
0x32: {  	s10 =	sld [smem:$0x3FB9];
	_ =	sdelay $0x3  }
0x33: {  	p0 =	seq.s32 s10, $0x1;
	s10 =	sld [smem:$0x3FBB];
	_ =	sdelay $0x3  }
0x34: {  	[smem:$0x3FBB] =	sst s10  }
0x35: {  	s10 =	sld [smem:$0x3FBA];
	_ =	sdelay $0x3  }
0x36: {  	p1 =	seq.s32 s10, $0x1;
	s10 =	sld [smem:$0x3FBB];
	_ =	sdelay $0x3  }
0x37: {  	[smem:$0x3FBB] =	sst s10  }
0x38: {  	s10 =	sld [smem:$0x3FBC]  }
0x39: {  	_ = 	snop;
	(pc) =	sbr.ind lr, $3  }
0x3a: {  	_ = 	snop  }
0x3b: {  	_ = 	snop  }
0x3c: {  	p2 =	seq.s32 s10, $0x1;
	s10 =	sld [smem:$0x3FBB]  }
0x3d: {  	_ =	shalt  }
0x3e: {  	_ =	shalt  }
0x3f: {  	_ =	shalt  }
0x40: {  	_ =	shalt  }
0x41: {  	_ =	shalt  }
0x42: {  	_ =	shalt  }
0x43: {  	_ =	shalt  }
0x44: {  	_ =	shalt  }
0x45: {  	_ =	shalt  }
0x46: {  	_ =	shalt  }
0x47: {  	_ =	shalt  }
0x48: {  	_ =	shalt  }
0x49: {  	_ =	shalt  }
0x4a: {  	_ =	shalt  }
0x4b: {  	_ =	shalt  }
0x4c: {  	_ =	shalt  }
0x4d: {  	_ =	shalt  }
0x4e: {  	_ =	shalt  }
0x4f: {  	_ =	shalt  }
0x50: {  	_ =	shalt  }
0x51: {  	_ =	shalt  }
0x52: {  	_ =	shalt  }
0x53: {  	_ =	shalt  }
0x54: {  	_ =	shalt  }
0x55: {  	_ =	shalt  }
0x56: {  	_ =	shalt  }
0x57: {  	_ =	shalt  }
0x58: {  	_ =	shalt  }
0x59: {  	_ =	shalt  }
0x5a: {  	_ =	shalt  }
0x5b: {  	_ =	shalt  }
0x5c: {  	_ =	shalt  }
0x5d: {  	_ =	shalt  }
0x5e: {  	_ =	shalt  }
0x5f: {  	_ =	shalt  }
0x60: {  	_ =	shalt  }
0x61: {  	_ =	shalt  }
0x62: {  	_ =	shalt  }
0x63: {  	_ =	shalt  }
0x64: {  	_ =	shalt  }
0x65: {  	_ =	shalt  }
0x66: {  	_ =	shalt  }
0x67: {  	_ =	shalt  }
0x68: {  	_ =	shalt  }
0x69: {  	_ =	shalt  }
0x6a: {  	_ =	shalt  }
0x6b: {  	_ =	shalt  }
0x6c: {  	_ =	shalt  }
0x6d: {  	_ =	shalt  }
0x6e: {  	_ =	shalt  }
0x6f: {  	_ =	shalt  }
0x70: {  	_ =	shalt  }
0x71: {  	_ =	shalt  }
0x72: {  	_ =	shalt  }
0x73: {  	_ =	shalt  }
0x74: {  	_ =	shalt  }
0x75: {  	_ =	shalt  }
0x76: {  	_ =	shalt  }
0x77: {  	_ =	shalt  }
0x78: {  	_ =	shalt  }
0x79: {  	_ =	shalt  }
0x7a: {  	_ =	shalt  }
0x7b: {  	_ =	shalt  }
0x7c: {  	_ =	shalt  }
0x7d: {  	_ =	shalt  }
0x7e: {  	_ =	shalt  }
0x7f: {  	_ =	shalt  }
0x80: {  	_ =	shalt  }
0x81: {  	_ =	shalt  }
0x82: {  	_ =	shalt  }
0x83: {  	_ =	shalt  }
0x84: {  	_ =	shalt  }
0x85: {  	_ =	shalt  }
0x86: {  	_ =	shalt  }
0x87: {  	_ =	shalt  }
.Lfunc_end0:
.L_simem_size_0:
called_computation_lowered:
.L_overlay_start_0:
0x88: {  	s2 =	sld [smem:$0x3FD9]  }
0x89: {  	s3 =	sld [smem:$0x3FFE];
	_ =	sdelay $0x1  }
0x8a: {  	s1 =	srdreg.scid  }
0x8b: {  	s0 =	sand.u32 $0x1, s1  }
0x8c: {  	s17 =	sshll.u32 s0, $0xA;
	s2 =	sadd.s32 s3, s2  }
0x8d: {  	s2 =	sadd.s32 s2, s17  }
0x8e: {  	[smem:$0x3FC7] =	sst s2  }
0x8f: {  	_ = 	snop  }
0x90: {  	s2 =	sld [smem:$0x3FD0];
	(tm) =	ssettm $0x1  }
0x91: {  	s18 =	sld [smem:$0x3FFB];
	_ =	sdelay $0x3  }
0x92: {  	_ =	strace s18  }
0x93: {  	s3 =	sld [smem:$0x3FFC];
	_ =	sdelay $0x3  }
0x94: {  	_ =	strace s3  }
0x95: {  	s3 =	sld [smem:$0x3FFD];
	_ =	sdelay $0x3  }
0x96: {  	_ =	strace s3  }
0x97: {  	_ =	strace $0x8FFFFFFF  }
0x98: {  	s19 =	sld [smem:$0x3FDB];
	_ =	sdelay $0x1  }
0x99: {  	s4 =	simm.s32 $_scs_section_size  }
0x9a: {  	s5 =	simm.s32 $_size__tile_overlayer_lowered;
	s6 =	simm.s32 $_tile_overlayer_lowered  }
0x9b: {  	s22 =	simm.s32 $0x1BFF;
	s21 =	sshll.u32 s6, $0x1;
	s3 =	sadd.s32 s4, s19  }
0x9c: {  	s7 =	simm.s32 $0x0;
	s20 =	sshll.u32 s5, $0x1;
	s5 =	sadd.s32 s21, s3  }
0x9d: {  	[timem:s7], [sflag:s22] =	dma.local [hbm:s5], s20  }
0x9e: {  	_ =	swait.ge [sflag:s22], s20  }
0x9f: {  	s4 =	ssub.s32 $0x0, s20;
	[sflag:s22] =	ssyncset.done $0x0  }
0xa0: {  	[sflag:s22] =	ssyncadd.s32 s4;
	_ =	sdelay $0x1  }
0xa1: {  	s23 =	simm.s32 $0x1B8B  }
0xa2: {  	_ =	swait.ge [sflag:s23], $0x1  }
0xa3: {  	[sflag:s23] =	ssyncset.done $0x0  }
0xa4: {  	s25 =	simm.s32 $0x1B8E;
	s24 =	sld [smem:$0x3FFE];
	[sflag:s23] =	ssyncadd.s32 $0xFFFFFFFF  }
0xa5: {  	s26 =	simm.s32 $execute0_lowered;
	[smem:$0x3FD2] =	sst s25  }
0xa6: {  	s5 =	sshll.u32 s26, $0x1;
	_ =	strace $0x80000046;
	[dreg:$0x1] =	wrdreg $0xFFFFFFFF  }
0xa7: {  	s28 =	simm.s32 $_size_execute0_lowered;
	s3 =	sadd.s32 s3, s5;
	[dreg:$0x0] =	wrdreg $0x0  }
0xa8: {  	s5 =	sshll.u32 s28, $0x1;
	[dreg:$0x2] =	wrdreg s3  }
0xa9: {  	[dreg:$0x3] =	wrdreg s5  }
0xaa: {  	[dreg:$0x4] =	wrdreg $0xC0  }
0xab: {  	_ =	task [dreg:s7], $0x5FFFF  }
0xac: {  	[dreg:$0x1] =	wrdreg $0xFFFFFFFF  }
0xad: {  	[dreg:$0x0] =	wrdreg $0x60  }
0xae: {  	[dreg:$0x2] =	wrdreg s24  }
0xaf: {  	[dreg:$0x3] =	wrdreg s2  }
0xb0: {  	[dreg:$0x4] =	wrdreg $0x9  }
0xb1: {  	_ =	task.clear_ibuf [dreg:s7], $0x5FFFF;
	_ =	strace $0x90000046  }
0xb2: {  	s29 =	simm.s32 $0x9;
	_ =	strace $0x80000048  }
0xb3: {  	_ =	swait.ge [sflag:s29], $0x1  }
0xb4: {  	[sflag:s29] =	ssyncadd.s32 $0xFFFFFFFF  }
0xb5: {  	_ =	strace $0x90000048  }
0xb6: {  	_ =	sfence  }
0xb7: {  	s30 =	sld [smem:$0x0];
	_ =	sdelay $0x2  }
0xb8: {  	s31 =	sshll.u32 s1, $0xD;
	s1 =	sshrl.u32 s1, $0x2  }
0xb9: {  	s3 =	sand.u32 $0x4000, s31;
	s1 =	sadd.s32 s1, s30  }
0xba: {  	s0 =	sor.u32 s3, s0;
	s1 =	sshll.u32 s1, $0x11  }
0xbb: {  	s0 =	sor.u32 s1, s0  }
0xbc: {  	s0 =	sadd.s32 $0x8F2B, s0  }
0xbd: {  	[sflag:s0] =	ssyncadd.remote.s32 $0x1  }
0xbe: {  	_ =	sfence.sel $0xFFFF  }
0xbf: {  	[dreg:$0x0] =	wrdreg $0xFFFFFFFF;
	(pc) =	sbr.abs _section_cstart, $3  }
0xc0: {  	[dreg:$0x1] =	wrdreg $0xFFFFFFFF  }
0xc1: {  	_ =	task.clear_ibuf [dreg:s7], $0x2FFFF;
	_ =	strace $0x9FFFFFFF  }
0xc2: {  	(tm) =	ssettm $0x7FFFFFFF  }
0xc3: {  	_ =	shalt  }
tec
execute0_lowered:
.L_overlay_start_1:
0x0: {  	(tag) =	ssettag $0x1  }
0x1: {  	s0 =	srdreg.scid;
	s1 =	stileid.u32  }
0x2: {  	s3 =	sand.u32 $0x1, s0;
	s15 =	sshll.u32 s1, $0x1  }
0x3: {  	s1 =	sor.u32 s3, s15  }
0x4: {  	p0 =	sgt.s32 s1, $0x1  }
0x5: {  	p1 =	seq.s32 @p0 s1, $0x2  }
0x6: {  	p2 =	por !p1, !p0  }
0x7: {  	s4 =	simm.s32 @!p2 $0x0  }
0x8: {  	p1 =	por p1, !p0;
	s4 =	simm.s32 @p2 $0x1  }
0x9: {  	p2 =	seq.s32 @!p0 s1, $0x0;
	[smem:$0x7D2] =	sst s4;
	s4 =	simm.s32 @!p1 $0x0  }
0xa: {  	s4 =	simm.s32 @p1 $0x1;
	p1 =	por !p2, p0  }
0xb: {  	[smem:$0x7D3] =	sst s4;
	s4 =	simm.s32 @!p1 $0x0  }
0xc: {  	p0 =	por p2, p0;
	s4 =	simm.s32 @p1 $0x1  }
0xd: {  	p1 =	sgt.s32 s1, $0x5;
	[smem:$0x7D4] =	sst s4;
	s4 =	simm.s32 @!p0 $0x0  }
0xe: {  	s4 =	simm.s32 @p0 $0x1;
	p0 =	seq.s32 @p1 s1, $0x6  }
0xf: {  	p3 =	por !p0, !p1  }
0x10: {  	[smem:$0x7D5] =	sst s4;
	s4 =	simm.s32 @!p3 $0x0  }
0x11: {  	p0 =	por p0, !p1;
	s4 =	simm.s32 @p3 $0x1  }
0x12: {  	p2 =	seq.s32 @!p1 s1, $0x4;
	[smem:$0x7D6] =	sst s4;
	s4 =	simm.s32 @!p0 $0x0  }
0x13: {  	s4 =	simm.s32 @p0 $0x1;
	p0 =	por !p2, p1  }
0x14: {  	[smem:$0x7D7] =	sst s4;
	s4 =	simm.s32 @!p0 $0x0  }
0x15: {  	s4 =	simm.s32 @p0 $0x1;
	p0 =	por p2, p1  }
0x16: {  	[smem:$0x7D8] =	sst s4;
	s4 =	simm.s32 @!p0 $0x0  }
0x17: {  	s4 =	simm.s32 @p0 $0x1;
	p0 =	sgt.s32 s1, $0x9  }
0x18: {  	p1 =	seq.s32 @p0 s1, $0xA  }
0x19: {  	p3 =	por !p1, !p0  }
0x1a: {  	s2 =	rddreg [dreg:$0x1];
	s5 =	simm.s32 @!p3 $0x0  }
0x1b: {  	s16 =	simm.s32 $0x0;
	p1 =	por p1, !p0;
	s5 =	simm.s32 @p3 $0x1  }
0x1c: {  	p2 =	seq.s32 @!p0 s1, $0x8;
	[smem:$0x7DA] =	sst s5;
	s5 =	simm.s32 @!p1 $0x0  }
0x1d: {  	s0 =	rddreg [dreg:$0x0];
	s5 =	simm.s32 @p1 $0x1;
	p1 =	por !p2, p0  }
0x1e: {  	p3 =	sgt.s32 s1, $0xD;
	[smem:$0x7DB] =	sst s5;
	s5 =	simm.s32 @!p1 $0x0  }
0x1f: {  	[smem:$0x7FF] =	sst s16;
	s5 =	simm.s32 @p1 $0x1;
	p1 =	seq.s32 @p3 s1, $0xE  }
0x20: {  	p2 =	por p2, p0;
	p0 =	por !p1, !p3;
	p1 =	por p1, !p3  }
0x21: {  	[smem:$0x7D9] =	sst s4;
	p4 =	seq.s32 @!p3 s1, $0xC;
	s4 =	simm.s32 @!p1 $0x0  }
0x22: {  	s4 =	simm.s32 @p1 $0x1;
	p1 =	por !p4, p3;
	p3 =	por p4, p3  }
0x23: {  	[smem:$0x7DD] =	sst s4;
	s4 =	simm.s32 @!p3 $0x0  }
0x24: {  	[smem:$0x7DC] =	sst s5;
	s4 =	simm.s32 @p3 $0x1  }
0x25: {  	s18 =	sadd.s32 $0x5211, s0;
	[smem:$0x7DE] =	sst s4  }
0x26: {  	s19 =	sadd.s32 $0x1B1B, s0;
	_ =	strace $0x80000047;
	[dreg:$0x3] =	wrdreg s18  }
0x27: {  	s20 =	sadd.s32 $0x510E, s0;
	[dreg:$0x4] =	wrdreg s19  }
0x28: {  	s21 =	sadd.s32 $0x1962, s0;
	[dreg:$0x5] =	wrdreg s20  }
0x29: {  	s22 =	sadd.s32 $0x709C, s0;
	[dreg:$0x6] =	wrdreg s21  }
0x2a: {  	s23 =	sadd.s32 $0x190E, s0;
	[dreg:$0x7] =	wrdreg s22  }
0x2b: {  	s24 =	sadd.s32 $0x64C5, s0;
	[dreg:$0x8] =	wrdreg s23  }
0x2c: {  	s25 =	sadd.s32 $0x373E, s0;
	[dreg:$0x9] =	wrdreg s24  }
0x2d: {  	s26 =	sadd.s32 $0x6313, s0;
	[dreg:$0xa] =	wrdreg s25  }
0x2e: {  	s28 =	sadd.s32 $0x2C16, s0;
	[dreg:$0xb] =	wrdreg s26  }
0x2f: {  	s5 =	sadd.s32 $0x61A7, s0;
	[dreg:$0xc] =	wrdreg s28  }
0x30: {  	s6 =	sadd.s32 $0x2B13, s0;
	[dreg:$0xd] =	wrdreg s5  }
0x31: {  	s7 =	sadd.s32 $0x5FEE, s0;
	[dreg:$0xe] =	wrdreg s6  }
0x32: {  	s8 =	sadd.s32 $0x28F8, s0;
	[dreg:$0xf] =	wrdreg s7  }
0x33: {  	s9 =	sadd.s32 $0x5F9A, s0;
	[dreg:$0x10] =	wrdreg s8  }
0x34: {  	s10 =	sadd.s32 $0x5115, s0;
	[dreg:$0x11] =	wrdreg s9  }
0x35: {  	s11 =	sadd.s32 $0x279A, s0;
	[dreg:$0x12] =	wrdreg s10  }
0x36: {  	s12 =	sadd.s32 $0x4F63, s0;
	[dreg:$0x13] =	wrdreg s11  }
0x37: {  	s13 =	sadd.s32 $0x1866, s0;
	[dreg:$0x14] =	wrdreg s12  }
0x38: {  	s14 =	sadd.s32 $0x4EB4, s0;
	[dreg:$0x15] =	wrdreg s13  }
0x39: {  	s3 =	ssub.s32 $0x2, s3;
	s15 =	sadd.s32 $0x16B4, s0;
	[dreg:$0x16] =	wrdreg s14  }
0x3a: {  	s16 =	sadd.s32 $0x4863, s0;
	s17 =	sshrl.u32 s3, $0x1;
	[dreg:$0x17] =	wrdreg s15  }
0x3b: {  	s3 =	ssub.s32 s3, s17;
	s17 =	sadd.s32 $0x116D, s0;
	[dreg:$0x18] =	wrdreg s16  }
0x3c: {  	[dreg:$0x19] =	wrdreg s17;
	s18 =	sadd.s32 $0x4760, s0  }
0x3d: {  	s19 =	sadd.s32 $0xFB4, s0;
	[dreg:$0x1a] =	wrdreg s18  }
0x3e: {  	s20 =	sadd.s32 $0x553D, s0;
	[dreg:$0x1b] =	wrdreg s19  }
0x3f: {  	s21 =	sadd.s32 $0xF60, s0;
	[dreg:$0x1c] =	wrdreg s20  }
0x40: {  	s22 =	sadd.s32 $0x1E40, s0;
	[dreg:$0x1d] =	wrdreg s21  }
0x41: {  	s23 =	sadd.s32 $0x53DF, s0;
	[dreg:$0x1e] =	wrdreg s22  }
0x42: {  	s24 =	sadd.s32 $0x1C8E, s0;
	[dreg:$0x1f] =	wrdreg s23  }
0x43: {  	s25 =	sadd.s32 $0x51D2, s0;
	[smem:$0x7DF] =	sst s24  }
0x44: {  	s26 =	sadd.s32 $0x1BDF, s0;
	[smem:$0x7E0] =	sst s25  }
0x45: {  	s28 =	sadd.s32 $0x5020, s0;
	[smem:$0x7E1] =	sst s26  }
0x46: {  	s5 =	sadd.s32 $0x1923, s0;
	[smem:$0x7E2] =	sst s28  }
0x47: {  	s6 =	sadd.s32 $0x57D6, s0;
	[smem:$0x7E3] =	sst s5  }
0x48: {  	s7 =	sadd.s32 $0x1820, s0;
	[smem:$0x7E4] =	sst s6  }
0x49: {  	s8 =	sadd.s32 $0x561D, s0;
	[smem:$0x7E5] =	sst s7  }
0x4a: {  	s9 =	sadd.s32 $0x1F27, s0;
	[smem:$0x7E6] =	sst s8  }
0x4b: {  	s10 =	sadd.s32 $0x55C9, s0;
	[smem:$0x7E7] =	sst s9  }
0x4c: {  	s11 =	sadd.s32 $0x6F45, s0;
	[smem:$0x7E8] =	sst s10  }
0x4d: {  	s29 =	sadd.s32 $0x399F, s0;
	s12 =	sadd.s32 $0x1DC9, s0;
	[smem:$0x7E9] =	sst s11  }
0x4e: {  	s30 =	sadd.s32 $0x6F3E, s0;
	s13 =	sadd.s32 $0x6D93, s0;
	[smem:$0x7EA] =	sst s12  }
0x4f: {  	s31 =	sadd.s32 $0x37ED, s0;
	s14 =	sadd.s32 $0x3696, s0;
	[smem:$0x7EB] =	sst s13  }
0x50: {  	p4 =	sgt.s32 s1, $0xF;
	s15 =	sadd.s32 $0x6CE4, s0;
	[smem:$0x7EC] =	sst s14  }
0x51: {  	p3 =	sgt.s32 s1, $0x7;
	s0 =	sadd.s32 $0x34E4, s0;
	[smem:$0x7ED] =	sst s15  }
0x52: {  	s4 =	sadd.s32 $0x1482, s2;
	s16 =	sadd.s32 $0x34F7, s2;
	[smem:$0x7EE] =	sst s0  }
0x53: {  	s17 =	sadd.s32 $0x3345, s2;
	s24 =	smax.u32 s3, $0x1;
	[smem:$0x7F2] =	sst s16  }
0x54: {  	s0 =	simm.s32 @!p3 $0x0;
	[smem:$0x7F3] =	sst s17;
	s18 =	sadd.s32 $0x318C, s2  }
0x55: {  	s19 =	sadd.s32 $0x2FDA, s2;
	s20 =	sadd.s32 $0x2E21, s2;
	s21 =	sadd.s32 $0x2C6F, s2  }
0x56: {  	s22 =	sadd.s32 $0x2AB6, s2;
	s23 =	sadd.s32 $0x1B2, s2;
	s25 =	sadd.s32 $0x36B, s2  }
0x57: {  	s26 =	sadd.s32 $0x51D, s2;
	s28 =	sadd.s32 $0x6D6, s2;
	[smem:$0x7F4] =	sst s18  }
0x58: {  	s5 =	sadd.s32 $0xA41, s2;
	s6 =	sadd.s32 $0xBF3, s2;
	[smem:$0x7F5] =	sst s19  }
0x59: {  	s7 =	sadd.s32 $0xDAC, s2;
	s8 =	sadd.s32 $0xF5E, s2;
	[smem:$0x7F6] =	sst s20  }
0x5a: {  	s9 =	sadd.s32 $0x1117, s2;
	s10 =	sadd.s32 $0x12C9, s2;
	[smem:$0x7F7] =	sst s21  }
0x5b: {  	s11 =	sadd.s32 $0x1634, s2;
	s12 =	sadd.s32 $0x17ED, s2;
	[smem:$0x7F8] =	sst s22  }
0x5c: {  	s13 =	sadd.s32 $0x199F, s2;
	s14 =	sadd.s32 $0x1B58, s2;
	[smem:$0x7F9] =	sst s23  }
0x5d: {  	s15 =	sadd.s32 $0x1D0A, s2;
	s16 =	sadd.s32 $0x1EC3, s2;
	[smem:$0x7FA] =	sst s25  }
0x5e: {  	s17 =	sadd.s32 $0x2075, s2;
	s3 =	simm.s32 @!p4 $0x0;
	[smem:$0x7FB] =	sst s26  }
0x5f: {  	s0 =	simm.s32 @p3 $0x1;
	p3 =	sgt.s32 s1, $0x3;
	[smem:$0x7FC] =	sst s28  }
0x60: {  	s18 =	sadd.s32 $0x222E, s2;
	s19 =	sadd.s32 $0x23E0, s2;
	s20 =	sadd.s32 $0x2599, s2  }
.Ltmp0:
0x61: {  	[smem:$0x7EF] =	sst s0;
	s0 =	simm.s32 @!p3 $0x0;
	(pc) =	sbr.rel .LBB2_1-.Ltmp0, $4  }
0x62: {  	s21 =	sadd.s32 $0x274B, s2;
	s0 =	simm.s32 @p3 $0x1;
	p3 =	sgt.s32 s1, $0xB  }
0x63: {  	s3 =	simm.s32 @p4 $0x1;
	[smem:$0x7F0] =	sst s0;
	s0 =	simm.s32 @!p3 $0x0  }
0x64: {  	s22 =	sadd.s32 $0x2904, s2;
	[smem:$0x7FD] =	sst s3;
	s0 =	simm.s32 @p3 $0x1  }
0x65: {  	s23 =	simm.s32 $0x1;
	[smem:$0x7F1] =	sst s0;
	s0 =	sadd.s32 $0x888, s2  }
.LBB2_4:
0x66: {  	s3 =	sld [smem:$0x7D2];
	_ =	sdelay $0x2  }
0x67: {  	p3 =	seq.s32 s3, $0x1;
	s3 =	sld [smem:$0x7EB];
	_ =	sdelay $0x1  }
0x68: {  	s25 =	simm.s32 @!p3 $0x0;
	s26 =	simm.s32 @!p3 $0x1  }
0x69: {  	[tilespmem:s25], [sflag:$0x1] =	stream.linear.gather @!p3 [hbm4b:s3+s25], $0xD90, $0x38;
	[tilespmem:$0xE00] =	vst v63  }
0x6a: {  	_ =	swait.ge @!p3 [sflag:s26], $0xD90  }
0x6b: {  	s3 =	sld [smem:$0x7FA]  }
0x6c: {  	[sflag:s26] =	ssyncset.done @!p3 $0x0  }
0x6d: {  	[sflag:s26] =	ssyncadd.s32 @!p3 $0xFFFFF270  }
0x6e: {  	[hbm4b:s3+s25] =	stream.linear.scatter @!p3 [tilespmem:s25], [sflag:$0x1], $0xD90, $0x38;
	[tilespmem:$0xE00] =	vst v63  }
0x6f: {  	_ =	swait.ge @!p3 [sflag:s26], $0xD90  }
0x70: {  	s25 =	sld [smem:$0x7D3];
	_ =	sdelay $0x1  }
0x71: {  	[sflag:s26] =	ssyncset.done @!p3 $0x0;
	s3 =	sld [smem:$0x7E9]  }
0x72: {  	[sflag:s26] =	ssyncadd.s32 @!p3 $0xFFFFF270;
	p3 =	seq.s32 s25, $0x1  }
0x73: {  	s25 =	simm.s32 @!p3 $0x0;
	s26 =	simm.s32 @!p3 $0x1  }
0x74: {  	[tilespmem:s25], [sflag:$0x1] =	stream.linear.gather @!p3 [hbm4b:s3+s25], $0x2D8, $0x38;
	[tilespmem:$0xE00] =	vst v63  }
0x75: {  	_ =	swait.ge @!p3 [sflag:s26], $0x2D8  }
0x76: {  	s3 =	sld [smem:$0x7EA]  }
0x77: {  	[sflag:s26] =	ssyncset.done @!p3 $0x0  }
0x78: {  	s28 =	simm.s32 @!p3 $0x2D8;
	[sflag:s26] =	ssyncadd.s32 @!p3 $0xFFFFFD28  }
0x79: {  	[tilespmem:s28], [sflag:$0x1] =	stream.linear.gather @!p3 [hbm4b:s3+s25], $0xAF0, $0x38;
	[tilespmem:$0xE00] =	vst v63  }
0x7a: {  	_ =	swait.ge @!p3 [sflag:s26], $0xAF0  }
0x7b: {  	s3 =	sld [smem:$0x7FB]  }
0x7c: {  	[sflag:s26] =	ssyncset.done @!p3 $0x0  }
0x7d: {  	[sflag:s26] =	ssyncadd.s32 @!p3 $0xFFFFF510  }
0x7e: {  	[hbm4b:s3+s25] =	stream.linear.scatter @!p3 [tilespmem:s25], [sflag:$0x1], $0xDC8, $0x38;
	[tilespmem:$0xE00] =	vst v63  }
0x7f: {  	_ =	swait.ge @!p3 [sflag:s26], $0xDC8  }
0x80: {  	[sflag:s26] =	ssyncset.done @!p3 $0x0  }
0x81: {  	[sflag:s26] =	ssyncadd.s32 @!p3 $0xFFFFF238;
	s26 =	sld [smem:$0x7D4];
	_ =	sdelay $0x1  }
0x82: {  	s3 =	sld [smem:$0x7EE]  }
0x83: {  	p3 =	seq.s32 s26, $0x1  }
0x84: {  	s25 =	simm.s32 @!p3 $0x0;
	s26 =	simm.s32 @!p3 $0x1  }
0x85: {  	[tilespmem:s25], [sflag:$0x1] =	stream.linear.gather @!p3 [hbm4b:s3+s25], $0xD90, $0x38;
	[tilespmem:$0xE00] =	vst v63  }
0x86: {  	_ =	swait.ge @!p3 [sflag:s26], $0xD90  }
0x87: {  	[sflag:s26] =	ssyncset.done @!p3 $0x0  }
0x88: {  	[sflag:s26] =	ssyncadd.s32 @!p3 $0xFFFFF270  }
0x89: {  	[hbm4b:s2+s25] =	stream.linear.scatter @!p3 [tilespmem:s25], [sflag:$0x1], $0xD90, $0x38;
	[tilespmem:$0xE00] =	vst v63  }
0x8a: {  	_ =	swait.ge @!p3 [sflag:s26], $0xD90  }
0x8b: {  	s28 =	sld [smem:$0x7D5];
	_ =	sdelay $0x1  }
0x8c: {  	[sflag:s26] =	ssyncset.done @!p3 $0x0;
	s3 =	sld [smem:$0x7EC]  }
0x8d: {  	[sflag:s26] =	ssyncadd.s32 @!p3 $0xFFFFF270;
	p3 =	seq.s32 s28, $0x1  }
0x8e: {  	s25 =	simm.s32 @!p3 $0x0;
	s26 =	simm.s32 @!p3 $0x1  }
0x8f: {  	[tilespmem:s25], [sflag:$0x1] =	stream.linear.gather @!p3 [hbm4b:s3+s25], $0x850, $0x38;
	[tilespmem:$0xE00] =	vst v63  }
0x90: {  	_ =	swait.ge @!p3 [sflag:s26], $0x850  }
0x91: {  	s3 =	sld [smem:$0x7ED]  }
0x92: {  	[sflag:s26] =	ssyncset.done @!p3 $0x0  }
0x93: {  	s28 =	simm.s32 @!p3 $0x850;
	[sflag:s26] =	ssyncadd.s32 @!p3 $0xFFFFF7B0  }
0x94: {  	[tilespmem:s28], [sflag:$0x1] =	stream.linear.gather @!p3 [hbm4b:s3+s25], $0x578, $0x38;
	[tilespmem:$0xE00] =	vst v63  }
0x95: {  	_ =	swait.ge @!p3 [sflag:s26], $0x578  }
0x96: {  	s3 =	sld [smem:$0x7F9]  }
0x97: {  	[sflag:s26] =	ssyncset.done @!p3 $0x0  }
0x98: {  	[sflag:s26] =	ssyncadd.s32 @!p3 $0xFFFFFA88  }
0x99: {  	[hbm4b:s3+s25] =	stream.linear.scatter @!p3 [tilespmem:s25], [sflag:$0x1], $0xDC8, $0x38;
	[tilespmem:$0xE00] =	vst v63  }
0x9a: {  	_ =	swait.ge @!p3 [sflag:s26], $0xDC8  }
0x9b: {  	[sflag:s26] =	ssyncset.done @!p3 $0x0  }
0x9c: {  	[sflag:s26] =	ssyncadd.s32 @!p3 $0xFFFFF238  }
.LBB2_18:
0x9d: {  	s24 =	sadd.s32 $0xFFFFFFFF, s24  }
0x9e: {  	p3 =	sne.s32 s24, $0x0  }
.Ltmp1:
0x9f: {  	_ = 	snop;
	(pc) =	sbr.rel @!p3 .LBB2_19-.Ltmp1, $1  }
0xa0: {  	_ =	sdelay $0x3  }
.LBB2_1:
.Ltmp2:
0xa1: {  	(pc) =	sbr.rel @p4 .LBB2_9-.Ltmp2, $1  }
0xa2: {  	_ =	sdelay $0x3  }
0xa3: {  	s3 =	sld [smem:$0x7EF];
	_ =	sdelay $0x2  }
0xa4: {  	p3 =	seq.s32 s3, $0x1  }
.Ltmp3:
0xa5: {  	_ = 	snop;
	(pc) =	sbr.rel @p3 .LBB2_6-.Ltmp3, $1  }
0xa6: {  	_ =	sdelay $0x3  }
0xa7: {  	s3 =	sld [smem:$0x7F0];
	_ =	sdelay $0x2  }
0xa8: {  	p3 =	seq.s32 s3, $0x1  }
.Ltmp4:
0xa9: {  	_ = 	snop;
	(pc) =	sbr.rel @!p3 .LBB2_4-.Ltmp4, $1  }
0xaa: {  	_ =	sdelay $0x3  }
0xab: {  	s3 =	sld [smem:$0x7D6];
	_ =	sdelay $0x2  }
0xac: {  	p3 =	seq.s32 s3, $0x1;
	s3 =	sld [smem:$0x7E4];
	_ =	sdelay $0x1  }
0xad: {  	s25 =	simm.s32 @!p3 $0x0;
	s26 =	simm.s32 @!p3 $0x1  }
0xae: {  	[tilespmem:s25], [sflag:$0x1] =	stream.linear.gather @!p3 [hbm4b:s3+s25], $0x578, $0x38;
	[tilespmem:$0xE00] =	vst v63  }
0xaf: {  	_ =	swait.ge @!p3 [sflag:s26], $0x578  }
0xb0: {  	s3 =	sld [smem:$0x7E5]  }
0xb1: {  	[sflag:s26] =	ssyncset.done @!p3 $0x0  }
0xb2: {  	s28 =	simm.s32 @!p3 $0x578;
	[sflag:s26] =	ssyncadd.s32 @!p3 $0xFFFFFA88  }
0xb3: {  	[tilespmem:s28], [sflag:$0x1] =	stream.linear.gather @!p3 [hbm4b:s3+s25], $0x818, $0x38;
	[tilespmem:$0xE00] =	vst v63  }
0xb4: {  	_ =	swait.ge @!p3 [sflag:s26], $0x818  }
0xb5: {  	[sflag:s26] =	ssyncset.done @!p3 $0x0  }
0xb6: {  	[sflag:s26] =	ssyncadd.s32 @!p3 $0xFFFFF7E8  }
0xb7: {  	[hbm4b:s5+s25] =	stream.linear.scatter @!p3 [tilespmem:s25], [sflag:$0x1], $0xD90, $0x38;
	[tilespmem:$0xE00] =	vst v63  }
0xb8: {  	_ =	swait.ge @!p3 [sflag:s26], $0xD90  }
0xb9: {  	s25 =	sld [smem:$0x7D7];
	_ =	sdelay $0x1  }
0xba: {  	[sflag:s26] =	ssyncset.done @!p3 $0x0;
	s3 =	sld [smem:$0x7E3]  }
0xbb: {  	[sflag:s26] =	ssyncadd.s32 @!p3 $0xFFFFF270;
	p3 =	seq.s32 s25, $0x1  }
0xbc: {  	s25 =	simm.s32 @!p3 $0x0;
	s26 =	simm.s32 @!p3 $0x1  }
0xbd: {  	[tilespmem:s25], [sflag:$0x1] =	stream.linear.gather @!p3 [hbm4b:s3+s25], $0xDC8, $0x38;
	[tilespmem:$0xE00] =	vst v63  }
0xbe: {  	_ =	swait.ge @!p3 [sflag:s26], $0xDC8  }
0xbf: {  	[sflag:s26] =	ssyncset.done @!p3 $0x0  }
0xc0: {  	[sflag:s26] =	ssyncadd.s32 @!p3 $0xFFFFF238  }
0xc1: {  	[hbm4b:s6+s25] =	stream.linear.scatter @!p3 [tilespmem:s25], [sflag:$0x1], $0xDC8, $0x38;
	[tilespmem:$0xE00] =	vst v63  }
0xc2: {  	_ =	swait.ge @!p3 [sflag:s26], $0xDC8  }
0xc3: {  	[sflag:s26] =	ssyncset.done @!p3 $0x0  }
0xc4: {  	[sflag:s26] =	ssyncadd.s32 @!p3 $0xFFFFF238;
	s26 =	sld [smem:$0x7D8];
	_ =	sdelay $0x1  }
0xc5: {  	s3 =	sld [smem:$0x7E7]  }
0xc6: {  	p3 =	seq.s32 s26, $0x1  }
0xc7: {  	s25 =	simm.s32 @!p3 $0x0;
	s26 =	simm.s32 @!p3 $0x1  }
0xc8: {  	[tilespmem:s25], [sflag:$0x1] =	stream.linear.gather @!p3 [hbm4b:s3+s25], $0xAF0, $0x38;
	[tilespmem:$0xE00] =	vst v63  }
0xc9: {  	_ =	swait.ge @!p3 [sflag:s26], $0xAF0  }
0xca: {  	s3 =	sld [smem:$0x7E8]  }
0xcb: {  	[sflag:s26] =	ssyncset.done @!p3 $0x0  }
0xcc: {  	s28 =	simm.s32 @!p3 $0xAF0;
	[sflag:s26] =	ssyncadd.s32 @!p3 $0xFFFFF510  }
0xcd: {  	[tilespmem:s28], [sflag:$0x1] =	stream.linear.gather @!p3 [hbm4b:s3+s25], $0x2A0, $0x38;
	[tilespmem:$0xE00] =	vst v63  }
0xce: {  	_ =	swait.ge @!p3 [sflag:s26], $0x2A0  }
0xcf: {  	s3 =	sld [smem:$0x7FC]  }
0xd0: {  	[sflag:s26] =	ssyncset.done @!p3 $0x0  }
0xd1: {  	[sflag:s26] =	ssyncadd.s32 @!p3 $0xFFFFFD60  }
0xd2: {  	[hbm4b:s3+s25] =	stream.linear.scatter @!p3 [tilespmem:s25], [sflag:$0x1], $0xD90, $0x38;
	[tilespmem:$0xE00] =	vst v63  }
0xd3: {  	_ =	swait.ge @!p3 [sflag:s26], $0xD90  }
0xd4: {  	s28 =	sld [smem:$0x7D9];
	_ =	sdelay $0x1  }
0xd5: {  	[sflag:s26] =	ssyncset.done @!p3 $0x0;
	s3 =	sld [smem:$0x7E6]  }
0xd6: {  	[sflag:s26] =	ssyncadd.s32 @!p3 $0xFFFFF270;
	p3 =	seq.s32 s28, $0x1  }
0xd7: {  	s25 =	simm.s32 @!p3 $0x0;
	s26 =	simm.s32 @!p3 $0x1  }
0xd8: {  	[tilespmem:s25], [sflag:$0x1] =	stream.linear.gather @!p3 [hbm4b:s3+s25], $0xDC8, $0x38;
	[tilespmem:$0xE00] =	vst v63  }
0xd9: {  	_ =	swait.ge @!p3 [sflag:s26], $0xDC8  }
0xda: {  	[sflag:s26] =	ssyncset.done @!p3 $0x0  }
.Ltmp5:
0xdb: {  	[sflag:s26] =	ssyncadd.s32 @!p3 $0xFFFFF238;
	(pc) =	sbr.rel .LBB2_18-.Ltmp5, $4  }
0xdc: {  	[hbm4b:s0+s25] =	stream.linear.scatter @!p3 [tilespmem:s25], [sflag:$0x1], $0xDC8, $0x38;
	[tilespmem:$0xE00] =	vst v63  }
0xdd: {  	_ =	swait.ge @!p3 [sflag:s26], $0xDC8  }
0xde: {  	[sflag:s26] =	ssyncset.done @!p3 $0x0  }
0xdf: {  	[sflag:s26] =	ssyncadd.s32 @!p3 $0xFFFFF238  }
.LBB2_9:
0xe0: {  	p3 =	sgt.s32 s1, $0x17  }
.Ltmp6:
0xe1: {  	_ = 	snop;
	(pc) =	sbr.rel @p3 .LBB2_13-.Ltmp6, $1  }
0xe2: {  	_ =	sdelay $0x3  }
0xe3: {  	p3 =	sgt.s32 s1, $0x13  }
.Ltmp7:
0xe4: {  	_ = 	snop;
	(pc) =	sbr.rel @p3 .LBB2_12-.Ltmp7, $1  }
0xe5: {  	_ =	sdelay $0x3  }
0xe6: {  	p3 =	sgt.s32 s1, $0x11  }
0xe7: {  	p4 =	seq.s32 @p3 s1, $0x12  }
0xe8: {  	p6 =	por !p4, !p3  }
0xe9: {  	s3 =	rddreg [dreg:$0x14];
	s25 =	simm.s32 @!p6 $0x0;
	s26 =	simm.s32 @!p6 $0x1  }
0xea: {  	[tilespmem:s25], [sflag:$0x1] =	stream.linear.gather @!p6 [hbm4b:s3+s25], $0xD90, $0x38;
	[tilespmem:$0xE00] =	vst v63  }
0xeb: {  	_ =	swait.ge @!p6 [sflag:s26], $0xD90  }
0xec: {  	[sflag:s26] =	ssyncset.done @!p6 $0x0  }
0xed: {  	[sflag:s26] =	ssyncadd.s32 @!p6 $0xFFFFF270  }
0xee: {  	[hbm4b:s16+s25] =	stream.linear.scatter @!p6 [tilespmem:s25], [sflag:$0x1], $0xD90, $0x38;
	[tilespmem:$0xE00] =	vst v63  }
0xef: {  	p4 =	por p4, !p3;
	_ =	swait.ge @!p6 [sflag:s26], $0xD90  }
0xf0: {  	s25 =	simm.s32 @!p4 $0x0;
	[sflag:s26] =	ssyncset.done @!p6 $0x0  }
0xf1: {  	s3 =	rddreg [dreg:$0x12];
	[sflag:s26] =	ssyncadd.s32 @!p6 $0xFFFFF270;
	s26 =	simm.s32 @!p4 $0x1  }
0xf2: {  	[tilespmem:s25], [sflag:$0x1] =	stream.linear.gather @!p4 [hbm4b:s3+s25], $0x2D8, $0x38;
	[tilespmem:$0xE00] =	vst v63  }
0xf3: {  	_ =	swait.ge @!p4 [sflag:s26], $0x2D8  }
0xf4: {  	[sflag:s26] =	ssyncset.done @!p4 $0x0  }
0xf5: {  	s28 =	simm.s32 @!p4 $0x2D8;
	s3 =	rddreg [dreg:$0x13];
	[sflag:s26] =	ssyncadd.s32 @!p4 $0xFFFFFD28  }
0xf6: {  	[tilespmem:s28], [sflag:$0x1] =	stream.linear.gather @!p4 [hbm4b:s3+s25], $0xAF0, $0x38;
	[tilespmem:$0xE00] =	vst v63  }
0xf7: {  	_ =	swait.ge @!p4 [sflag:s26], $0xAF0  }
0xf8: {  	[sflag:s26] =	ssyncset.done @!p4 $0x0  }
0xf9: {  	p6 =	seq.s32 @!p3 s1, $0x10;
	[sflag:s26] =	ssyncadd.s32 @!p4 $0xFFFFF510  }
0xfa: {  	[hbm4b:s17+s25] =	stream.linear.scatter @!p4 [tilespmem:s25], [sflag:$0x1], $0xDC8, $0x38;
	[tilespmem:$0xE00] =	vst v63  }
0xfb: {  	p5 =	por !p6, p3;
	_ =	swait.ge @!p4 [sflag:s26], $0xDC8  }
0xfc: {  	s25 =	simm.s32 @!p5 $0x0;
	[sflag:s26] =	ssyncset.done @!p4 $0x0  }
0xfd: {  	s3 =	rddreg [dreg:$0x17];
	[sflag:s26] =	ssyncadd.s32 @!p4 $0xFFFFF238;
	s26 =	simm.s32 @!p5 $0x1  }
0xfe: {  	[tilespmem:s25], [sflag:$0x1] =	stream.linear.gather @!p5 [hbm4b:s3+s25], $0xD90, $0x38;
	[tilespmem:$0xE00] =	vst v63  }
0xff: {  	_ =	swait.ge @!p5 [sflag:s26], $0xD90  }
0x100: {  	[sflag:s26] =	ssyncset.done @!p5 $0x0  }
0x101: {  	[sflag:s26] =	ssyncadd.s32 @!p5 $0xFFFFF270  }
0x102: {  	[hbm4b:s14+s25] =	stream.linear.scatter @!p5 [tilespmem:s25], [sflag:$0x1], $0xD90, $0x38;
	[tilespmem:$0xE00] =	vst v63  }
0x103: {  	p3 =	por p6, p3;
	_ =	swait.ge @!p5 [sflag:s26], $0xD90  }
0x104: {  	s25 =	simm.s32 @!p3 $0x0;
	[sflag:s26] =	ssyncset.done @!p5 $0x0  }
0x105: {  	s3 =	rddreg [dreg:$0x15];
	[sflag:s26] =	ssyncadd.s32 @!p5 $0xFFFFF270;
	s26 =	simm.s32 @!p3 $0x1  }
0x106: {  	[tilespmem:s25], [sflag:$0x1] =	stream.linear.gather @!p3 [hbm4b:s3+s25], $0x850, $0x38;
	[tilespmem:$0xE00] =	vst v63  }
0x107: {  	_ =	swait.ge @!p3 [sflag:s26], $0x850  }
0x108: {  	[sflag:s26] =	ssyncset.done @!p3 $0x0  }
0x109: {  	s28 =	simm.s32 @!p3 $0x850;
	s3 =	rddreg [dreg:$0x16];
	[sflag:s26] =	ssyncadd.s32 @!p3 $0xFFFFF7B0  }
0x10a: {  	[tilespmem:s28], [sflag:$0x1] =	stream.linear.gather @!p3 [hbm4b:s3+s25], $0x578, $0x38;
	[tilespmem:$0xE00] =	vst v63  }
0x10b: {  	_ =	swait.ge @!p3 [sflag:s26], $0x578  }
0x10c: {  	[sflag:s26] =	ssyncset.done @!p3 $0x0  }
0x10d: {  	[sflag:s26] =	ssyncadd.s32 @!p3 $0xFFFFFA88  }
0x10e: {  	[hbm4b:s15+s25] =	stream.linear.scatter @!p3 [tilespmem:s25], [sflag:$0x1], $0xDC8, $0x38;
	[tilespmem:$0xE00] =	vst v63  }
.Ltmp8:
0x10f: {  	_ =	swait.ge @!p3 [sflag:s26], $0xDC8;
	(pc) =	sbr.rel .LBB2_18-.Ltmp8, $3  }
0x110: {  	s28 =	sld [smem:$0x7FD];
	_ =	sdelay $0x1  }
0x111: {  	[sflag:s26] =	ssyncset.done @!p3 $0x0  }
0x112: {  	[sflag:s26] =	ssyncadd.s32 @!p3 $0xFFFFF238;
	p4 =	seq.s32 s28, $0x1  }
.LBB2_6:
0x113: {  	s3 =	sld [smem:$0x7F1];
	_ =	sdelay $0x2  }
0x114: {  	p3 =	seq.s32 s3, $0x1  }
.Ltmp9:
0x115: {  	_ = 	snop;
	(pc) =	sbr.rel @p3 .LBB2_8-.Ltmp9, $1  }
0x116: {  	_ =	sdelay $0x3  }
0x117: {  	s3 =	sld [smem:$0x7DA];
	_ =	sdelay $0x2  }
0x118: {  	p3 =	seq.s32 s3, $0x1;
	s3 =	sld [smem:$0x7DF];
	_ =	sdelay $0x1  }
0x119: {  	s25 =	simm.s32 @!p3 $0x0;
	s26 =	simm.s32 @!p3 $0x1  }
0x11a: {  	[tilespmem:s25], [sflag:$0x1] =	stream.linear.gather @!p3 [hbm4b:s3+s25], $0xD90, $0x38;
	[tilespmem:$0xE00] =	vst v63  }
0x11b: {  	_ =	swait.ge @!p3 [sflag:s26], $0xD90  }
0x11c: {  	[sflag:s26] =	ssyncset.done @!p3 $0x0  }
0x11d: {  	[sflag:s26] =	ssyncadd.s32 @!p3 $0xFFFFF270  }
0x11e: {  	[hbm4b:s9+s25] =	stream.linear.scatter @!p3 [tilespmem:s25], [sflag:$0x1], $0xD90, $0x38;
	[tilespmem:$0xE00] =	vst v63  }
0x11f: {  	_ =	swait.ge @!p3 [sflag:s26], $0xD90  }
0x120: {  	[sflag:s26] =	ssyncset.done @!p3 $0x0  }
0x121: {  	[sflag:s26] =	ssyncadd.s32 @!p3 $0xFFFFF270;
	s26 =	sld [smem:$0x7DB];
	_ =	sdelay $0x2  }
0x122: {  	p3 =	seq.s32 s26, $0x1  }
0x123: {  	s3 =	rddreg [dreg:$0x1e];
	s25 =	simm.s32 @!p3 $0x0;
	s26 =	simm.s32 @!p3 $0x1  }
0x124: {  	[tilespmem:s25], [sflag:$0x1] =	stream.linear.gather @!p3 [hbm4b:s3+s25], $0x2D8, $0x38;
	[tilespmem:$0xE00] =	vst v63  }
0x125: {  	_ =	swait.ge @!p3 [sflag:s26], $0x2D8  }
0x126: {  	[sflag:s26] =	ssyncset.done @!p3 $0x0  }
0x127: {  	s28 =	simm.s32 @!p3 $0x2D8;
	s3 =	rddreg [dreg:$0x1f];
	[sflag:s26] =	ssyncadd.s32 @!p3 $0xFFFFFD28  }
0x128: {  	[tilespmem:s28], [sflag:$0x1] =	stream.linear.gather @!p3 [hbm4b:s3+s25], $0xAF0, $0x38;
	[tilespmem:$0xE00] =	vst v63  }
0x129: {  	_ =	swait.ge @!p3 [sflag:s26], $0xAF0  }
0x12a: {  	[sflag:s26] =	ssyncset.done @!p3 $0x0  }
0x12b: {  	[sflag:s26] =	ssyncadd.s32 @!p3 $0xFFFFF510  }
0x12c: {  	[hbm4b:s10+s25] =	stream.linear.scatter @!p3 [tilespmem:s25], [sflag:$0x1], $0xDC8, $0x38;
	[tilespmem:$0xE00] =	vst v63  }
0x12d: {  	_ =	swait.ge @!p3 [sflag:s26], $0xDC8  }
0x12e: {  	s28 =	sld [smem:$0x7DC];
	_ =	sdelay $0x1  }
0x12f: {  	[sflag:s26] =	ssyncset.done @!p3 $0x0;
	s3 =	sld [smem:$0x7E2]  }
0x130: {  	[sflag:s26] =	ssyncadd.s32 @!p3 $0xFFFFF238;
	p3 =	seq.s32 s28, $0x1  }
0x131: {  	s25 =	simm.s32 @!p3 $0x0;
	s26 =	simm.s32 @!p3 $0x1  }
0x132: {  	[tilespmem:s25], [sflag:$0x1] =	stream.linear.gather @!p3 [hbm4b:s3+s25], $0xD90, $0x38;
	[tilespmem:$0xE00] =	vst v63  }
0x133: {  	_ =	swait.ge @!p3 [sflag:s26], $0xD90  }
0x134: {  	[sflag:s26] =	ssyncset.done @!p3 $0x0  }
0x135: {  	[sflag:s26] =	ssyncadd.s32 @!p3 $0xFFFFF270  }
0x136: {  	[hbm4b:s7+s25] =	stream.linear.scatter @!p3 [tilespmem:s25], [sflag:$0x1], $0xD90, $0x38;
	[tilespmem:$0xE00] =	vst v63  }
0x137: {  	_ =	swait.ge @!p3 [sflag:s26], $0xD90  }
0x138: {  	s3 =	sld [smem:$0x7E0]  }
0x139: {  	[sflag:s26] =	ssyncset.done @!p3 $0x0  }
0x13a: {  	s25 =	simm.s32 @!p2 $0x0;
	[sflag:s26] =	ssyncadd.s32 @!p3 $0xFFFFF270;
	s26 =	simm.s32 @!p2 $0x1  }
0x13b: {  	[tilespmem:s25], [sflag:$0x1] =	stream.linear.gather @!p2 [hbm4b:s3+s25], $0x850, $0x38;
	[tilespmem:$0xE00] =	vst v63  }
0x13c: {  	_ =	swait.ge @!p2 [sflag:s26], $0x850  }
0x13d: {  	s3 =	sld [smem:$0x7E1]  }
0x13e: {  	[sflag:s26] =	ssyncset.done @!p2 $0x0  }
0x13f: {  	s28 =	simm.s32 @!p2 $0x850;
	[sflag:s26] =	ssyncadd.s32 @!p2 $0xFFFFF7B0  }
0x140: {  	[tilespmem:s28], [sflag:$0x1] =	stream.linear.gather @!p2 [hbm4b:s3+s25], $0x578, $0x38;
	[tilespmem:$0xE00] =	vst v63  }
0x141: {  	_ =	swait.ge @!p2 [sflag:s26], $0x578  }
0x142: {  	[sflag:s26] =	ssyncset.done @!p2 $0x0  }
.Ltmp10:
0x143: {  	[sflag:s26] =	ssyncadd.s32 @!p2 $0xFFFFFA88;
	(pc) =	sbr.rel .LBB2_18-.Ltmp10, $4  }
0x144: {  	[hbm4b:s8+s25] =	stream.linear.scatter @!p2 [tilespmem:s25], [sflag:$0x1], $0xDC8, $0x38;
	[tilespmem:$0xE00] =	vst v63  }
0x145: {  	_ =	swait.ge @!p2 [sflag:s26], $0xDC8  }
0x146: {  	[sflag:s26] =	ssyncset.done @!p2 $0x0  }
0x147: {  	[sflag:s26] =	ssyncadd.s32 @!p2 $0xFFFFF238  }
.LBB2_13:
0x148: {  	p3 =	sgt.s32 s1, $0x1B  }
.Ltmp11:
0x149: {  	_ = 	snop;
	(pc) =	sbr.rel @p3 .LBB2_15-.Ltmp11, $1  }
0x14a: {  	_ =	sdelay $0x3  }
0x14b: {  	p3 =	sgt.s32 s1, $0x19  }
0x14c: {  	p4 =	seq.s32 @p3 s1, $0x1A  }
0x14d: {  	p5 =	por !p4, !p3  }
0x14e: {  	s25 =	simm.s32 @!p5 $0x0;
	s26 =	simm.s32 @!p5 $0x1  }
0x14f: {  	[tilespmem:s25], [sflag:$0x1] =	stream.linear.gather @!p5 [hbm4b:s31+s25], $0xD90, $0x38;
	[tilespmem:$0xE00] =	vst v63  }
0x150: {  	_ =	swait.ge @!p5 [sflag:s26], $0xD90  }
0x151: {  	s3 =	sld [smem:$0x7F7]  }
0x152: {  	[sflag:s26] =	ssyncset.done @!p5 $0x0  }
0x153: {  	[sflag:s26] =	ssyncadd.s32 @!p5 $0xFFFFF270  }
0x154: {  	[hbm4b:s3+s25] =	stream.linear.scatter @!p5 [tilespmem:s25], [sflag:$0x1], $0xD90, $0x38;
	[tilespmem:$0xE00] =	vst v63  }
0x155: {  	_ =	swait.ge @!p5 [sflag:s26], $0xD90  }
0x156: {  	p4 =	por p4, !p3;
	[sflag:s26] =	ssyncset.done @!p5 $0x0  }
0x157: {  	s25 =	simm.s32 @!p4 $0x0;
	[sflag:s26] =	ssyncadd.s32 @!p5 $0xFFFFF270;
	s26 =	simm.s32 @!p4 $0x1  }
0x158: {  	[tilespmem:s25], [sflag:$0x1] =	stream.linear.gather @!p4 [hbm4b:s29+s25], $0x2D8, $0x38;
	[tilespmem:$0xE00] =	vst v63  }
0x159: {  	_ =	swait.ge @!p4 [sflag:s26], $0x2D8  }
0x15a: {  	[sflag:s26] =	ssyncset.done @!p4 $0x0  }
0x15b: {  	s28 =	simm.s32 @!p4 $0x2D8;
	[sflag:s26] =	ssyncadd.s32 @!p4 $0xFFFFFD28  }
0x15c: {  	[tilespmem:s28], [sflag:$0x1] =	stream.linear.gather @!p4 [hbm4b:s30+s25], $0xAF0, $0x38;
	[tilespmem:$0xE00] =	vst v63  }
0x15d: {  	_ =	swait.ge @!p4 [sflag:s26], $0xAF0  }
0x15e: {  	s3 =	sld [smem:$0x7F6]  }
0x15f: {  	[sflag:s26] =	ssyncset.done @!p4 $0x0  }
0x160: {  	p5 =	seq.s32 @!p3 s1, $0x18;
	[sflag:s26] =	ssyncadd.s32 @!p4 $0xFFFFF510  }
0x161: {  	[hbm4b:s3+s25] =	stream.linear.scatter @!p4 [tilespmem:s25], [sflag:$0x1], $0xDC8, $0x38;
	[tilespmem:$0xE00] =	vst v63  }
0x162: {  	p6 =	por !p5, p3;
	_ =	swait.ge @!p4 [sflag:s26], $0xDC8  }
0x163: {  	s25 =	simm.s32 @!p6 $0x0;
	[sflag:s26] =	ssyncset.done @!p4 $0x0  }
0x164: {  	s3 =	rddreg [dreg:$0xb];
	[sflag:s26] =	ssyncadd.s32 @!p4 $0xFFFFF238;
	s26 =	simm.s32 @!p6 $0x1  }
0x165: {  	[tilespmem:s25], [sflag:$0x1] =	stream.linear.gather @!p6 [hbm4b:s3+s25], $0xD90, $0x38;
	[tilespmem:$0xE00] =	vst v63  }
0x166: {  	s28 =	sld [smem:$0x7FD];
	_ =	swait.ge @!p6 [sflag:s26], $0xD90  }
0x167: {  	[sflag:s26] =	ssyncset.done @!p6 $0x0  }
0x168: {  	[sflag:s26] =	ssyncadd.s32 @!p6 $0xFFFFF270  }
0x169: {  	[hbm4b:s22+s25] =	stream.linear.scatter @!p6 [tilespmem:s25], [sflag:$0x1], $0xD90, $0x38;
	[tilespmem:$0xE00] =	vst v63  }
0x16a: {  	p3 =	por p5, p3;
	_ =	swait.ge @!p6 [sflag:s26], $0xD90  }
0x16b: {  	s25 =	simm.s32 @!p3 $0x0;
	[sflag:s26] =	ssyncset.done @!p6 $0x0  }
0x16c: {  	s3 =	rddreg [dreg:$0x9];
	[sflag:s26] =	ssyncadd.s32 @!p6 $0xFFFFF270;
	s26 =	simm.s32 @!p3 $0x1  }
0x16d: {  	[tilespmem:s25], [sflag:$0x1] =	stream.linear.gather @!p3 [hbm4b:s3+s25], $0x850, $0x38;
	[tilespmem:$0xE00] =	vst v63  }
0x16e: {  	_ =	swait.ge @!p3 [sflag:s26], $0x850  }
0x16f: {  	p4 =	seq.s32 s28, $0x1;
	[sflag:s26] =	ssyncset.done @!p3 $0x0  }
0x170: {  	s28 =	simm.s32 @!p3 $0x850;
	s3 =	rddreg [dreg:$0xa];
	[sflag:s26] =	ssyncadd.s32 @!p3 $0xFFFFF7B0  }
0x171: {  	[tilespmem:s28], [sflag:$0x1] =	stream.linear.gather @!p3 [hbm4b:s3+s25], $0x578, $0x38;
	[tilespmem:$0xE00] =	vst v63  }
0x172: {  	_ =	swait.ge @!p3 [sflag:s26], $0x578  }
0x173: {  	s3 =	sld [smem:$0x7F8]  }
0x174: {  	[sflag:s26] =	ssyncset.done @!p3 $0x0  }
.Ltmp12:
0x175: {  	[sflag:s26] =	ssyncadd.s32 @!p3 $0xFFFFFA88;
	(pc) =	sbr.rel .LBB2_18-.Ltmp12, $4  }
0x176: {  	[hbm4b:s3+s25] =	stream.linear.scatter @!p3 [tilespmem:s25], [sflag:$0x1], $0xDC8, $0x38;
	[tilespmem:$0xE00] =	vst v63  }
0x177: {  	_ =	swait.ge @!p3 [sflag:s26], $0xDC8  }
0x178: {  	[sflag:s26] =	ssyncset.done @!p3 $0x0  }
0x179: {  	[sflag:s26] =	ssyncadd.s32 @!p3 $0xFFFFF238  }
.LBB2_12:
0x17a: {  	p3 =	sgt.s32 s1, $0x15  }
0x17b: {  	p4 =	seq.s32 @p3 s1, $0x16  }
0x17c: {  	p6 =	por !p4, !p3  }
0x17d: {  	s3 =	rddreg [dreg:$0xd];
	s25 =	simm.s32 @!p6 $0x0;
	s26 =	simm.s32 @!p6 $0x1  }
0x17e: {  	[tilespmem:s25], [sflag:$0x1] =	stream.linear.gather @!p6 [hbm4b:s3+s25], $0x578, $0x38;
	[tilespmem:$0xE00] =	vst v63  }
0x17f: {  	_ =	swait.ge @!p6 [sflag:s26], $0x578  }
0x180: {  	[sflag:s26] =	ssyncset.done @!p6 $0x0  }
0x181: {  	s28 =	simm.s32 @!p6 $0x578;
	s3 =	rddreg [dreg:$0xe];
	[sflag:s26] =	ssyncadd.s32 @!p6 $0xFFFFFA88  }
0x182: {  	[tilespmem:s28], [sflag:$0x1] =	stream.linear.gather @!p6 [hbm4b:s3+s25], $0x818, $0x38;
	[tilespmem:$0xE00] =	vst v63  }
0x183: {  	_ =	swait.ge @!p6 [sflag:s26], $0x818  }
0x184: {  	[sflag:s26] =	ssyncset.done @!p6 $0x0  }
0x185: {  	[sflag:s26] =	ssyncadd.s32 @!p6 $0xFFFFF7E8  }
0x186: {  	[hbm4b:s20+s25] =	stream.linear.scatter @!p6 [tilespmem:s25], [sflag:$0x1], $0xD90, $0x38;
	[tilespmem:$0xE00] =	vst v63  }
0x187: {  	p5 =	por p4, !p3;
	_ =	swait.ge @!p6 [sflag:s26], $0xD90  }
0x188: {  	s25 =	simm.s32 @!p5 $0x0;
	[sflag:s26] =	ssyncset.done @!p6 $0x0  }
0x189: {  	s3 =	rddreg [dreg:$0xc];
	[sflag:s26] =	ssyncadd.s32 @!p6 $0xFFFFF270;
	s26 =	simm.s32 @!p5 $0x1  }
0x18a: {  	[tilespmem:s25], [sflag:$0x1] =	stream.linear.gather @!p5 [hbm4b:s3+s25], $0xDC8, $0x38;
	[tilespmem:$0xE00] =	vst v63  }
0x18b: {  	_ =	swait.ge @!p5 [sflag:s26], $0xDC8  }
0x18c: {  	[sflag:s26] =	ssyncset.done @!p5 $0x0  }
0x18d: {  	p4 =	seq.s32 @!p3 s1, $0x14;
	[sflag:s26] =	ssyncadd.s32 @!p5 $0xFFFFF238  }
0x18e: {  	[hbm4b:s21+s25] =	stream.linear.scatter @!p5 [tilespmem:s25], [sflag:$0x1], $0xDC8, $0x38;
	[tilespmem:$0xE00] =	vst v63  }
0x18f: {  	p6 =	por !p4, p3;
	_ =	swait.ge @!p5 [sflag:s26], $0xDC8  }
0x190: {  	s25 =	simm.s32 @!p6 $0x0;
	[sflag:s26] =	ssyncset.done @!p5 $0x0  }
0x191: {  	s3 =	rddreg [dreg:$0x10];
	[sflag:s26] =	ssyncadd.s32 @!p5 $0xFFFFF238;
	s26 =	simm.s32 @!p6 $0x1  }
0x192: {  	[tilespmem:s25], [sflag:$0x1] =	stream.linear.gather @!p6 [hbm4b:s3+s25], $0xAF0, $0x38;
	[tilespmem:$0xE00] =	vst v63  }
0x193: {  	_ =	swait.ge @!p6 [sflag:s26], $0xAF0  }
0x194: {  	[sflag:s26] =	ssyncset.done @!p6 $0x0  }
0x195: {  	s28 =	simm.s32 @!p6 $0xAF0;
	s3 =	rddreg [dreg:$0x11];
	[sflag:s26] =	ssyncadd.s32 @!p6 $0xFFFFF510  }
0x196: {  	[tilespmem:s28], [sflag:$0x1] =	stream.linear.gather @!p6 [hbm4b:s3+s25], $0x2A0, $0x38;
	[tilespmem:$0xE00] =	vst v63  }
0x197: {  	_ =	swait.ge @!p6 [sflag:s26], $0x2A0  }
0x198: {  	[sflag:s26] =	ssyncset.done @!p6 $0x0  }
0x199: {  	[sflag:s26] =	ssyncadd.s32 @!p6 $0xFFFFFD60  }
0x19a: {  	[hbm4b:s18+s25] =	stream.linear.scatter @!p6 [tilespmem:s25], [sflag:$0x1], $0xD90, $0x38;
	[tilespmem:$0xE00] =	vst v63  }
0x19b: {  	p3 =	por p4, p3;
	_ =	swait.ge @!p6 [sflag:s26], $0xD90  }
0x19c: {  	s25 =	simm.s32 @!p3 $0x0;
	[sflag:s26] =	ssyncset.done @!p6 $0x0  }
0x19d: {  	s3 =	rddreg [dreg:$0xf];
	[sflag:s26] =	ssyncadd.s32 @!p6 $0xFFFFF270;
	s26 =	simm.s32 @!p3 $0x1  }
0x19e: {  	[tilespmem:s25], [sflag:$0x1] =	stream.linear.gather @!p3 [hbm4b:s3+s25], $0xDC8, $0x38;
	[tilespmem:$0xE00] =	vst v63  }
0x19f: {  	_ =	swait.ge @!p3 [sflag:s26], $0xDC8  }
0x1a0: {  	[sflag:s26] =	ssyncset.done @!p3 $0x0  }
0x1a1: {  	[sflag:s26] =	ssyncadd.s32 @!p3 $0xFFFFF238  }
0x1a2: {  	[hbm4b:s19+s25] =	stream.linear.scatter @!p3 [tilespmem:s25], [sflag:$0x1], $0xDC8, $0x38;
	[tilespmem:$0xE00] =	vst v63  }
.Ltmp13:
0x1a3: {  	_ =	swait.ge @!p3 [sflag:s26], $0xDC8;
	(pc) =	sbr.rel .LBB2_18-.Ltmp13, $3  }
0x1a4: {  	s28 =	sld [smem:$0x7FD];
	_ =	sdelay $0x1  }
0x1a5: {  	[sflag:s26] =	ssyncset.done @!p3 $0x0  }
0x1a6: {  	[sflag:s26] =	ssyncadd.s32 @!p3 $0xFFFFF238;
	p4 =	seq.s32 s28, $0x1  }
.LBB2_8:
0x1a7: {  	s25 =	simm.s32 @!p0 $0x0;
	s3 =	rddreg [dreg:$0x19];
	s26 =	simm.s32 @!p0 $0x1  }
0x1a8: {  	[tilespmem:s25], [sflag:$0x1] =	stream.linear.gather @!p0 [hbm4b:s3+s25], $0x578, $0x38;
	[tilespmem:$0xE00] =	vst v63  }
0x1a9: {  	_ =	swait.ge @!p0 [sflag:s26], $0x578  }
0x1aa: {  	[sflag:s26] =	ssyncset.done @!p0 $0x0  }
0x1ab: {  	s28 =	simm.s32 @!p0 $0x578;
	s3 =	rddreg [dreg:$0x1a];
	[sflag:s26] =	ssyncadd.s32 @!p0 $0xFFFFFA88  }
0x1ac: {  	[tilespmem:s28], [sflag:$0x1] =	stream.linear.gather @!p0 [hbm4b:s3+s25], $0x818, $0x38;
	[tilespmem:$0xE00] =	vst v63  }
0x1ad: {  	_ =	swait.ge @!p0 [sflag:s26], $0x818  }
0x1ae: {  	[sflag:s26] =	ssyncset.done @!p0 $0x0  }
0x1af: {  	[sflag:s26] =	ssyncadd.s32 @!p0 $0xFFFFF7E8  }
0x1b0: {  	[hbm4b:s12+s25] =	stream.linear.scatter @!p0 [tilespmem:s25], [sflag:$0x1], $0xD90, $0x38;
	[tilespmem:$0xE00] =	vst v63  }
0x1b1: {  	_ =	swait.ge @!p0 [sflag:s26], $0xD90  }
0x1b2: {  	[sflag:s26] =	ssyncset.done @!p0 $0x0  }
0x1b3: {  	[sflag:s26] =	ssyncadd.s32 @!p0 $0xFFFFF270;
	s26 =	sld [smem:$0x7DD];
	_ =	sdelay $0x2  }
0x1b4: {  	p3 =	seq.s32 s26, $0x1  }
0x1b5: {  	s3 =	rddreg [dreg:$0x18];
	s25 =	simm.s32 @!p3 $0x0;
	s26 =	simm.s32 @!p3 $0x1  }
0x1b6: {  	[tilespmem:s25], [sflag:$0x1] =	stream.linear.gather @!p3 [hbm4b:s3+s25], $0xDC8, $0x38;
	[tilespmem:$0xE00] =	vst v63  }
0x1b7: {  	_ =	swait.ge @!p3 [sflag:s26], $0xDC8  }
0x1b8: {  	[sflag:s26] =	ssyncset.done @!p3 $0x0  }
0x1b9: {  	[sflag:s26] =	ssyncadd.s32 @!p3 $0xFFFFF238  }
0x1ba: {  	[hbm4b:s13+s25] =	stream.linear.scatter @!p3 [tilespmem:s25], [sflag:$0x1], $0xDC8, $0x38;
	[tilespmem:$0xE00] =	vst v63  }
0x1bb: {  	_ =	swait.ge @!p3 [sflag:s26], $0xDC8  }
0x1bc: {  	s25 =	simm.s32 @!p1 $0x0;
	[sflag:s26] =	ssyncset.done @!p3 $0x0  }
0x1bd: {  	s3 =	rddreg [dreg:$0x1c];
	[sflag:s26] =	ssyncadd.s32 @!p3 $0xFFFFF238;
	s26 =	simm.s32 @!p1 $0x1  }
0x1be: {  	[tilespmem:s25], [sflag:$0x1] =	stream.linear.gather @!p1 [hbm4b:s3+s25], $0xAF0, $0x38;
	[tilespmem:$0xE00] =	vst v63  }
0x1bf: {  	_ =	swait.ge @!p1 [sflag:s26], $0xAF0  }
0x1c0: {  	[sflag:s26] =	ssyncset.done @!p1 $0x0  }
0x1c1: {  	s28 =	simm.s32 @!p1 $0xAF0;
	s3 =	rddreg [dreg:$0x1d];
	[sflag:s26] =	ssyncadd.s32 @!p1 $0xFFFFF510  }
0x1c2: {  	[tilespmem:s28], [sflag:$0x1] =	stream.linear.gather @!p1 [hbm4b:s3+s25], $0x2A0, $0x38;
	[tilespmem:$0xE00] =	vst v63  }
0x1c3: {  	_ =	swait.ge @!p1 [sflag:s26], $0x2A0  }
0x1c4: {  	[sflag:s26] =	ssyncset.done @!p1 $0x0  }
0x1c5: {  	[sflag:s26] =	ssyncadd.s32 @!p1 $0xFFFFFD60  }
0x1c6: {  	[hbm4b:s4+s25] =	stream.linear.scatter @!p1 [tilespmem:s25], [sflag:$0x1], $0xD90, $0x38;
	[tilespmem:$0xE00] =	vst v63  }
0x1c7: {  	_ =	swait.ge @!p1 [sflag:s26], $0xD90  }
0x1c8: {  	s28 =	sld [smem:$0x7DE];
	_ =	sdelay $0x2  }
0x1c9: {  	[sflag:s26] =	ssyncset.done @!p1 $0x0;
	s3 =	rddreg [dreg:$0x1b];
	p3 =	seq.s32 s28, $0x1  }
0x1ca: {  	[sflag:s26] =	ssyncadd.s32 @!p1 $0xFFFFF270;
	s25 =	simm.s32 @!p3 $0x0;
	s26 =	simm.s32 @!p3 $0x1  }
0x1cb: {  	[tilespmem:s25], [sflag:$0x1] =	stream.linear.gather @!p3 [hbm4b:s3+s25], $0xDC8, $0x38;
	[tilespmem:$0xE00] =	vst v63  }
0x1cc: {  	_ =	swait.ge @!p3 [sflag:s26], $0xDC8  }
0x1cd: {  	[sflag:s26] =	ssyncset.done @!p3 $0x0  }
.Ltmp14:
0x1ce: {  	[sflag:s26] =	ssyncadd.s32 @!p3 $0xFFFFF238;
	(pc) =	sbr.rel .LBB2_18-.Ltmp14, $4  }
0x1cf: {  	[hbm4b:s11+s25] =	stream.linear.scatter @!p3 [tilespmem:s25], [sflag:$0x1], $0xDC8, $0x38;
	[tilespmem:$0xE00] =	vst v63  }
0x1d0: {  	_ =	swait.ge @!p3 [sflag:s26], $0xDC8  }
0x1d1: {  	[sflag:s26] =	ssyncset.done @!p3 $0x0  }
0x1d2: {  	[sflag:s26] =	ssyncadd.s32 @!p3 $0xFFFFF238  }
.LBB2_15:
0x1d3: {  	p3 =	sgt.s32 s1, $0x1D  }
.Ltmp15:
0x1d4: {  	_ = 	snop;
	(pc) =	sbr.rel @p3 .LBB2_17-.Ltmp15, $1  }
0x1d5: {  	_ =	sdelay $0x3  }
0x1d6: {  	p3 =	seq.s32 s1, $0x1C  }
0x1d7: {  	s26 =	rddreg [dreg:$0x7];
	s25 =	simm.s32 @p3 $0x0  }
0x1d8: {  	[tilespmem:s25], [sflag:$0x1] =	stream.linear.gather @p3 [hbm4b:s26+s25], $0xAF0, $0x38;
	[tilespmem:$0xE00] =	vst v63  }
0x1d9: {  	s26 =	simm.s32 @p3 $0x1  }
0x1da: {  	s3 =	smov.u32 s31;
	_ =	swait.ge @p3 [sflag:s26], $0xAF0  }
0x1db: {  	s31 =	smov.u32 s30;
	s30 =	smov.u32 s29;
	[sflag:s26] =	ssyncset.done @p3 $0x0  }
0x1dc: {  	s28 =	simm.s32 @p3 $0xAF0;
	s29 =	rddreg [dreg:$0x8];
	[sflag:s26] =	ssyncadd.s32 @p3 $0xFFFFF510  }
0x1dd: {  	[tilespmem:s28], [sflag:$0x1] =	stream.linear.gather @p3 [hbm4b:s29+s25], $0x2A0, $0x38;
	[tilespmem:$0xE00] =	vst v63  }
0x1de: {  	s29 =	smov.u32 s30;
	_ =	swait.ge @p3 [sflag:s26], $0x2A0  }
0x1df: {  	s30 =	smov.u32 s31;
	s31 =	smov.u32 s3;
	s3 =	sld [smem:$0x7F5]  }
0x1e0: {  	[sflag:s26] =	ssyncset.done @p3 $0x0  }
0x1e1: {  	[sflag:s26] =	ssyncadd.s32 @p3 $0xFFFFFD60  }
0x1e2: {  	[hbm4b:s3+s25] =	stream.linear.scatter @p3 [tilespmem:s25], [sflag:$0x1], $0xD90, $0x38;
	[tilespmem:$0xE00] =	vst v63  }
0x1e3: {  	_ =	swait.ge @p3 [sflag:s26], $0xD90  }
0x1e4: {  	[sflag:s26] =	ssyncset.done @p3 $0x0  }
0x1e5: {  	s25 =	simm.s32 @!p3 $0x0;
	[sflag:s26] =	ssyncadd.s32 @p3 $0xFFFFF270;
	s26 =	rddreg [dreg:$0x6]  }
0x1e6: {  	[tilespmem:s25], [sflag:$0x1] =	stream.linear.gather @!p3 [hbm4b:s26+s25], $0xDC8, $0x38;
	[tilespmem:$0xE00] =	vst v63  }
0x1e7: {  	s26 =	simm.s32 @!p3 $0x1  }
0x1e8: {  	_ =	swait.ge @!p3 [sflag:s26], $0xDC8  }
0x1e9: {  	s3 =	sld [smem:$0x7F4]  }
0x1ea: {  	[sflag:s26] =	ssyncset.done @!p3 $0x0  }
.Ltmp16:
0x1eb: {  	[sflag:s26] =	ssyncadd.s32 @!p3 $0xFFFFF238;
	(pc) =	sbr.rel .LBB2_18-.Ltmp16, $4  }
0x1ec: {  	[hbm4b:s3+s25] =	stream.linear.scatter @!p3 [tilespmem:s25], [sflag:$0x1], $0xDC8, $0x38;
	[tilespmem:$0xE00] =	vst v63  }
0x1ed: {  	_ =	swait.ge @!p3 [sflag:s26], $0xDC8  }
0x1ee: {  	[sflag:s26] =	ssyncset.done @!p3 $0x0  }
0x1ef: {  	[sflag:s26] =	ssyncadd.s32 @!p3 $0xFFFFF238  }
.LBB2_17:
0x1f0: {  	p3 =	seq.s32 s1, $0x1E  }
0x1f1: {  	s25 =	simm.s32 $0x0;
	s26 =	rddreg @!p3 [dreg:$0x3]  }
0x1f2: {  	[tilespmem:s25], [sflag:$0x1] =	stream.linear.gather @!p3 [hbm4b:s26+s25], $0xDC8, $0x38;
	[tilespmem:$0xE00] =	vst v63  }
0x1f3: {  	_ =	swait.ge @!p3 [sflag:s23], $0xDC8  }
0x1f4: {  	s3 =	sld @!p3 [smem:$0x7F2]  }
0x1f5: {  	[sflag:s23] =	ssyncset.done @!p3 $0x0  }
0x1f6: {  	[sflag:s23] =	ssyncadd.s32 @!p3 $0xFFFFF238  }
0x1f7: {  	[hbm4b:s3+s25] =	stream.linear.scatter @!p3 [tilespmem:s25], [sflag:$0x1], $0xDC8, $0x38;
	[tilespmem:$0xE00] =	vst v63  }
0x1f8: {  	_ =	swait.ge @!p3 [sflag:s23], $0xDC8  }
0x1f9: {  	[sflag:s23] =	ssyncset.done @!p3 $0x0  }
0x1fa: {  	s26 =	rddreg @p3 [dreg:$0x4];
	[sflag:s23] =	ssyncadd.s32 @!p3 $0xFFFFF238  }
0x1fb: {  	[tilespmem:s25], [sflag:$0x1] =	stream.linear.gather @p3 [hbm4b:s26+s25], $0x578, $0x38;
	[tilespmem:$0xE00] =	vst v63  }
0x1fc: {  	_ =	swait.ge @p3 [sflag:s23], $0x578  }
0x1fd: {  	[sflag:s23] =	ssyncset.done @p3 $0x0  }
0x1fe: {  	s3 =	simm.s32 @p3 $0x578;
	s26 =	rddreg @p3 [dreg:$0x5];
	[sflag:s23] =	ssyncadd.s32 @p3 $0xFFFFFA88  }
0x1ff: {  	[tilespmem:s3], [sflag:$0x1] =	stream.linear.gather @p3 [hbm4b:s26+s25], $0x818, $0x38;
	[tilespmem:$0xE00] =	vst v63  }
0x200: {  	_ =	swait.ge @p3 [sflag:s23], $0x818  }
0x201: {  	s3 =	sld @p3 [smem:$0x7F3]  }
0x202: {  	[sflag:s23] =	ssyncset.done @p3 $0x0  }
.Ltmp17:
0x203: {  	[sflag:s23] =	ssyncadd.s32 @p3 $0xFFFFF7E8;
	(pc) =	sbr.rel .LBB2_18-.Ltmp17, $4  }
0x204: {  	[hbm4b:s3+s25] =	stream.linear.scatter @p3 [tilespmem:s25], [sflag:$0x1], $0xD90, $0x38;
	[tilespmem:$0xE00] =	vst v63  }
0x205: {  	_ =	swait.ge @p3 [sflag:s23], $0xD90  }
0x206: {  	[sflag:s23] =	ssyncset.done @p3 $0x0  }
0x207: {  	[sflag:s23] =	ssyncadd.s32 @p3 $0xFFFFF270  }
.LBB2_19:
0x208: {  	_ =	sfence.sel $0x180000  }
0x209: {  	[bflag:$0x0] =	sbarrier.arrive $0xFFFF  }
0x20a: {  	_ =	strace $0x90000047  }
0x20b: {  	s0 =	stileid.u32;
	[bflag:$0x2] =	sbarrier.arrive $0xFFFF  }
0x20c: {  	p0 =	sne.s32 s0, $0x0;
	s0 =	rddreg [dreg:$0x2]  }
0x20d: {  	s0 =	sadd.s32 @!p0 $0x100000, s0  }
0x20e: {  	[sflag:s0] =	ssyncadd.tile.s32 @!p0 $0x1;
	_ =	shalt  }
.Lfunc_end2:
_tile_overlayer_lowered:
.L_overlay_start_2:
0x20f: {  	(tag) =	ssettag $0x2  }
0x210: {  	s0 =	rddreg [dreg:$0x0];
	s2 =	stileid.u32  }
0x211: {  	s1 =	rddreg [dreg:$0x1];
	p0 =	sne.s32 s2, $0x0  }
0x212: {  	s3 =	rddreg [dreg:$0x2];
	[bflag:$0x3] =	sbarrier.arrive $0xFFFF;
	s2 =	simm.s32 @!p0 $0x1C01  }
0x213: {  	[timem:s3], [sflag:s2] =	dma.local @!p0 [hbm:s0], s1  }
0x214: {  	s0 =	simm.s32 @!p0 $0x1  }
0x215: {  	_ =	swait.ge @!p0 [sflag:s0], s1  }
0x216: {  	s1 =	ssub.s32 @!p0 $0x0, s1;
	[sflag:s0] =	ssyncset.done @!p0 $0x0  }
0x217: {  	[sflag:s0] =	ssyncadd.s32 @!p0 s1  }
0x218: {  	[bflag:$0x3] =	sbarrier.arrive $0xFFFF  }
0x219: {  	_ =	shalt  }

</sc_bundles>
